<compile_context>
chip_gen: v7x
topology: tpu7x:2x2x1
jax: 0.10.2.dev20260603
libtpu: 0.0.44.dev20260713+nightly
codegen_flags: <defaults>
</compile_context>

<pallas_src>
import jax
import jax.numpy as jnp
from jax import lax
from jax.experimental import pallas as pl
from jax.experimental.pallas import tpu as pltpu
from jax.experimental.pallas import tpu_sc as plsc

B, S, C, P = 16, 2048, 128, 256
TBLK = 64
NBLK = S // TBLK
L = 16


def _tc_kernel(vecs_ref, w_ref, eos_ref, b1_ref, wdec_ref,
               post_hbm, nt_hbm, logit_hbm,
               post_s, log_s, nt_s, nt_smem, sems):
    i = pl.program_id(0)
    d = jnp.dot(vecs_ref[...], w_ref[...], preferred_element_type=jnp.float32)
    d3 = d.reshape(B, TBLK, C)
    n2 = jnp.sum(d3 * d3, axis=-1)
    dt = jnp.sum(d3 * eos_ref[...][None], axis=-1)
    a = dt * jax.lax.rsqrt(n2)
    log_s[i] = jnp.where(a > 0, a, jnp.exp(a) - 1.0) + b1_ref[0, 0]
    r = jnp.dot(d3.reshape(B * TBLK, C), wdec_ref[...],
                preferred_element_type=jnp.float32)
    post_s[:, pl.ds(i * TBLK, TBLK), :] = r.reshape(B, TBLK, C)
    pltpu.make_async_copy(
        post_s.at[:, pl.ds(i * TBLK, TBLK), :],
        post_hbm.at[:, pl.ds(i * TBLK, TBLK), :],
        sems.at[i]).start()

    @pl.when(i == NBLK - 1)
    def _phase2():
        l = log_s[...]
        log_outs = []
        for b in range(B):
            cp = pltpu.make_async_copy(log_s.at[:, b, :], logit_hbm.at[b],
                                       sems.at[NBLK + 2])
            cp.start()
            log_outs.append(cp)
        rm = jnp.max(jnp.max(l, axis=2, keepdims=True), axis=0, keepdims=True)
        se = jnp.sum(jnp.sum(jnp.exp(l - rm), axis=2, keepdims=True),
                     axis=0, keepdims=True)
        valid = jnp.logical_and(se < 2.0, rm > 0.0)
        gi = (jax.lax.broadcasted_iota(jnp.int32, l.shape, 0) * TBLK +
              jax.lax.broadcasted_iota(jnp.int32, l.shape, 2))
        idx = jnp.min(jnp.min(jnp.where(l == rm, gi, S), axis=2, keepdims=True),
                      axis=0, keepdims=True)
        nt = jnp.where(valid, idx, S)
        ntc = nt.reshape(B, 1)
        nt_s[...] = ntc
        nt_out = pltpu.make_async_copy(nt_s, nt_hbm, sems.at[NBLK])
        nt_out.start()
        nt_to_smem = pltpu.make_async_copy(nt_s, nt_smem, sems.at[NBLK + 1])
        nt_to_smem.start()
        for j in range(NBLK):
            pltpu.make_async_copy(
                post_s.at[:, pl.ds(j * TBLK, TBLK), :],
                post_hbm.at[:, pl.ds(j * TBLK, TBLK), :],
                sems.at[j]).wait()
        nt_to_smem.wait()
        gi2 = jax.lax.broadcasted_iota(jnp.int32, (S, C), 0)
        for b in range(B):
            @pl.when(nt_smem[b, 0] < S - 1)
            def _fixup(b=b):
                ntb = ntc[b:b + 1, :]
                post_s[b] = jnp.where(gi2 > ntb, 0.0, post_s[b])
                cp = pltpu.make_async_copy(post_s.at[b], post_hbm.at[b],
                                           sems.at[NBLK + 1])
                cp.start()
                cp.wait()
        nt_out.wait()
        for cp in log_outs:
            cp.wait()


def _sc_kernel(logit_hbm, mask_hbm, eosp_hbm, lvm, mvm, evm):
    c = lax.axis_index("c")
    s = lax.axis_index("s")
    wid = c * 16 + s

    @pl.when(wid < B)
    def _row():
        pltpu.sync_copy(logit_hbm.at[wid], lvm)

        def _max_body(j, m):
            v = lvm[pl.ds(j * L, L)]
            return jnp.maximum(m, jnp.max(v))

        rm = lax.fori_loop(0, S // L, _max_body, jnp.float32(-jnp.inf),
                           unroll=4)

        def _se_idx_body(j, carry):
            se, idx = carry
            v = lvm[pl.ds(j * L, L)]
            se = se + jnp.sum(jnp.exp(v - rm))
            gvec = lax.iota(jnp.int32, L) + j * L
            cand = jnp.min(jnp.where(v == rm, gvec, S))
            return se, jnp.minimum(idx, cand)

        se, idx = lax.fori_loop(0, S // L, _se_idx_body,
                                (jnp.float32(0.0), jnp.int32(S)), unroll=4)
        valid = jnp.logical_and(se < 2.0, rm > 0.0)
        nt = jnp.where(valid, idx, S)

        def _gen_body(j, _):
            gvec = lax.iota(jnp.int32, L) + j * L
            mvm[pl.ds(j * L, L)] = (gvec > nt).astype(jnp.int32)
            evm[pl.ds(j * L, L)] = (gvec == nt).astype(jnp.int32)
            return 0

        lax.fori_loop(0, S // L, _gen_body, 0, unroll=4)
        pltpu.sync_copy(mvm, mask_hbm.at[wid])
        pltpu.sync_copy(evm, eosp_hbm.at[wid])


@jax.jit
def kernel(vecs, W_decomp, W_dec, eos_vector, classifier1w, classifier1b):
    en = jnp.sqrt(jnp.sum(eos_vector * eos_vector))
    scale = jnp.abs(classifier1w[0]) / en
    eos_scaled = (eos_vector * scale).reshape(1, C)
    b1 = classifier1b.reshape(1, 1)

    post, nt, logits = pl.pallas_call(
        _tc_kernel,
        grid=(NBLK,),
        in_specs=[
            pl.BlockSpec((B, P), lambda i: (0, 0)),
            pl.BlockSpec((P, TBLK * C), lambda i: (0, i)),
            pl.BlockSpec((1, C), lambda i: (0, 0)),
            pl.BlockSpec((1, 1), lambda i: (0, 0), memory_space=pltpu.SMEM),
            pl.BlockSpec((C, C), lambda i: (0, 0)),
        ],
        out_specs=[
            pl.BlockSpec(memory_space=pl.ANY),
            pl.BlockSpec(memory_space=pl.ANY),
            pl.BlockSpec(memory_space=pl.ANY),
        ],
        out_shape=[
            jax.ShapeDtypeStruct((B, S, C), jnp.float32),
            jax.ShapeDtypeStruct((B, 1), jnp.int32),
            jax.ShapeDtypeStruct((B, NBLK, TBLK), jnp.float32),
        ],
        scratch_shapes=[
            pltpu.VMEM((B, S, C), jnp.float32),
            pltpu.VMEM((NBLK, B, TBLK), jnp.float32),
            pltpu.VMEM((B, 1), jnp.int32),
            pltpu.SMEM((B, 1), jnp.int32),
            pltpu.SemaphoreType.DMA((NBLK + 3,)),
        ],
        compiler_params=pltpu.CompilerParams(
            dimension_semantics=("arbitrary",),
            vmem_limit_bytes=64 * 1024 * 1024,
        ),
    )(vecs, W_decomp, eos_scaled, b1, W_dec)

    mask, eos_pos = pl.kernel(
        _sc_kernel,
        out_type=[
            jax.ShapeDtypeStruct((B, S), jnp.int32),
            jax.ShapeDtypeStruct((B, S), jnp.int32),
        ],
        mesh=plsc.VectorSubcoreMesh(core_axis_name="c", subcore_axis_name="s"),
        scratch_types=[
            pltpu.VMEM((S,), jnp.float32),
            pltpu.VMEM((S,), jnp.int32),
            pltpu.VMEM((S,), jnp.int32),
        ],
        compiler_params=pltpu.CompilerParams(needs_layout_passes=False,
                                             skip_device_barrier=True),
    )(logits.reshape(B, S))

    return (post, nt.reshape(B), mask, eos_pos)

# --- scband reference (transcript-rebuilt; emitter-appended) ---
"""Pipeline reference for scband-agent-level-65764539236775 (READ-ONLY COPY).

The authoritative reference and input builder live on the scoring server;
editing this copy changes nothing except your own understanding.
"""

import jax, jax.numpy as jnp
import numpy as np

B, S, D_CHILD, D_PARENT = 16, 2048, 128, 256


def setup_inputs(seed: int = 0) -> dict:
    key = jax.random.key(seed)
    ks = jax.random.split(key, 4)
    vecs = jax.random.normal(ks[0], (B, D_PARENT), dtype=jnp.float32)
    # Decompressor: Linear(D_PARENT -> S * D_CHILD), reshaped to a sequence
    W_decomp = jax.random.normal(ks[1], (D_PARENT, S * D_CHILD), dtype=jnp.float32) * (1.0 / np.sqrt(D_PARENT))
    # Decoder stand-in: tokenwise Linear(D_CHILD -> D_CHILD)
    W_dec = jax.random.normal(ks[2], (D_CHILD, D_CHILD), dtype=jnp.float32) * (1.0 / np.sqrt(D_CHILD))
    eos_vector = jax.random.uniform(ks[3], (D_CHILD,), dtype=jnp.float32)
    classifier1w = 2.2 * jnp.ones((1,), dtype=jnp.float32)
    classifier1b = -1.1 * jnp.ones((1,), dtype=jnp.float32)
    return {
        "vecs": vecs,
        "W_decomp": W_decomp,
        "W_dec": W_dec,
        "eos_vector": eos_vector,
        "classifier1w": classifier1w,
        "classifier1b": classifier1b,
    }


def reference(vecs, W_decomp, W_dec, eos_vector, classifier1w, classifier1b):
    # AgentLevel.vecs_to_children_vecs
    decompressed = (vecs @ W_decomp).reshape(vecs.shape[0], S, D_CHILD)
    dn = jnp.linalg.norm(decompressed, axis=2, keepdims=True)
    en = jnp.linalg.norm(eos_vector)
    eos = eos_vector[None, None, :]
    dot = (decompressed / dn * (eos / en)).sum(axis=-1)  # [B, S]
    # eos_classifier1: elu(dot * |w|) + b
    logits = jax.nn.elu(dot * jnp.abs(classifier1w)) + classifier1b
    max_softmax = jax.nn.softmax(logits, axis=1).max(axis=-1)
    max_sigmoid = jax.nn.sigmoid(logits).max(axis=-1)
    is_valid = jnp.logical_and(max_softmax > 0.5, max_sigmoid > 0.5)
    num_tokens = jnp.where(is_valid, jnp.argmax(logits, axis=-1), logits.shape[1])
    range_matrix = jnp.broadcast_to(jnp.arange(logits.shape[1])[None, :], logits.shape)
    mask = range_matrix > num_tokens[:, None]
    eos_positions = (range_matrix == num_tokens[:, None]).astype(jnp.int32)
    # Decoder stand-in: tokenwise linear, masked positions zeroed (padding)
    post = decompressed @ W_dec
    post_decoder = jnp.where(mask[..., None], 0.0, post)
    # Ragged children vectors are post_decoder[i, :num_tokens[i]]; we return the
    # dense padded tensor plus the ragged lengths/mask (jit-friendly).
    return (post_decoder, num_tokens, mask.astype(jnp.int32), eos_positions)

if __name__ == "__main__":
    import jax
    _d = setup_inputs()
    print(jax.jit(kernel)(*tuple(_d.values())))

</pallas_src>

<mosaic_0001>
#map = affine_map<(d0, d1) -> (0, 0)>
module attributes {stable_mosaic.version = 14 : i64} {
  func.func @_sc_kernel(%arg0: i32, %arg1: i32, %arg2: memref<16x2048xf32, #tpu.memory_space<hbm>>, %arg3: memref<16x2048xi32, #tpu.memory_space<hbm>>, %arg4: memref<16x2048xi32, #tpu.memory_space<hbm>>, %arg5: memref<2048xf32, #tpu.memory_space<vmem>>, %arg6: memref<2048xi32, #tpu.memory_space<vmem>>, %arg7: memref<2048xi32, #tpu.memory_space<vmem>>) attributes {dimension_semantics = [#tpu.dimension_semantics<core_parallel>, #tpu.dimension_semantics<subcore_parallel>], iteration_bounds = array<i64: 2, 16>, scalar_prefetch = 0 : i64, scratch_operands = 3 : i64, tpu.core_type = #tpu.core_type<sc_vector_subcore>, window_params = [{transform_indices = #map}, {transform_indices = #map}, {transform_indices = #map}]} {
    %mul3A = arith.constant 16 : i32
    %mul3A_0 = arith.muli %arg0, %mul3A : i32
    %add3A = arith.addi %mul3A_0, %arg1 : i32
    %lt3A = arith.constant 16 : i32
    %lt3A_1 = arith.cmpi slt, %add3A, %lt3A : i32
    %convert_element_type3A = arith.extui %lt3A_1 : i1 to i32
    %cond3A = arith.constant 0 : i32
    %cond3A_2 = arith.cmpi ne, %convert_element_type3A, %cond3A : i32
    scf.if %cond3A_2 {
      "tpu.region"() ({
        %run_scoped3A = tpu.sem_alloc : memref<!tpu.dma_semaphore, #tpu.memory_space<semaphore_mem>>
        %dma_start3A = arith.constant 0 : i32
        %dma_start3A_27 = tpu.memref_slice %arg2[%add3A, %dma_start3A] : memref<16x2048xf32, #tpu.memory_space<hbm>> -> memref<1x2048xf32, #tpu.memory_space<hbm>>
        %dma_start3A_28 = tpu.memref_squeeze %dma_start3A_27 : memref<1x2048xf32, #tpu.memory_space<hbm>> -> memref<2048xf32, #tpu.memory_space<hbm>>
        %dma_start3A_29 = arith.constant 0 : i32
        %dma_start3A_30 = tpu.memref_slice %arg2[%add3A, %dma_start3A_29] : memref<16x2048xf32, #tpu.memory_space<hbm>> -> memref<1x2048xf32, #tpu.memory_space<hbm>>
        %dma_start3A_31 = tpu.memref_squeeze %dma_start3A_30 : memref<1x2048xf32, #tpu.memory_space<hbm>> -> memref<2048xf32, #tpu.memory_space<hbm>>
        tpu.enqueue_dma source(%dma_start3A_31 : memref<2048xf32, #tpu.memory_space<hbm>>) target(%arg5 : memref<2048xf32, #tpu.memory_space<vmem>>) target_semaphore(%run_scoped3A : memref<!tpu.dma_semaphore, #tpu.memory_space<semaphore_mem>>)
        %dma_wait3A = arith.constant 0 : i32
        %dma_wait3A_32 = tpu.memref_slice %arg2[%add3A, %dma_wait3A] : memref<16x2048xf32, #tpu.memory_space<hbm>> -> memref<1x2048xf32, #tpu.memory_space<hbm>>
        %dma_wait3A_33 = tpu.memref_squeeze %dma_wait3A_32 : memref<1x2048xf32, #tpu.memory_space<hbm>> -> memref<2048xf32, #tpu.memory_space<hbm>>
        %dma_wait3A_34 = arith.constant 0 : i32
        %dma_wait3A_35 = tpu.memref_slice %arg2[%add3A, %dma_wait3A_34] : memref<16x2048xf32, #tpu.memory_space<hbm>> -> memref<1x2048xf32, #tpu.memory_space<hbm>>
        %dma_wait3A_36 = tpu.memref_squeeze %dma_wait3A_35 : memref<1x2048xf32, #tpu.memory_space<hbm>> -> memref<2048xf32, #tpu.memory_space<hbm>>
        tpu.wait_dma2 semaphore(%run_scoped3A : memref<!tpu.dma_semaphore, #tpu.memory_space<semaphore_mem>>) src(%dma_wait3A_36 : memref<2048xf32, #tpu.memory_space<hbm>>) dst(%arg5 : memref<2048xf32, #tpu.memory_space<vmem>>)
        tpu.yield
      }) : () -> ()
      %scan3A = arith.constant 0xFF800000 : f32
      %scan3A_3 = arith.constant 0 : i32
      %scan3A_4 = arith.constant 128 : i32
      %scan3A_5 = arith.addi %scan3A_3, %scan3A_4 : i32
      %scan3A_6 = arith.constant 4 : i32
      %scan3A_7 = scf.for %scan3A_27 = %scan3A_3 to %scan3A_5 step %scan3A_6 iter_args(%scan3A_28 = %scan3A) -> (f32)  : i32 {
        %mul3A_29 = arith.constant 16 : i32
        %mul3A_30 = arith.muli %scan3A_27, %mul3A_29 : i32
        %get3A = arith.index_cast %mul3A_30 : i32 to index
        %get3A_31 = tpu.vector_load %arg5[%get3A] {strides = array<i32>} : memref<2048xf32, #tpu.memory_space<vmem>>, vector<16xf32>,
        %reduce_max3A = arith.constant true
        %reduce_max3A_32 = vector.broadcast %reduce_max3A : i1 to vector<16xi1>
        %reduce_max3A_33 = tpu.scan <max>, %get3A_31 masked %reduce_max3A_32 : vector<16xf32>, vector<16xi1> -> vector<16xf32>
        %reduce_max3A_34 = vector.extract %reduce_max3A_33[15] : f32 from vector<16xf32>
        %max3A = arith.maximumf %scan3A_28, %reduce_max3A_34 : f32
        %scan3A_35 = arith.constant 1 : i32
        %scan3A_36 = arith.addi %scan3A_27, %scan3A_35 : i32
        %mul3A_37 = arith.constant 16 : i32
        %mul3A_38 = arith.muli %scan3A_36, %mul3A_37 : i32
        %get3A_39 = arith.index_cast %mul3A_38 : i32 to index
        %get3A_40 = tpu.vector_load %arg5[%get3A_39] {strides = array<i32>} : memref<2048xf32, #tpu.memory_space<vmem>>, vector<16xf32>,
        %reduce_max3A_41 = arith.constant true
        %reduce_max3A_42 = vector.broadcast %reduce_max3A_41 : i1 to vector<16xi1>
        %reduce_max3A_43 = tpu.scan <max>, %get3A_40 masked %reduce_max3A_42 : vector<16xf32>, vector<16xi1> -> vector<16xf32>
        %reduce_max3A_44 = vector.extract %reduce_max3A_43[15] : f32 from vector<16xf32>
        %max3A_45 = arith.maximumf %max3A, %reduce_max3A_44 : f32
        %scan3A_46 = arith.constant 2 : i32
        %scan3A_47 = arith.addi %scan3A_27, %scan3A_46 : i32
        %mul3A_48 = arith.constant 16 : i32
        %mul3A_49 = arith.muli %scan3A_47, %mul3A_48 : i32
        %get3A_50 = arith.index_cast %mul3A_49 : i32 to index
        %get3A_51 = tpu.vector_load %arg5[%get3A_50] {strides = array<i32>} : memref<2048xf32, #tpu.memory_space<vmem>>, vector<16xf32>,
        %reduce_max3A_52 = arith.constant true
        %reduce_max3A_53 = vector.broadcast %reduce_max3A_52 : i1 to vector<16xi1>
        %reduce_max3A_54 = tpu.scan <max>, %get3A_51 masked %reduce_max3A_53 : vector<16xf32>, vector<16xi1> -> vector<16xf32>
        %reduce_max3A_55 = vector.extract %reduce_max3A_54[15] : f32 from vector<16xf32>
        %max3A_56 = arith.maximumf %max3A_45, %reduce_max3A_55 : f32
        %scan3A_57 = arith.constant 3 : i32
        %scan3A_58 = arith.addi %scan3A_27, %scan3A_57 : i32
        %mul3A_59 = arith.constant 16 : i32
        %mul3A_60 = arith.muli %scan3A_58, %mul3A_59 : i32
        %get3A_61 = arith.index_cast %mul3A_60 : i32 to index
        %get3A_62 = tpu.vector_load %arg5[%get3A_61] {strides = array<i32>} : memref<2048xf32, #tpu.memory_space<vmem>>, vector<16xf32>,
        %reduce_max3A_63 = arith.constant true
        %reduce_max3A_64 = vector.broadcast %reduce_max3A_63 : i1 to vector<16xi1>
        %reduce_max3A_65 = tpu.scan <max>, %get3A_62 masked %reduce_max3A_64 : vector<16xf32>, vector<16xi1> -> vector<16xf32>
        %reduce_max3A_66 = vector.extract %reduce_max3A_65[15] : f32 from vector<16xf32>
        %max3A_67 = arith.maximumf %max3A_56, %reduce_max3A_66 : f32
        scf.yield %max3A_67 : f32
      }
      %scan3A_8 = arith.constant 128 : i32
      %scan3A_9 = arith.constant 0.000000e+00 : f32
      %scan3A_10 = arith.constant 2048 : i32
      %scan3A_11 = arith.constant 0 : i32
      %scan3A_12 = arith.constant 128 : i32
      %scan3A_13 = arith.addi %scan3A_11, %scan3A_12 : i32
      %scan3A_14 = arith.constant 4 : i32
      %scan3A_15:2 = scf.for %scan3A_27 = %scan3A_11 to %scan3A_13 step %scan3A_14 iter_args(%scan3A_28 = %scan3A_9, %scan3A_29 = %scan3A_10) -> (f32, i32)  : i32 {
        %mul3A_30 = arith.constant 16 : i32
        %mul3A_31 = arith.muli %scan3A_27, %mul3A_30 : i32
        %get3A = arith.index_cast %mul3A_31 : i32 to index
        %get3A_32 = tpu.vector_load %arg5[%get3A] {strides = array<i32>} : memref<2048xf32, #tpu.memory_space<vmem>>, vector<16xf32>,
        %sub3A = vector.broadcast %scan3A_7 : f32 to vector<16xf32>
        %sub3A_33 = arith.subf %get3A_32, %sub3A : vector<16xf32>
        %exp3A = math.exp %sub3A_33 : vector<16xf32>
        %reduce_sum3A = arith.constant true
        %reduce_sum3A_34 = vector.broadcast %reduce_sum3A : i1 to vector<16xi1>
        %reduce_sum3A_35 = tpu.scan <sum>, %exp3A masked %reduce_sum3A_34 : vector<16xf32>, vector<16xi1> -> vector<16xf32>
        %reduce_sum3A_36 = vector.extract %reduce_sum3A_35[15] : f32 from vector<16xf32>
        %add3A_37 = arith.addf %scan3A_28, %reduce_sum3A_36 : f32
        %iota3A = tpu.iota {dimensions = array<i32: 0>} : vector<16xi32>
        %mul3A_38 = arith.constant 16 : i32
        %mul3A_39 = arith.muli %scan3A_27, %mul3A_38 : i32
        %add3A_40 = vector.broadcast %mul3A_39 : i32 to vector<16xi32>
        %add3A_41 = arith.addi %iota3A, %add3A_40 : vector<16xi32>
        %eq3A = vector.broadcast %scan3A_7 : f32 to vector<16xf32>
        %eq3A_42 = arith.cmpf oeq, %get3A_32, %eq3A : vector<16xf32>
        %jit3A_43 = arith.constant 2048 : i32
        %broadcast_in_dim3A = vector.broadcast %jit3A_43 : i32 to vector<16xi32>
        %select_n3A_44 = arith.select %eq3A_42, %add3A_41, %broadcast_in_dim3A : vector<16xi1>, vector<16xi32>
        %reduce_min3A = arith.constant true
        %reduce_min3A_45 = vector.broadcast %reduce_min3A : i1 to vector<16xi1>
        %reduce_min3A_46 = arith.constant -2147483648 : i32
        %reduce_min3A_47 = vector.broadcast %reduce_min3A_46 : i32 to vector<16xi32>
        %reduce_min3A_48 = arith.xori %select_n3A_44, %reduce_min3A_47 : vector<16xi32>
        %reduce_min3A_49 = tpu.scan <min>, %reduce_min3A_48 masked %reduce_min3A_45 : vector<16xi32>, vector<16xi1> -> vector<16xi32>
        %reduce_min3A_50 = arith.xori %reduce_min3A_49, %reduce_min3A_47 : vector<16xi32>
        %reduce_min3A_51 = vector.extract %reduce_min3A_50[15] : i32 from vector<16xi32>
        %min3A = arith.minsi %scan3A_29, %reduce_min3A_51 : i32
        %scan3A_52 = arith.constant 1 : i32
        %scan3A_53 = arith.addi %scan3A_27, %scan3A_52 : i32
        %mul3A_54 = arith.constant 16 : i32
        %mul3A_55 = arith.muli %scan3A_53, %mul3A_54 : i32
        %get3A_56 = arith.index_cast %mul3A_55 : i32 to index
        %get3A_57 = tpu.vector_load %arg5[%get3A_56] {strides = array<i32>} : memref<2048xf32, #tpu.memory_space<vmem>>, vector<16xf32>,
        %sub3A_58 = vector.broadcast %scan3A_7 : f32 to vector<16xf32>
        %sub3A_59 = arith.subf %get3A_57, %sub3A_58 : vector<16xf32>
        %exp3A_60 = math.exp %sub3A_59 : vector<16xf32>
        %reduce_sum3A_61 = arith.constant true
        %reduce_sum3A_62 = vector.broadcast %reduce_sum3A_61 : i1 to vector<16xi1>
        %reduce_sum3A_63 = tpu.scan <sum>, %exp3A_60 masked %reduce_sum3A_62 : vector<16xf32>, vector<16xi1> -> vector<16xf32>
        %reduce_sum3A_64 = vector.extract %reduce_sum3A_63[15] : f32 from vector<16xf32>
        %add3A_65 = arith.addf %add3A_37, %reduce_sum3A_64 : f32
        %iota3A_66 = tpu.iota {dimensions = array<i32: 0>} : vector<16xi32>
        %mul3A_67 = arith.constant 16 : i32
        %mul3A_68 = arith.muli %scan3A_53, %mul3A_67 : i32
        %add3A_69 = vector.broadcast %mul3A_68 : i32 to vector<16xi32>
        %add3A_70 = arith.addi %iota3A_66, %add3A_69 : vector<16xi32>
        %eq3A_71 = vector.broadcast %scan3A_7 : f32 to vector<16xf32>
        %eq3A_72 = arith.cmpf oeq, %get3A_57, %eq3A_71 : vector<16xf32>
        %jit3A_73 = arith.constant 2048 : i32
        %broadcast_in_dim3A_74 = vector.broadcast %jit3A_73 : i32 to vector<16xi32>
        %select_n3A_75 = arith.select %eq3A_72, %add3A_70, %broadcast_in_dim3A_74 : vector<16xi1>, vector<16xi32>
        %reduce_min3A_76 = arith.constant true
        %reduce_min3A_77 = vector.broadcast %reduce_min3A_76 : i1 to vector<16xi1>
        %reduce_min3A_78 = arith.constant -2147483648 : i32
        %reduce_min3A_79 = vector.broadcast %reduce_min3A_78 : i32 to vector<16xi32>
        %reduce_min3A_80 = arith.xori %select_n3A_75, %reduce_min3A_79 : vector<16xi32>
        %reduce_min3A_81 = tpu.scan <min>, %reduce_min3A_80 masked %reduce_min3A_77 : vector<16xi32>, vector<16xi1> -> vector<16xi32>
        %reduce_min3A_82 = arith.xori %reduce_min3A_81, %reduce_min3A_79 : vector<16xi32>
        %reduce_min3A_83 = vector.extract %reduce_min3A_82[15] : i32 from vector<16xi32>
        %min3A_84 = arith.minsi %min3A, %reduce_min3A_83 : i32
        %scan3A_85 = arith.constant 2 : i32
        %scan3A_86 = arith.addi %scan3A_27, %scan3A_85 : i32
        %mul3A_87 = arith.constant 16 : i32
        %mul3A_88 = arith.muli %scan3A_86, %mul3A_87 : i32
        %get3A_89 = arith.index_cast %mul3A_88 : i32 to index
        %get3A_90 = tpu.vector_load %arg5[%get3A_89] {strides = array<i32>} : memref<2048xf32, #tpu.memory_space<vmem>>, vector<16xf32>,
        %sub3A_91 = vector.broadcast %scan3A_7 : f32 to vector<16xf32>
        %sub3A_92 = arith.subf %get3A_90, %sub3A_91 : vector<16xf32>
        %exp3A_93 = math.exp %sub3A_92 : vector<16xf32>
        %reduce_sum3A_94 = arith.constant true
        %reduce_sum3A_95 = vector.broadcast %reduce_sum3A_94 : i1 to vector<16xi1>
        %reduce_sum3A_96 = tpu.scan <sum>, %exp3A_93 masked %reduce_sum3A_95 : vector<16xf32>, vector<16xi1> -> vector<16xf32>
        %reduce_sum3A_97 = vector.extract %reduce_sum3A_96[15] : f32 from vector<16xf32>
        %add3A_98 = arith.addf %add3A_65, %reduce_sum3A_97 : f32
        %iota3A_99 = tpu.iota {dimensions = array<i32: 0>} : vector<16xi32>
        %mul3A_100 = arith.constant 16 : i32
        %mul3A_101 = arith.muli %scan3A_86, %mul3A_100 : i32
        %add3A_102 = vector.broadcast %mul3A_101 : i32 to vector<16xi32>
        %add3A_103 = arith.addi %iota3A_99, %add3A_102 : vector<16xi32>
        %eq3A_104 = vector.broadcast %scan3A_7 : f32 to vector<16xf32>
        %eq3A_105 = arith.cmpf oeq, %get3A_90, %eq3A_104 : vector<16xf32>
        %jit3A_106 = arith.constant 2048 : i32
        %broadcast_in_dim3A_107 = vector.broadcast %jit3A_106 : i32 to vector<16xi32>
        %select_n3A_108 = arith.select %eq3A_105, %add3A_103, %broadcast_in_dim3A_107 : vector<16xi1>, vector<16xi32>
        %reduce_min3A_109 = arith.constant true
        %reduce_min3A_110 = vector.broadcast %reduce_min3A_109 : i1 to vector<16xi1>
        %reduce_min3A_111 = arith.constant -2147483648 : i32
        %reduce_min3A_112 = vector.broadcast %reduce_min3A_111 : i32 to vector<16xi32>
        %reduce_min3A_113 = arith.xori %select_n3A_108, %reduce_min3A_112 : vector<16xi32>
        %reduce_min3A_114 = tpu.scan <min>, %reduce_min3A_113 masked %reduce_min3A_110 : vector<16xi32>, vector<16xi1> -> vector<16xi32>
        %reduce_min3A_115 = arith.xori %reduce_min3A_114, %reduce_min3A_112 : vector<16xi32>
        %reduce_min3A_116 = vector.extract %reduce_min3A_115[15] : i32 from vector<16xi32>
        %min3A_117 = arith.minsi %min3A_84, %reduce_min3A_116 : i32
        %scan3A_118 = arith.constant 3 : i32
        %scan3A_119 = arith.addi %scan3A_27, %scan3A_118 : i32
        %mul3A_120 = arith.constant 16 : i32
        %mul3A_121 = arith.muli %scan3A_119, %mul3A_120 : i32
        %get3A_122 = arith.index_cast %mul3A_121 : i32 to index
        %get3A_123 = tpu.vector_load %arg5[%get3A_122] {strides = array<i32>} : memref<2048xf32, #tpu.memory_space<vmem>>, vector<16xf32>,
        %sub3A_124 = vector.broadcast %scan3A_7 : f32 to vector<16xf32>
        %sub3A_125 = arith.subf %get3A_123, %sub3A_124 : vector<16xf32>
        %exp3A_126 = math.exp %sub3A_125 : vector<16xf32>
        %reduce_sum3A_127 = arith.constant true
        %reduce_sum3A_128 = vector.broadcast %reduce_sum3A_127 : i1 to vector<16xi1>
        %reduce_sum3A_129 = tpu.scan <sum>, %exp3A_126 masked %reduce_sum3A_128 : vector<16xf32>, vector<16xi1> -> vector<16xf32>
        %reduce_sum3A_130 = vector.extract %reduce_sum3A_129[15] : f32 from vector<16xf32>
        %add3A_131 = arith.addf %add3A_98, %reduce_sum3A_130 : f32
        %iota3A_132 = tpu.iota {dimensions = array<i32: 0>} : vector<16xi32>
        %mul3A_133 = arith.constant 16 : i32
        %mul3A_134 = arith.muli %scan3A_119, %mul3A_133 : i32
        %add3A_135 = vector.broadcast %mul3A_134 : i32 to vector<16xi32>
        %add3A_136 = arith.addi %iota3A_132, %add3A_135 : vector<16xi32>
        %eq3A_137 = vector.broadcast %scan3A_7 : f32 to vector<16xf32>
        %eq3A_138 = arith.cmpf oeq, %get3A_123, %eq3A_137 : vector<16xf32>
        %jit3A_139 = arith.constant 2048 : i32
        %broadcast_in_dim3A_140 = vector.broadcast %jit3A_139 : i32 to vector<16xi32>
        %select_n3A_141 = arith.select %eq3A_138, %add3A_136, %broadcast_in_dim3A_140 : vector<16xi1>, vector<16xi32>
        %reduce_min3A_142 = arith.constant true
        %reduce_min3A_143 = vector.broadcast %reduce_min3A_142 : i1 to vector<16xi1>
        %reduce_min3A_144 = arith.constant -2147483648 : i32
        %reduce_min3A_145 = vector.broadcast %reduce_min3A_144 : i32 to vector<16xi32>
        %reduce_min3A_146 = arith.xori %select_n3A_141, %reduce_min3A_145 : vector<16xi32>
        %reduce_min3A_147 = tpu.scan <min>, %reduce_min3A_146 masked %reduce_min3A_143 : vector<16xi32>, vector<16xi1> -> vector<16xi32>
        %reduce_min3A_148 = arith.xori %reduce_min3A_147, %reduce_min3A_145 : vector<16xi32>
        %reduce_min3A_149 = vector.extract %reduce_min3A_148[15] : i32 from vector<16xi32>
        %min3A_150 = arith.minsi %min3A_117, %reduce_min3A_149 : i32
        scf.yield %add3A_131, %min3A_150 : f32, i32
      }
      %scan3A_16 = arith.constant 128 : i32
      %lt3A_17 = arith.constant 2.000000e+00 : f32
      %lt3A_18 = arith.cmpf olt, %scan3A_15#0, %lt3A_17 : f32
      %gt3A = arith.constant 0.000000e+00 : f32
      %gt3A_19 = arith.cmpf ogt, %scan3A_7, %gt3A : f32
      %and3A = arith.andi %lt3A_18, %gt3A_19 : i1
      %jit3A = arith.constant 2048 : i32
      %select_n3A = arith.select %and3A, %scan3A_15#1, %jit3A : i32
      %scan3A_20 = arith.constant 0 : i32
      %scan3A_21 = arith.constant 0 : i32
      %scan3A_22 = arith.constant 128 : i32
      %scan3A_23 = arith.addi %scan3A_21, %scan3A_22 : i32
      %scan3A_24 = arith.constant 4 : i32
      %scan3A_25 = scf.for %scan3A_27 = %scan3A_21 to %scan3A_23 step %scan3A_24 iter_args(%scan3A_28 = %scan3A_20) -> (i32)  : i32 {
        %iota3A = tpu.iota {dimensions = array<i32: 0>} : vector<16xi32>
        %mul3A_29 = arith.constant 16 : i32
        %mul3A_30 = arith.muli %scan3A_27, %mul3A_29 : i32
        %add3A_31 = vector.broadcast %mul3A_30 : i32 to vector<16xi32>
        %add3A_32 = arith.addi %iota3A, %add3A_31 : vector<16xi32>
        %gt3A_33 = vector.broadcast %select_n3A : i32 to vector<16xi32>
        %gt3A_34 = arith.cmpi sgt, %add3A_32, %gt3A_33 : vector<16xi32>
        %convert_element_type3A_35 = arith.extui %gt3A_34 : vector<16xi1> to vector<16xi32>
        %mul3A_36 = arith.constant 16 : i32
        %mul3A_37 = arith.muli %scan3A_27, %mul3A_36 : i32
        %swap3A = arith.index_cast %mul3A_37 : i32 to index
        %swap3A_38 = tpu.vector_load %arg6[%swap3A] {strides = array<i32>} : memref<2048xi32, #tpu.memory_space<vmem>>, vector<16xi32>,
        tpu.vector_store %arg6[%swap3A], %convert_element_type3A_35 {strides = array<i32>} : memref<2048xi32, #tpu.memory_space<vmem>>, vector<16xi32>,
        %eq3A = vector.broadcast %select_n3A : i32 to vector<16xi32>
        %eq3A_39 = arith.cmpi eq, %add3A_32, %eq3A : vector<16xi32>
        %convert_element_type3A_40 = arith.extui %eq3A_39 : vector<16xi1> to vector<16xi32>
        %mul3A_41 = arith.constant 16 : i32
        %mul3A_42 = arith.muli %scan3A_27, %mul3A_41 : i32
        %swap3A_43 = arith.index_cast %mul3A_42 : i32 to index
        %swap3A_44 = tpu.vector_load %arg7[%swap3A_43] {strides = array<i32>} : memref<2048xi32, #tpu.memory_space<vmem>>, vector<16xi32>,
        tpu.vector_store %arg7[%swap3A_43], %convert_element_type3A_40 {strides = array<i32>} : memref<2048xi32, #tpu.memory_space<vmem>>, vector<16xi32>,
        %scan3A_45 = arith.constant 0 : i32
        %scan3A_46 = arith.constant 1 : i32
        %scan3A_47 = arith.addi %scan3A_27, %scan3A_46 : i32
        %iota3A_48 = tpu.iota {dimensions = array<i32: 0>} : vector<16xi32>
        %mul3A_49 = arith.constant 16 : i32
        %mul3A_50 = arith.muli %scan3A_47, %mul3A_49 : i32
        %add3A_51 = vector.broadcast %mul3A_50 : i32 to vector<16xi32>
        %add3A_52 = arith.addi %iota3A_48, %add3A_51 : vector<16xi32>
        %gt3A_53 = vector.broadcast %select_n3A : i32 to vector<16xi32>
        %gt3A_54 = arith.cmpi sgt, %add3A_52, %gt3A_53 : vector<16xi32>
        %convert_element_type3A_55 = arith.extui %gt3A_54 : vector<16xi1> to vector<16xi32>
        %mul3A_56 = arith.constant 16 : i32
        %mul3A_57 = arith.muli %scan3A_47, %mul3A_56 : i32
        %swap3A_58 = arith.index_cast %mul3A_57 : i32 to index
        %swap3A_59 = tpu.vector_load %arg6[%swap3A_58] {strides = array<i32>} : memref<2048xi32, #tpu.memory_space<vmem>>, vector<16xi32>,
        tpu.vector_store %arg6[%swap3A_58], %convert_element_type3A_55 {strides = array<i32>} : memref<2048xi32, #tpu.memory_space<vmem>>, vector<16xi32>,
        %eq3A_60 = vector.broadcast %select_n3A : i32 to vector<16xi32>
        %eq3A_61 = arith.cmpi eq, %add3A_52, %eq3A_60 : vector<16xi32>
        %convert_element_type3A_62 = arith.extui %eq3A_61 : vector<16xi1> to vector<16xi32>
        %mul3A_63 = arith.constant 16 : i32
        %mul3A_64 = arith.muli %scan3A_47, %mul3A_63 : i32
        %swap3A_65 = arith.index_cast %mul3A_64 : i32 to index
        %swap3A_66 = tpu.vector_load %arg7[%swap3A_65] {strides = array<i32>} : memref<2048xi32, #tpu.memory_space<vmem>>, vector<16xi32>,
        tpu.vector_store %arg7[%swap3A_65], %convert_element_type3A_62 {strides = array<i32>} : memref<2048xi32, #tpu.memory_space<vmem>>, vector<16xi32>,
        %scan3A_67 = arith.constant 0 : i32
        %scan3A_68 = arith.constant 2 : i32
        %scan3A_69 = arith.addi %scan3A_27, %scan3A_68 : i32
        %iota3A_70 = tpu.iota {dimensions = array<i32: 0>} : vector<16xi32>
        %mul3A_71 = arith.constant 16 : i32
        %mul3A_72 = arith.muli %scan3A_69, %mul3A_71 : i32
        %add3A_73 = vector.broadcast %mul3A_72 : i32 to vector<16xi32>
        %add3A_74 = arith.addi %iota3A_70, %add3A_73 : vector<16xi32>
        %gt3A_75 = vector.broadcast %select_n3A : i32 to vector<16xi32>
        %gt3A_76 = arith.cmpi sgt, %add3A_74, %gt3A_75 : vector<16xi32>
        %convert_element_type3A_77 = arith.extui %gt3A_76 : vector<16xi1> to vector<16xi32>
        %mul3A_78 = arith.constant 16 : i32
        %mul3A_79 = arith.muli %scan3A_69, %mul3A_78 : i32
        %swap3A_80 = arith.index_cast %mul3A_79 : i32 to index
        %swap3A_81 = tpu.vector_load %arg6[%swap3A_80] {strides = array<i32>} : memref<2048xi32, #tpu.memory_space<vmem>>, vector<16xi32>,
        tpu.vector_store %arg6[%swap3A_80], %convert_element_type3A_77 {strides = array<i32>} : memref<2048xi32, #tpu.memory_space<vmem>>, vector<16xi32>,
        %eq3A_82 = vector.broadcast %select_n3A : i32 to vector<16xi32>
        %eq3A_83 = arith.cmpi eq, %add3A_74, %eq3A_82 : vector<16xi32>
        %convert_element_type3A_84 = arith.extui %eq3A_83 : vector<16xi1> to vector<16xi32>
        %mul3A_85 = arith.constant 16 : i32
        %mul3A_86 = arith.muli %scan3A_69, %mul3A_85 : i32
        %swap3A_87 = arith.index_cast %mul3A_86 : i32 to index
        %swap3A_88 = tpu.vector_load %arg7[%swap3A_87] {strides = array<i32>} : memref<2048xi32, #tpu.memory_space<vmem>>, vector<16xi32>,
        tpu.vector_store %arg7[%swap3A_87], %convert_element_type3A_84 {strides = array<i32>} : memref<2048xi32, #tpu.memory_space<vmem>>, vector<16xi32>,
        %scan3A_89 = arith.constant 0 : i32
        %scan3A_90 = arith.constant 3 : i32
        %scan3A_91 = arith.addi %scan3A_27, %scan3A_90 : i32
        %iota3A_92 = tpu.iota {dimensions = array<i32: 0>} : vector<16xi32>
        %mul3A_93 = arith.constant 16 : i32
        %mul3A_94 = arith.muli %scan3A_91, %mul3A_93 : i32
        %add3A_95 = vector.broadcast %mul3A_94 : i32 to vector<16xi32>
        %add3A_96 = arith.addi %iota3A_92, %add3A_95 : vector<16xi32>
        %gt3A_97 = vector.broadcast %select_n3A : i32 to vector<16xi32>
        %gt3A_98 = arith.cmpi sgt, %add3A_96, %gt3A_97 : vector<16xi32>
        %convert_element_type3A_99 = arith.extui %gt3A_98 : vector<16xi1> to vector<16xi32>
        %mul3A_100 = arith.constant 16 : i32
        %mul3A_101 = arith.muli %scan3A_91, %mul3A_100 : i32
        %swap3A_102 = arith.index_cast %mul3A_101 : i32 to index
        %swap3A_103 = tpu.vector_load %arg6[%swap3A_102] {strides = array<i32>} : memref<2048xi32, #tpu.memory_space<vmem>>, vector<16xi32>,
        tpu.vector_store %arg6[%swap3A_102], %convert_element_type3A_99 {strides = array<i32>} : memref<2048xi32, #tpu.memory_space<vmem>>, vector<16xi32>,
        %eq3A_104 = vector.broadcast %select_n3A : i32 to vector<16xi32>
        %eq3A_105 = arith.cmpi eq, %add3A_96, %eq3A_104 : vector<16xi32>
        %convert_element_type3A_106 = arith.extui %eq3A_105 : vector<16xi1> to vector<16xi32>
        %mul3A_107 = arith.constant 16 : i32
        %mul3A_108 = arith.muli %scan3A_91, %mul3A_107 : i32
        %swap3A_109 = arith.index_cast %mul3A_108 : i32 to index
        %swap3A_110 = tpu.vector_load %arg7[%swap3A_109] {strides = array<i32>} : memref<2048xi32, #tpu.memory_space<vmem>>, vector<16xi32>,
        tpu.vector_store %arg7[%swap3A_109], %convert_element_type3A_106 {strides = array<i32>} : memref<2048xi32, #tpu.memory_space<vmem>>, vector<16xi32>,
        %scan3A_111 = arith.constant 0 : i32
        scf.yield %scan3A_111 : i32
      }
      %scan3A_26 = arith.constant 128 : i32
      "tpu.region"() ({
        %run_scoped3A = tpu.sem_alloc : memref<!tpu.dma_semaphore, #tpu.memory_space<semaphore_mem>>
        %dma_start3A = arith.constant 0 : i32
        %dma_start3A_27 = tpu.memref_slice %arg3[%add3A, %dma_start3A] : memref<16x2048xi32, #tpu.memory_space<hbm>> -> memref<1x2048xi32, #tpu.memory_space<hbm>>
        %dma_start3A_28 = tpu.memref_squeeze %dma_start3A_27 : memref<1x2048xi32, #tpu.memory_space<hbm>> -> memref<2048xi32, #tpu.memory_space<hbm>>
        %dma_start3A_29 = arith.constant 0 : i32
        %dma_start3A_30 = tpu.memref_slice %arg3[%add3A, %dma_start3A_29] : memref<16x2048xi32, #tpu.memory_space<hbm>> -> memref<1x2048xi32, #tpu.memory_space<hbm>>
        %dma_start3A_31 = tpu.memref_squeeze %dma_start3A_30 : memref<1x2048xi32, #tpu.memory_space<hbm>> -> memref<2048xi32, #tpu.memory_space<hbm>>
        tpu.enqueue_dma source(%arg6 : memref<2048xi32, #tpu.memory_space<vmem>>) target(%dma_start3A_31 : memref<2048xi32, #tpu.memory_space<hbm>>) target_semaphore(%run_scoped3A : memref<!tpu.dma_semaphore, #tpu.memory_space<semaphore_mem>>)
        %dma_wait3A = arith.constant 0 : i32
        %dma_wait3A_32 = tpu.memref_slice %arg3[%add3A, %dma_wait3A] : memref<16x2048xi32, #tpu.memory_space<hbm>> -> memref<1x2048xi32, #tpu.memory_space<hbm>>
        %dma_wait3A_33 = tpu.memref_squeeze %dma_wait3A_32 : memref<1x2048xi32, #tpu.memory_space<hbm>> -> memref<2048xi32, #tpu.memory_space<hbm>>
        %dma_wait3A_34 = arith.constant 0 : i32
        %dma_wait3A_35 = tpu.memref_slice %arg3[%add3A, %dma_wait3A_34] : memref<16x2048xi32, #tpu.memory_space<hbm>> -> memref<1x2048xi32, #tpu.memory_space<hbm>>
        %dma_wait3A_36 = tpu.memref_squeeze %dma_wait3A_35 : memref<1x2048xi32, #tpu.memory_space<hbm>> -> memref<2048xi32, #tpu.memory_space<hbm>>
        tpu.wait_dma2 semaphore(%run_scoped3A : memref<!tpu.dma_semaphore, #tpu.memory_space<semaphore_mem>>) src(%arg6 : memref<2048xi32, #tpu.memory_space<vmem>>) dst(%dma_wait3A_36 : memref<2048xi32, #tpu.memory_space<hbm>>)
        tpu.yield
      }) : () -> ()
      "tpu.region"() ({
        %run_scoped3A = tpu.sem_alloc : memref<!tpu.dma_semaphore, #tpu.memory_space<semaphore_mem>>
        %dma_start3A = arith.constant 0 : i32
        %dma_start3A_27 = tpu.memref_slice %arg4[%add3A, %dma_start3A] : memref<16x2048xi32, #tpu.memory_space<hbm>> -> memref<1x2048xi32, #tpu.memory_space<hbm>>
        %dma_start3A_28 = tpu.memref_squeeze %dma_start3A_27 : memref<1x2048xi32, #tpu.memory_space<hbm>> -> memref<2048xi32, #tpu.memory_space<hbm>>
        %dma_start3A_29 = arith.constant 0 : i32
        %dma_start3A_30 = tpu.memref_slice %arg4[%add3A, %dma_start3A_29] : memref<16x2048xi32, #tpu.memory_space<hbm>> -> memref<1x2048xi32, #tpu.memory_space<hbm>>
        %dma_start3A_31 = tpu.memref_squeeze %dma_start3A_30 : memref<1x2048xi32, #tpu.memory_space<hbm>> -> memref<2048xi32, #tpu.memory_space<hbm>>
        tpu.enqueue_dma source(%arg7 : memref<2048xi32, #tpu.memory_space<vmem>>) target(%dma_start3A_31 : memref<2048xi32, #tpu.memory_space<hbm>>) target_semaphore(%run_scoped3A : memref<!tpu.dma_semaphore, #tpu.memory_space<semaphore_mem>>)
        %dma_wait3A = arith.constant 0 : i32
        %dma_wait3A_32 = tpu.memref_slice %arg4[%add3A, %dma_wait3A] : memref<16x2048xi32, #tpu.memory_space<hbm>> -> memref<1x2048xi32, #tpu.memory_space<hbm>>
        %dma_wait3A_33 = tpu.memref_squeeze %dma_wait3A_32 : memref<1x2048xi32, #tpu.memory_space<hbm>> -> memref<2048xi32, #tpu.memory_space<hbm>>
        %dma_wait3A_34 = arith.constant 0 : i32
        %dma_wait3A_35 = tpu.memref_slice %arg4[%add3A, %dma_wait3A_34] : memref<16x2048xi32, #tpu.memory_space<hbm>> -> memref<1x2048xi32, #tpu.memory_space<hbm>>
        %dma_wait3A_36 = tpu.memref_squeeze %dma_wait3A_35 : memref<1x2048xi32, #tpu.memory_space<hbm>> -> memref<2048xi32, #tpu.memory_space<hbm>>
        tpu.wait_dma2 semaphore(%run_scoped3A : memref<!tpu.dma_semaphore, #tpu.memory_space<semaphore_mem>>) src(%arg7 : memref<2048xi32, #tpu.memory_space<vmem>>) dst(%dma_wait3A_36 : memref<2048xi32, #tpu.memory_space<hbm>>)
        tpu.yield
      }) : () -> ()
    } else {
    }
    return
  }
}

module attributes {stable_mosaic.version = 14 : i64} {
  func.func @_tc_kernel(%arg0: i32, %arg1: memref<16x256xf32, #tpu.memory_space<vmem>>, %arg2: memref<256x8192xf32, #tpu.memory_space<vmem>>, %arg3: memref<1x128xf32, #tpu.memory_space<vmem>>, %arg4: memref<1x1xf32, #tpu.memory_space<smem>>, %arg5: memref<128x128xf32, #tpu.memory_space<vmem>>, %arg6: memref<16x2048x128xf32, #tpu.memory_space<any>>, %arg7: memref<16x1xi32, #tpu.memory_space<any>>, %arg8: memref<16x32x64xf32, #tpu.memory_space<any>>, %arg9: memref<16x2048x128xf32, #tpu.memory_space<vmem>>, %arg10: memref<32x16x64xf32, #tpu.memory_space<vmem>>, %arg11: memref<16x1xi32, #tpu.memory_space<vmem>>, %arg12: memref<16x1xi32, #tpu.memory_space<smem>>, %arg13: memref<35x!tpu.dma_semaphore, #tpu.memory_space<semaphore_mem>>) attributes {dimension_semantics = [#tpu.dimension_semantics<arbitrary>], iteration_bounds = array<i64: 32>, scalar_prefetch = 0 : i64, scratch_operands = 5 : i64, tpu.core_type = #tpu.core_type<tc>, window_params = [{pipeline_mode = #tpu.pipeline_mode<synchronous>, transform_indices = @transform_0, window_bounds = array<i64: 16, 256>}, {transform_indices = @transform_1, window_bounds = array<i64: 256, 8192>}, {pipeline_mode = #tpu.pipeline_mode<synchronous>, transform_indices = @transform_2, window_bounds = array<i64: 1, 128>}, {transform_indices = @transform_3, window_bounds = array<i64: 1, 1>}, {pipeline_mode = #tpu.pipeline_mode<synchronous>, transform_indices = @transform_4, window_bounds = array<i64: 128, 128>}, {}, {}, {}]} {
    %get3A = arith.constant 0 : index
    %get3A_0 = arith.constant 0 : index
    %get3A_1 = vector.load %arg1[%get3A, %get3A_0] : memref<16x256xf32, #tpu.memory_space<vmem>>, vector<16x256xf32>
    %get3A_2 = arith.constant 0 : index
    %get3A_3 = arith.constant 0 : index
    %get3A_4 = vector.load %arg2[%get3A_2, %get3A_3] : memref<256x8192xf32, #tpu.memory_space<vmem>>, vector<256x8192xf32>
    %dot_general3A = arith.constant dense<0.000000e+00> : vector<16x8192xf32>
    %dot_general3A_5 = tpu.matmul %get3A_1, %get3A_4, %dot_general3A {dimension_numbers = #tpu.dot_dimension_numbers<[1], [0], [0], [1], [0, 0, 1, 1], [], []>, transpose_lhs_hint = false} : vector<16x256xf32>, vector<256x8192xf32>, vector<16x8192xf32> -> vector<16x8192xf32>
    %reshape3A = vector.shape_cast %dot_general3A_5 : vector<16x8192xf32> to vector<16x64x128xf32>
    %mul3A = arith.mulf %reshape3A, %reshape3A : vector<16x64x128xf32>
    %reduce_sum3A = arith.constant dense<0.000000e+00> : vector<16x64xf32>
    %reduce_sum3A_6 = vector.multi_reduction <add>, %mul3A, %reduce_sum3A [2] : vector<16x64x128xf32> to vector<16x64xf32>
    %get3A_7 = arith.constant 0 : index
    %get3A_8 = arith.constant 0 : index
    %get3A_9 = vector.load %arg3[%get3A_7, %get3A_8] : memref<1x128xf32, #tpu.memory_space<vmem>>, vector<1x128xf32>
    %broadcast_in_dim3A = vector.shape_cast %get3A_9 : vector<1x128xf32> to vector<1x1x128xf32>
    %mul3A_10 = vector.broadcast %broadcast_in_dim3A : vector<1x1x128xf32> to vector<16x64x128xf32>
    %mul3A_11 = arith.mulf %reshape3A, %mul3A_10 : vector<16x64x128xf32>
    %reduce_sum3A_12 = arith.constant dense<0.000000e+00> : vector<16x64xf32>
    %reduce_sum3A_13 = vector.multi_reduction <add>, %mul3A_11, %reduce_sum3A_12 [2] : vector<16x64x128xf32> to vector<16x64xf32>
    %rsqrt3A = math.rsqrt %reduce_sum3A_6 : vector<16x64xf32>
    %mul3A_14 = arith.mulf %reduce_sum3A_13, %rsqrt3A : vector<16x64xf32>
    %gt3A = arith.constant 0.000000e+00 : f32
    %gt3A_15 = vector.broadcast %gt3A : f32 to vector<16x64xf32>
    %gt3A_16 = arith.cmpf ogt, %mul3A_14, %gt3A_15 : vector<16x64xf32>
    %exp3A = math.exp %mul3A_14 : vector<16x64xf32>
    %sub3A = arith.constant 1.000000e+00 : f32
    %sub3A_17 = vector.broadcast %sub3A : f32 to vector<16x64xf32>
    %sub3A_18 = arith.subf %exp3A, %sub3A_17 : vector<16x64xf32>
    %select_n3A = arith.select %gt3A_16, %mul3A_14, %sub3A_18 : vector<16x64xi1>, vector<16x64xf32>
    %get3A_19 = arith.constant 0 : index
    %get3A_20 = arith.constant 0 : index
    %get3A_21 = memref.load %arg4[%get3A_19, %get3A_20] : memref<1x1xf32, #tpu.memory_space<smem>>
    %add3A = vector.broadcast %get3A_21 : f32 to vector<16x64xf32>
    %add3A_22 = arith.addf %select_n3A, %add3A : vector<16x64xf32>
    %swap3A = arith.index_cast %arg0 : i32 to index
    %swap3A_23 = arith.constant 0 : index
    %swap3A_24 = arith.constant 0 : index
    %swap3A_25 = vector.load %arg10[%swap3A, %swap3A_23, %swap3A_24] : memref<32x16x64xf32, #tpu.memory_space<vmem>>, vector<1x16x64xf32>
    %swap3A_26 = vector.shape_cast %swap3A_25 : vector<1x16x64xf32> to vector<16x64xf32>
    %swap3A_27 = vector.shape_cast %add3A_22 : vector<16x64xf32> to vector<1x16x64xf32>
    tpu.vector_store %arg10[%swap3A, %swap3A_23, %swap3A_24], %swap3A_27 {strides = array<i32>} : memref<32x16x64xf32, #tpu.memory_space<vmem>>, vector<1x16x64xf32>,
    %reshape3A_28 = vector.shape_cast %reshape3A : vector<16x64x128xf32> to vector<1024x128xf32>
    %get3A_29 = arith.constant 0 : index
    %get3A_30 = arith.constant 0 : index
    %get3A_31 = vector.load %arg5[%get3A_29, %get3A_30] : memref<128x128xf32, #tpu.memory_space<vmem>>, vector<128x128xf32>
    %dot_general3A_32 = arith.constant dense<0.000000e+00> : vector<1024x128xf32>
    %dot_general3A_33 = tpu.matmul %reshape3A_28, %get3A_31, %dot_general3A_32 {dimension_numbers = #tpu.dot_dimension_numbers<[1], [0], [0], [1], [0, 0, 1, 1], [], []>, transpose_lhs_hint = false} : vector<1024x128xf32>, vector<128x128xf32>, vector<1024x128xf32> -> vector<1024x128xf32>
    %reshape3A_34 = vector.shape_cast %dot_general3A_33 : vector<1024x128xf32> to vector<16x64x128xf32>
    %mul3A_35 = arith.constant 64 : i32
    %mul3A_36 = arith.muli %arg0, %mul3A_35 : i32
    %swap3A_37 = arith.constant 0 : index
    %swap3A_38 = arith.index_cast %mul3A_36 : i32 to index
    %swap3A_39 = arith.constant 0 : index
    %swap3A_40 = vector.load %arg9[%swap3A_37, %swap3A_38, %swap3A_39] : memref<16x2048x128xf32, #tpu.memory_space<vmem>>, vector<16x64x128xf32>
    tpu.vector_store %arg9[%swap3A_37, %swap3A_38, %swap3A_39], %reshape3A_34 {strides = array<i32>} : memref<16x2048x128xf32, #tpu.memory_space<vmem>>, vector<16x64x128xf32>,
    %mul3A_41 = arith.constant 64 : i32
    %mul3A_42 = arith.muli %arg0, %mul3A_41 : i32
    %mul3A_43 = arith.constant 64 : i32
    %mul3A_44 = arith.muli %arg0, %mul3A_43 : i32
    %dma_start3A = tpu.memref_slice %arg13[%arg0] : memref<35x!tpu.dma_semaphore, #tpu.memory_space<semaphore_mem>> -> memref<1x!tpu.dma_semaphore, #tpu.memory_space<semaphore_mem>>
    %dma_start3A_45 = tpu.memref_squeeze %dma_start3A : memref<1x!tpu.dma_semaphore, #tpu.memory_space<semaphore_mem>> -> memref<!tpu.dma_semaphore, #tpu.memory_space<semaphore_mem>>
    %dma_start3A_46 = arith.constant 0 : i32
    %dma_start3A_47 = arith.constant 0 : i32
    %dma_start3A_48 = tpu.memref_slice %arg6[%dma_start3A_46, %mul3A_44, %dma_start3A_47] : memref<16x2048x128xf32, #tpu.memory_space<any>> -> memref<16x64x128xf32, #tpu.memory_space<any>>
    %dma_start3A_49 = arith.constant 0 : i32
    %dma_start3A_50 = arith.constant 0 : i32
    %dma_start3A_51 = tpu.memref_slice %arg9[%dma_start3A_49, %mul3A_42, %dma_start3A_50] : memref<16x2048x128xf32, #tpu.memory_space<vmem>> -> memref<16x64x128xf32, #tpu.memory_space<vmem>>
    tpu.enqueue_dma source(%dma_start3A_51 : memref<16x64x128xf32, #tpu.memory_space<vmem>>) target(%dma_start3A_48 : memref<16x64x128xf32, #tpu.memory_space<any>>) target_semaphore(%dma_start3A_45 : memref<!tpu.dma_semaphore, #tpu.memory_space<semaphore_mem>>)
    %eq3A = arith.constant 31 : i32
    %eq3A_52 = arith.cmpi eq, %arg0, %eq3A : i32
    %convert_element_type3A = arith.extui %eq3A_52 : i1 to i32
    %cond3A = arith.constant 0 : i32
    %cond3A_53 = arith.cmpi ne, %convert_element_type3A, %cond3A : i32
    scf.if %cond3A_53 {
      %get3A_54 = arith.constant 0 : index
      %get3A_55 = arith.constant 0 : index
      %get3A_56 = arith.constant 0 : index
      %get3A_57 = vector.load %arg10[%get3A_54, %get3A_55, %get3A_56] : memref<32x16x64xf32, #tpu.memory_space<vmem>>, vector<32x16x64xf32>
      %dma_start3A_58 = arith.constant 0 : i32
      %dma_start3A_59 = arith.constant 0 : i32
      %dma_start3A_60 = arith.constant 34 : i32
      %dma_start3A_61 = tpu.memref_slice %arg13[%dma_start3A_60] : memref<35x!tpu.dma_semaphore, #tpu.memory_space<semaphore_mem>> -> memref<1x!tpu.dma_semaphore, #tpu.memory_space<semaphore_mem>>
      %dma_start3A_62 = tpu.memref_squeeze %dma_start3A_61 : memref<1x!tpu.dma_semaphore, #tpu.memory_space<semaphore_mem>> -> memref<!tpu.dma_semaphore, #tpu.memory_space<semaphore_mem>>
      %dma_start3A_63 = arith.constant 0 : i32
      %dma_start3A_64 = arith.constant 0 : i32
      %dma_start3A_65 = tpu.memref_slice %arg8[%dma_start3A_59, %dma_start3A_63, %dma_start3A_64] : memref<16x32x64xf32, #tpu.memory_space<any>> -> memref<1x32x64xf32, #tpu.memory_space<any>>
      %dma_start3A_66 = tpu.memref_squeeze %dma_start3A_65 : memref<1x32x64xf32, #tpu.memory_space<any>> -> memref<32x64xf32, #tpu.memory_space<any>>
      %dma_start3A_67 = arith.constant 0 : i32
      %dma_start3A_68 = arith.constant 0 : i32
      %dma_start3A_69 = tpu.memref_slice %arg10[%dma_start3A_67, %dma_start3A_58, %dma_start3A_68] : memref<32x16x64xf32, #tpu.memory_space<vmem>> -> memref<32x1x64xf32, #tpu.memory_space<vmem>>
      %dma_start3A_70 = tpu.memref_squeeze %dma_start3A_69 : memref<32x1x64xf32, #tpu.memory_space<vmem>> -> memref<32x64xf32, #tpu.memory_space<vmem>>
      tpu.enqueue_dma source(%dma_start3A_70 : memref<32x64xf32, #tpu.memory_space<vmem>>) target(%dma_start3A_66 : memref<32x64xf32, #tpu.memory_space<any>>) target_semaphore(%dma_start3A_62 : memref<!tpu.dma_semaphore, #tpu.memory_space<semaphore_mem>>)
      %dma_start3A_71 = arith.constant 1 : i32
      %dma_start3A_72 = arith.constant 1 : i32
      %dma_start3A_73 = arith.constant 34 : i32
      %dma_start3A_74 = tpu.memref_slice %arg13[%dma_start3A_73] : memref<35x!tpu.dma_semaphore, #tpu.memory_space<semaphore_mem>> -> memref<1x!tpu.dma_semaphore, #tpu.memory_space<semaphore_mem>>
      %dma_start3A_75 = tpu.memref_squeeze %dma_start3A_74 : memref<1x!tpu.dma_semaphore, #tpu.memory_space<semaphore_mem>> -> memref<!tpu.dma_semaphore, #tpu.memory_space<semaphore_mem>>
      %dma_start3A_76 = arith.constant 0 : i32
      %dma_start3A_77 = arith.constant 0 : i32
      %dma_start3A_78 = tpu.memref_slice %arg8[%dma_start3A_72, %dma_start3A_76, %dma_start3A_77] : memref<16x32x64xf32, #tpu.memory_space<any>> -> memref<1x32x64xf32, #tpu.memory_space<any>>
      %dma_start3A_79 = tpu.memref_squeeze %dma_start3A_78 : memref<1x32x64xf32, #tpu.memory_space<any>> -> memref<32x64xf32, #tpu.memory_space<any>>
      %dma_start3A_80 = arith.constant 0 : i32
      %dma_start3A_81 = arith.constant 0 : i32
      %dma_start3A_82 = tpu.memref_slice %arg10[%dma_start3A_80, %dma_start3A_71, %dma_start3A_81] : memref<32x16x64xf32, #tpu.memory_space<vmem>> -> memref<32x1x64xf32, #tpu.memory_space<vmem>>
      %dma_start3A_83 = tpu.memref_squeeze %dma_start3A_82 : memref<32x1x64xf32, #tpu.memory_space<vmem>> -> memref<32x64xf32, #tpu.memory_space<vmem>>
      tpu.enqueue_dma source(%dma_start3A_83 : memref<32x64xf32, #tpu.memory_space<vmem>>) target(%dma_start3A_79 : memref<32x64xf32, #tpu.memory_space<any>>) target_semaphore(%dma_start3A_75 : memref<!tpu.dma_semaphore, #tpu.memory_space<semaphore_mem>>)
      %dma_start3A_84 = arith.constant 2 : i32
      %dma_start3A_85 = arith.constant 2 : i32
      %dma_start3A_86 = arith.constant 34 : i32
      %dma_start3A_87 = tpu.memref_slice %arg13[%dma_start3A_86] : memref<35x!tpu.dma_semaphore, #tpu.memory_space<semaphore_mem>> -> memref<1x!tpu.dma_semaphore, #tpu.memory_space<semaphore_mem>>
      %dma_start3A_88 = tpu.memref_squeeze %dma_start3A_87 : memref<1x!tpu.dma_semaphore, #tpu.memory_space<semaphore_mem>> -> memref<!tpu.dma_semaphore, #tpu.memory_space<semaphore_mem>>
      %dma_start3A_89 = arith.constant 0 : i32
      %dma_start3A_90 = arith.constant 0 : i32
      %dma_start3A_91 = tpu.memref_slice %arg8[%dma_start3A_85, %dma_start3A_89, %dma_start3A_90] : memref<16x32x64xf32, #tpu.memory_space<any>> -> memref<1x32x64xf32, #tpu.memory_space<any>>
      %dma_start3A_92 = tpu.memref_squeeze %dma_start3A_91 : memref<1x32x64xf32, #tpu.memory_space<any>> -> memref<32x64xf32, #tpu.memory_space<any>>
      %dma_start3A_93 = arith.constant 0 : i32
      %dma_start3A_94 = arith.constant 0 : i32
      %dma_start3A_95 = tpu.memref_slice %arg10[%dma_start3A_93, %dma_start3A_84, %dma_start3A_94] : memref<32x16x64xf32, #tpu.memory_space<vmem>> -> memref<32x1x64xf32, #tpu.memory_space<vmem>>
      %dma_start3A_96 = tpu.memref_squeeze %dma_start3A_95 : memref<32x1x64xf32, #tpu.memory_space<vmem>> -> memref<32x64xf32, #tpu.memory_space<vmem>>
      tpu.enqueue_dma source(%dma_start3A_96 : memref<32x64xf32, #tpu.memory_space<vmem>>) target(%dma_start3A_92 : memref<32x64xf32, #tpu.memory_space<any>>) target_semaphore(%dma_start3A_88 : memref<!tpu.dma_semaphore, #tpu.memory_space<semaphore_mem>>)
      %dma_start3A_97 = arith.constant 3 : i32
      %dma_start3A_98 = arith.constant 3 : i32
      %dma_start3A_99 = arith.constant 34 : i32
      %dma_start3A_100 = tpu.memref_slice %arg13[%dma_start3A_99] : memref<35x!tpu.dma_semaphore, #tpu.memory_space<semaphore_mem>> -> memref<1x!tpu.dma_semaphore, #tpu.memory_space<semaphore_mem>>
      %dma_start3A_101 = tpu.memref_squeeze %dma_start3A_100 : memref<1x!tpu.dma_semaphore, #tpu.memory_space<semaphore_mem>> -> memref<!tpu.dma_semaphore, #tpu.memory_space<semaphore_mem>>
      %dma_start3A_102 = arith.constant 0 : i32
      %dma_start3A_103 = arith.constant 0 : i32
      %dma_start3A_104 = tpu.memref_slice %arg8[%dma_start3A_98, %dma_start3A_102, %dma_start3A_103] : memref<16x32x64xf32, #tpu.memory_space<any>> -> memref<1x32x64xf32, #tpu.memory_space<any>>
      %dma_start3A_105 = tpu.memref_squeeze %dma_start3A_104 : memref<1x32x64xf32, #tpu.memory_space<any>> -> memref<32x64xf32, #tpu.memory_space<any>>
      %dma_start3A_106 = arith.constant 0 : i32
      %dma_start3A_107 = arith.constant 0 : i32
      %dma_start3A_108 = tpu.memref_slice %arg10[%dma_start3A_106, %dma_start3A_97, %dma_start3A_107] : memref<32x16x64xf32, #tpu.memory_space<vmem>> -> memref<32x1x64xf32, #tpu.memory_space<vmem>>
      %dma_start3A_109 = tpu.memref_squeeze %dma_start3A_108 : memref<32x1x64xf32, #tpu.memory_space<vmem>> -> memref<32x64xf32, #tpu.memory_space<vmem>>
      tpu.enqueue_dma source(%dma_start3A_109 : memref<32x64xf32, #tpu.memory_space<vmem>>) target(%dma_start3A_105 : memref<32x64xf32, #tpu.memory_space<any>>) target_semaphore(%dma_start3A_101 : memref<!tpu.dma_semaphore, #tpu.memory_space<semaphore_mem>>)
      %dma_start3A_110 = arith.constant 4 : i32
      %dma_start3A_111 = arith.constant 4 : i32
      %dma_start3A_112 = arith.constant 34 : i32
      %dma_start3A_113 = tpu.memref_slice %arg13[%dma_start3A_112] : memref<35x!tpu.dma_semaphore, #tpu.memory_space<semaphore_mem>> -> memref<1x!tpu.dma_semaphore, #tpu.memory_space<semaphore_mem>>
      %dma_start3A_114 = tpu.memref_squeeze %dma_start3A_113 : memref<1x!tpu.dma_semaphore, #tpu.memory_space<semaphore_mem>> -> memref<!tpu.dma_semaphore, #tpu.memory_space<semaphore_mem>>
      %dma_start3A_115 = arith.constant 0 : i32
      %dma_start3A_116 = arith.constant 0 : i32
      %dma_start3A_117 = tpu.memref_slice %arg8[%dma_start3A_111, %dma_start3A_115, %dma_start3A_116] : memref<16x32x64xf32, #tpu.memory_space<any>> -> memref<1x32x64xf32, #tpu.memory_space<any>>
      %dma_start3A_118 = tpu.memref_squeeze %dma_start3A_117 : memref<1x32x64xf32, #tpu.memory_space<any>> -> memref<32x64xf32, #tpu.memory_space<any>>
      %dma_start3A_119 = arith.constant 0 : i32
      %dma_start3A_120 = arith.constant 0 : i32
      %dma_start3A_121 = tpu.memref_slice %arg10[%dma_start3A_119, %dma_start3A_110, %dma_start3A_120] : memref<32x16x64xf32, #tpu.memory_space<vmem>> -> memref<32x1x64xf32, #tpu.memory_space<vmem>>
      %dma_start3A_122 = tpu.memref_squeeze %dma_start3A_121 : memref<32x1x64xf32, #tpu.memory_space<vmem>> -> memref<32x64xf32, #tpu.memory_space<vmem>>
      tpu.enqueue_dma source(%dma_start3A_122 : memref<32x64xf32, #tpu.memory_space<vmem>>) target(%dma_start3A_118 : memref<32x64xf32, #tpu.memory_space<any>>) target_semaphore(%dma_start3A_114 : memref<!tpu.dma_semaphore, #tpu.memory_space<semaphore_mem>>)
      %dma_start3A_123 = arith.constant 5 : i32
      %dma_start3A_124 = arith.constant 5 : i32
      %dma_start3A_125 = arith.constant 34 : i32
      %dma_start3A_126 = tpu.memref_slice %arg13[%dma_start3A_125] : memref<35x!tpu.dma_semaphore, #tpu.memory_space<semaphore_mem>> -> memref<1x!tpu.dma_semaphore, #tpu.memory_space<semaphore_mem>>
      %dma_start3A_127 = tpu.memref_squeeze %dma_start3A_126 : memref<1x!tpu.dma_semaphore, #tpu.memory_space<semaphore_mem>> -> memref<!tpu.dma_semaphore, #tpu.memory_space<semaphore_mem>>
      %dma_start3A_128 = arith.constant 0 : i32
      %dma_start3A_129 = arith.constant 0 : i32
      %dma_start3A_130 = tpu.memref_slice %arg8[%dma_start3A_124, %dma_start3A_128, %dma_start3A_129] : memref<16x32x64xf32, #tpu.memory_space<any>> -> memref<1x32x64xf32, #tpu.memory_space<any>>
      %dma_start3A_131 = tpu.memref_squeeze %dma_start3A_130 : memref<1x32x64xf32, #tpu.memory_space<any>> -> memref<32x64xf32, #tpu.memory_space<any>>
      %dma_start3A_132 = arith.constant 0 : i32
      %dma_start3A_133 = arith.constant 0 : i32
      %dma_start3A_134 = tpu.memref_slice %arg10[%dma_start3A_132, %dma_start3A_123, %dma_start3A_133] : memref<32x16x64xf32, #tpu.memory_space<vmem>> -> memref<32x1x64xf32, #tpu.memory_space<vmem>>
      %dma_start3A_135 = tpu.memref_squeeze %dma_start3A_134 : memref<32x1x64xf32, #tpu.memory_space<vmem>> -> memref<32x64xf32, #tpu.memory_space<vmem>>
      tpu.enqueue_dma source(%dma_start3A_135 : memref<32x64xf32, #tpu.memory_space<vmem>>) target(%dma_start3A_131 : memref<32x64xf32, #tpu.memory_space<any>>) target_semaphore(%dma_start3A_127 : memref<!tpu.dma_semaphore, #tpu.memory_space<semaphore_mem>>)
      %dma_start3A_136 = arith.constant 6 : i32
      %dma_start3A_137 = arith.constant 6 : i32
      %dma_start3A_138 = arith.constant 34 : i32
      %dma_start3A_139 = tpu.memref_slice %arg13[%dma_start3A_138] : memref<35x!tpu.dma_semaphore, #tpu.memory_space<semaphore_mem>> -> memref<1x!tpu.dma_semaphore, #tpu.memory_space<semaphore_mem>>
      %dma_start3A_140 = tpu.memref_squeeze %dma_start3A_139 : memref<1x!tpu.dma_semaphore, #tpu.memory_space<semaphore_mem>> -> memref<!tpu.dma_semaphore, #tpu.memory_space<semaphore_mem>>
      %dma_start3A_141 = arith.constant 0 : i32
      %dma_start3A_142 = arith.constant 0 : i32
      %dma_start3A_143 = tpu.memref_slice %arg8[%dma_start3A_137, %dma_start3A_141, %dma_start3A_142] : memref<16x32x64xf32, #tpu.memory_space<any>> -> memref<1x32x64xf32, #tpu.memory_space<any>>
      %dma_start3A_144 = tpu.memref_squeeze %dma_start3A_143 : memref<1x32x64xf32, #tpu.memory_space<any>> -> memref<32x64xf32, #tpu.memory_space<any>>
      %dma_start3A_145 = arith.constant 0 : i32
      %dma_start3A_146 = arith.constant 0 : i32
      %dma_start3A_147 = tpu.memref_slice %arg10[%dma_start3A_145, %dma_start3A_136, %dma_start3A_146] : memref<32x16x64xf32, #tpu.memory_space<vmem>> -> memref<32x1x64xf32, #tpu.memory_space<vmem>>
      %dma_start3A_148 = tpu.memref_squeeze %dma_start3A_147 : memref<32x1x64xf32, #tpu.memory_space<vmem>> -> memref<32x64xf32, #tpu.memory_space<vmem>>
      tpu.enqueue_dma source(%dma_start3A_148 : memref<32x64xf32, #tpu.memory_space<vmem>>) target(%dma_start3A_144 : memref<32x64xf32, #tpu.memory_space<any>>) target_semaphore(%dma_start3A_140 : memref<!tpu.dma_semaphore, #tpu.memory_space<semaphore_mem>>)
      %dma_start3A_149 = arith.constant 7 : i32
      %dma_start3A_150 = arith.constant 7 : i32
      %dma_start3A_151 = arith.constant 34 : i32
      %dma_start3A_152 = tpu.memref_slice %arg13[%dma_start3A_151] : memref<35x!tpu.dma_semaphore, #tpu.memory_space<semaphore_mem>> -> memref<1x!tpu.dma_semaphore, #tpu.memory_space<semaphore_mem>>
      %dma_start3A_153 = tpu.memref_squeeze %dma_start3A_152 : memref<1x!tpu.dma_semaphore, #tpu.memory_space<semaphore_mem>> -> memref<!tpu.dma_semaphore, #tpu.memory_space<semaphore_mem>>
      %dma_start3A_154 = arith.constant 0 : i32
      %dma_start3A_155 = arith.constant 0 : i32
      %dma_start3A_156 = tpu.memref_slice %arg8[%dma_start3A_150, %dma_start3A_154, %dma_start3A_155] : memref<16x32x64xf32, #tpu.memory_space<any>> -> memref<1x32x64xf32, #tpu.memory_space<any>>
      %dma_start3A_157 = tpu.memref_squeeze %dma_start3A_156 : memref<1x32x64xf32, #tpu.memory_space<any>> -> memref<32x64xf32, #tpu.memory_space<any>>
      %dma_start3A_158 = arith.constant 0 : i32
      %dma_start3A_159 = arith.constant 0 : i32
      %dma_start3A_160 = tpu.memref_slice %arg10[%dma_start3A_158, %dma_start3A_149, %dma_start3A_159] : memref<32x16x64xf32, #tpu.memory_space<vmem>> -> memref<32x1x64xf32, #tpu.memory_space<vmem>>
      %dma_start3A_161 = tpu.memref_squeeze %dma_start3A_160 : memref<32x1x64xf32, #tpu.memory_space<vmem>> -> memref<32x64xf32, #tpu.memory_space<vmem>>
      tpu.enqueue_dma source(%dma_start3A_161 : memref<32x64xf32, #tpu.memory_space<vmem>>) target(%dma_start3A_157 : memref<32x64xf32, #tpu.memory_space<any>>) target_semaphore(%dma_start3A_153 : memref<!tpu.dma_semaphore, #tpu.memory_space<semaphore_mem>>)
      %dma_start3A_162 = arith.constant 8 : i32
      %dma_start3A_163 = arith.constant 8 : i32
      %dma_start3A_164 = arith.constant 34 : i32
      %dma_start3A_165 = tpu.memref_slice %arg13[%dma_start3A_164] : memref<35x!tpu.dma_semaphore, #tpu.memory_space<semaphore_mem>> -> memref<1x!tpu.dma_semaphore, #tpu.memory_space<semaphore_mem>>
      %dma_start3A_166 = tpu.memref_squeeze %dma_start3A_165 : memref<1x!tpu.dma_semaphore, #tpu.memory_space<semaphore_mem>> -> memref<!tpu.dma_semaphore, #tpu.memory_space<semaphore_mem>>
      %dma_start3A_167 = arith.constant 0 : i32
      %dma_start3A_168 = arith.constant 0 : i32
      %dma_start3A_169 = tpu.memref_slice %arg8[%dma_start3A_163, %dma_start3A_167, %dma_start3A_168] : memref<16x32x64xf32, #tpu.memory_space<any>> -> memref<1x32x64xf32, #tpu.memory_space<any>>
      %dma_start3A_170 = tpu.memref_squeeze %dma_start3A_169 : memref<1x32x64xf32, #tpu.memory_space<any>> -> memref<32x64xf32, #tpu.memory_space<any>>
      %dma_start3A_171 = arith.constant 0 : i32
      %dma_start3A_172 = arith.constant 0 : i32
      %dma_start3A_173 = tpu.memref_slice %arg10[%dma_start3A_171, %dma_start3A_162, %dma_start3A_172] : memref<32x16x64xf32, #tpu.memory_space<vmem>> -> memref<32x1x64xf32, #tpu.memory_space<vmem>>
      %dma_start3A_174 = tpu.memref_squeeze %dma_start3A_173 : memref<32x1x64xf32, #tpu.memory_space<vmem>> -> memref<32x64xf32, #tpu.memory_space<vmem>>
      tpu.enqueue_dma source(%dma_start3A_174 : memref<32x64xf32, #tpu.memory_space<vmem>>) target(%dma_start3A_170 : memref<32x64xf32, #tpu.memory_space<any>>) target_semaphore(%dma_start3A_166 : memref<!tpu.dma_semaphore, #tpu.memory_space<semaphore_mem>>)
      %dma_start3A_175 = arith.constant 9 : i32
      %dma_start3A_176 = arith.constant 9 : i32
      %dma_start3A_177 = arith.constant 34 : i32
      %dma_start3A_178 = tpu.memref_slice %arg13[%dma_start3A_177] : memref<35x!tpu.dma_semaphore, #tpu.memory_space<semaphore_mem>> -> memref<1x!tpu.dma_semaphore, #tpu.memory_space<semaphore_mem>>
      %dma_start3A_179 = tpu.memref_squeeze %dma_start3A_178 : memref<1x!tpu.dma_semaphore, #tpu.memory_space<semaphore_mem>> -> memref<!tpu.dma_semaphore, #tpu.memory_space<semaphore_mem>>
      %dma_start3A_180 = arith.constant 0 : i32
      %dma_start3A_181 = arith.constant 0 : i32
      %dma_start3A_182 = tpu.memref_slice %arg8[%dma_start3A_176, %dma_start3A_180, %dma_start3A_181] : memref<16x32x64xf32, #tpu.memory_space<any>> -> memref<1x32x64xf32, #tpu.memory_space<any>>
      %dma_start3A_183 = tpu.memref_squeeze %dma_start3A_182 : memref<1x32x64xf32, #tpu.memory_space<any>> -> memref<32x64xf32, #tpu.memory_space<any>>
      %dma_start3A_184 = arith.constant 0 : i32
      %dma_start3A_185 = arith.constant 0 : i32
      %dma_start3A_186 = tpu.memref_slice %arg10[%dma_start3A_184, %dma_start3A_175, %dma_start3A_185] : memref<32x16x64xf32, #tpu.memory_space<vmem>> -> memref<32x1x64xf32, #tpu.memory_space<vmem>>
      %dma_start3A_187 = tpu.memref_squeeze %dma_start3A_186 : memref<32x1x64xf32, #tpu.memory_space<vmem>> -> memref<32x64xf32, #tpu.memory_space<vmem>>
      tpu.enqueue_dma source(%dma_start3A_187 : memref<32x64xf32, #tpu.memory_space<vmem>>) target(%dma_start3A_183 : memref<32x64xf32, #tpu.memory_space<any>>) target_semaphore(%dma_start3A_179 : memref<!tpu.dma_semaphore, #tpu.memory_space<semaphore_mem>>)
      %dma_start3A_188 = arith.constant 10 : i32
      %dma_start3A_189 = arith.constant 10 : i32
      %dma_start3A_190 = arith.constant 34 : i32
      %dma_start3A_191 = tpu.memref_slice %arg13[%dma_start3A_190] : memref<35x!tpu.dma_semaphore, #tpu.memory_space<semaphore_mem>> -> memref<1x!tpu.dma_semaphore, #tpu.memory_space<semaphore_mem>>
      %dma_start3A_192 = tpu.memref_squeeze %dma_start3A_191 : memref<1x!tpu.dma_semaphore, #tpu.memory_space<semaphore_mem>> -> memref<!tpu.dma_semaphore, #tpu.memory_space<semaphore_mem>>
      %dma_start3A_193 = arith.constant 0 : i32
      %dma_start3A_194 = arith.constant 0 : i32
      %dma_start3A_195 = tpu.memref_slice %arg8[%dma_start3A_189, %dma_start3A_193, %dma_start3A_194] : memref<16x32x64xf32, #tpu.memory_space<any>> -> memref<1x32x64xf32, #tpu.memory_space<any>>
      %dma_start3A_196 = tpu.memref_squeeze %dma_start3A_195 : memref<1x32x64xf32, #tpu.memory_space<any>> -> memref<32x64xf32, #tpu.memory_space<any>>
      %dma_start3A_197 = arith.constant 0 : i32
      %dma_start3A_198 = arith.constant 0 : i32
      %dma_start3A_199 = tpu.memref_slice %arg10[%dma_start3A_197, %dma_start3A_188, %dma_start3A_198] : memref<32x16x64xf32, #tpu.memory_space<vmem>> -> memref<32x1x64xf32, #tpu.memory_space<vmem>>
      %dma_start3A_200 = tpu.memref_squeeze %dma_start3A_199 : memref<32x1x64xf32, #tpu.memory_space<vmem>> -> memref<32x64xf32, #tpu.memory_space<vmem>>
      tpu.enqueue_dma source(%dma_start3A_200 : memref<32x64xf32, #tpu.memory_space<vmem>>) target(%dma_start3A_196 : memref<32x64xf32, #tpu.memory_space<any>>) target_semaphore(%dma_start3A_192 : memref<!tpu.dma_semaphore, #tpu.memory_space<semaphore_mem>>)
      %dma_start3A_201 = arith.constant 11 : i32
      %dma_start3A_202 = arith.constant 11 : i32
      %dma_start3A_203 = arith.constant 34 : i32
      %dma_start3A_204 = tpu.memref_slice %arg13[%dma_start3A_203] : memref<35x!tpu.dma_semaphore, #tpu.memory_space<semaphore_mem>> -> memref<1x!tpu.dma_semaphore, #tpu.memory_space<semaphore_mem>>
      %dma_start3A_205 = tpu.memref_squeeze %dma_start3A_204 : memref<1x!tpu.dma_semaphore, #tpu.memory_space<semaphore_mem>> -> memref<!tpu.dma_semaphore, #tpu.memory_space<semaphore_mem>>
      %dma_start3A_206 = arith.constant 0 : i32
      %dma_start3A_207 = arith.constant 0 : i32
      %dma_start3A_208 = tpu.memref_slice %arg8[%dma_start3A_202, %dma_start3A_206, %dma_start3A_207] : memref<16x32x64xf32, #tpu.memory_space<any>> -> memref<1x32x64xf32, #tpu.memory_space<any>>
      %dma_start3A_209 = tpu.memref_squeeze %dma_start3A_208 : memref<1x32x64xf32, #tpu.memory_space<any>> -> memref<32x64xf32, #tpu.memory_space<any>>
      %dma_start3A_210 = arith.constant 0 : i32
      %dma_start3A_211 = arith.constant 0 : i32
      %dma_start3A_212 = tpu.memref_slice %arg10[%dma_start3A_210, %dma_start3A_201, %dma_start3A_211] : memref<32x16x64xf32, #tpu.memory_space<vmem>> -> memref<32x1x64xf32, #tpu.memory_space<vmem>>
      %dma_start3A_213 = tpu.memref_squeeze %dma_start3A_212 : memref<32x1x64xf32, #tpu.memory_space<vmem>> -> memref<32x64xf32, #tpu.memory_space<vmem>>
      tpu.enqueue_dma source(%dma_start3A_213 : memref<32x64xf32, #tpu.memory_space<vmem>>) target(%dma_start3A_209 : memref<32x64xf32, #tpu.memory_space<any>>) target_semaphore(%dma_start3A_205 : memref<!tpu.dma_semaphore, #tpu.memory_space<semaphore_mem>>)
      %dma_start3A_214 = arith.constant 12 : i32
      %dma_start3A_215 = arith.constant 12 : i32
      %dma_start3A_216 = arith.constant 34 : i32
      %dma_start3A_217 = tpu.memref_slice %arg13[%dma_start3A_216] : memref<35x!tpu.dma_semaphore, #tpu.memory_space<semaphore_mem>> -> memref<1x!tpu.dma_semaphore, #tpu.memory_space<semaphore_mem>>
      %dma_start3A_218 = tpu.memref_squeeze %dma_start3A_217 : memref<1x!tpu.dma_semaphore, #tpu.memory_space<semaphore_mem>> -> memref<!tpu.dma_semaphore, #tpu.memory_space<semaphore_mem>>
      %dma_start3A_219 = arith.constant 0 : i32
      %dma_start3A_220 = arith.constant 0 : i32
      %dma_start3A_221 = tpu.memref_slice %arg8[%dma_start3A_215, %dma_start3A_219, %dma_start3A_220] : memref<16x32x64xf32, #tpu.memory_space<any>> -> memref<1x32x64xf32, #tpu.memory_space<any>>
      %dma_start3A_222 = tpu.memref_squeeze %dma_start3A_221 : memref<1x32x64xf32, #tpu.memory_space<any>> -> memref<32x64xf32, #tpu.memory_space<any>>
      %dma_start3A_223 = arith.constant 0 : i32
      %dma_start3A_224 = arith.constant 0 : i32
      %dma_start3A_225 = tpu.memref_slice %arg10[%dma_start3A_223, %dma_start3A_214, %dma_start3A_224] : memref<32x16x64xf32, #tpu.memory_space<vmem>> -> memref<32x1x64xf32, #tpu.memory_space<vmem>>
      %dma_start3A_226 = tpu.memref_squeeze %dma_start3A_225 : memref<32x1x64xf32, #tpu.memory_space<vmem>> -> memref<32x64xf32, #tpu.memory_space<vmem>>
      tpu.enqueue_dma source(%dma_start3A_226 : memref<32x64xf32, #tpu.memory_space<vmem>>) target(%dma_start3A_222 : memref<32x64xf32, #tpu.memory_space<any>>) target_semaphore(%dma_start3A_218 : memref<!tpu.dma_semaphore, #tpu.memory_space<semaphore_mem>>)
      %dma_start3A_227 = arith.constant 13 : i32
      %dma_start3A_228 = arith.constant 13 : i32
      %dma_start3A_229 = arith.constant 34 : i32
      %dma_start3A_230 = tpu.memref_slice %arg13[%dma_start3A_229] : memref<35x!tpu.dma_semaphore, #tpu.memory_space<semaphore_mem>> -> memref<1x!tpu.dma_semaphore, #tpu.memory_space<semaphore_mem>>
      %dma_start3A_231 = tpu.memref_squeeze %dma_start3A_230 : memref<1x!tpu.dma_semaphore, #tpu.memory_space<semaphore_mem>> -> memref<!tpu.dma_semaphore, #tpu.memory_space<semaphore_mem>>
      %dma_start3A_232 = arith.constant 0 : i32
      %dma_start3A_233 = arith.constant 0 : i32
      %dma_start3A_234 = tpu.memref_slice %arg8[%dma_start3A_228, %dma_start3A_232, %dma_start3A_233] : memref<16x32x64xf32, #tpu.memory_space<any>> -> memref<1x32x64xf32, #tpu.memory_space<any>>
      %dma_start3A_235 = tpu.memref_squeeze %dma_start3A_234 : memref<1x32x64xf32, #tpu.memory_space<any>> -> memref<32x64xf32, #tpu.memory_space<any>>
      %dma_start3A_236 = arith.constant 0 : i32
      %dma_start3A_237 = arith.constant 0 : i32
      %dma_start3A_238 = tpu.memref_slice %arg10[%dma_start3A_236, %dma_start3A_227, %dma_start3A_237] : memref<32x16x64xf32, #tpu.memory_space<vmem>> -> memref<32x1x64xf32, #tpu.memory_space<vmem>>
      %dma_start3A_239 = tpu.memref_squeeze %dma_start3A_238 : memref<32x1x64xf32, #tpu.memory_space<vmem>> -> memref<32x64xf32, #tpu.memory_space<vmem>>
      tpu.enqueue_dma source(%dma_start3A_239 : memref<32x64xf32, #tpu.memory_space<vmem>>) target(%dma_start3A_235 : memref<32x64xf32, #tpu.memory_space<any>>) target_semaphore(%dma_start3A_231 : memref<!tpu.dma_semaphore, #tpu.memory_space<semaphore_mem>>)
      %dma_start3A_240 = arith.constant 14 : i32
      %dma_start3A_241 = arith.constant 14 : i32
      %dma_start3A_242 = arith.constant 34 : i32
      %dma_start3A_243 = tpu.memref_slice %arg13[%dma_start3A_242] : memref<35x!tpu.dma_semaphore, #tpu.memory_space<semaphore_mem>> -> memref<1x!tpu.dma_semaphore, #tpu.memory_space<semaphore_mem>>
      %dma_start3A_244 = tpu.memref_squeeze %dma_start3A_243 : memref<1x!tpu.dma_semaphore, #tpu.memory_space<semaphore_mem>> -> memref<!tpu.dma_semaphore, #tpu.memory_space<semaphore_mem>>
      %dma_start3A_245 = arith.constant 0 : i32
      %dma_start3A_246 = arith.constant 0 : i32
      %dma_start3A_247 = tpu.memref_slice %arg8[%dma_start3A_241, %dma_start3A_245, %dma_start3A_246] : memref<16x32x64xf32, #tpu.memory_space<any>> -> memref<1x32x64xf32, #tpu.memory_space<any>>
      %dma_start3A_248 = tpu.memref_squeeze %dma_start3A_247 : memref<1x32x64xf32, #tpu.memory_space<any>> -> memref<32x64xf32, #tpu.memory_space<any>>
      %dma_start3A_249 = arith.constant 0 : i32
      %dma_start3A_250 = arith.constant 0 : i32
      %dma_start3A_251 = tpu.memref_slice %arg10[%dma_start3A_249, %dma_start3A_240, %dma_start3A_250] : memref<32x16x64xf32, #tpu.memory_space<vmem>> -> memref<32x1x64xf32, #tpu.memory_space<vmem>>
      %dma_start3A_252 = tpu.memref_squeeze %dma_start3A_251 : memref<32x1x64xf32, #tpu.memory_space<vmem>> -> memref<32x64xf32, #tpu.memory_space<vmem>>
      tpu.enqueue_dma source(%dma_start3A_252 : memref<32x64xf32, #tpu.memory_space<vmem>>) target(%dma_start3A_248 : memref<32x64xf32, #tpu.memory_space<any>>) target_semaphore(%dma_start3A_244 : memref<!tpu.dma_semaphore, #tpu.memory_space<semaphore_mem>>)
      %dma_start3A_253 = arith.constant 15 : i32
      %dma_start3A_254 = arith.constant 15 : i32
      %dma_start3A_255 = arith.constant 34 : i32
      %dma_start3A_256 = tpu.memref_slice %arg13[%dma_start3A_255] : memref<35x!tpu.dma_semaphore, #tpu.memory_space<semaphore_mem>> -> memref<1x!tpu.dma_semaphore, #tpu.memory_space<semaphore_mem>>
      %dma_start3A_257 = tpu.memref_squeeze %dma_start3A_256 : memref<1x!tpu.dma_semaphore, #tpu.memory_space<semaphore_mem>> -> memref<!tpu.dma_semaphore, #tpu.memory_space<semaphore_mem>>
      %dma_start3A_258 = arith.constant 0 : i32
      %dma_start3A_259 = arith.constant 0 : i32
      %dma_start3A_260 = tpu.memref_slice %arg8[%dma_start3A_254, %dma_start3A_258, %dma_start3A_259] : memref<16x32x64xf32, #tpu.memory_space<any>> -> memref<1x32x64xf32, #tpu.memory_space<any>>
      %dma_start3A_261 = tpu.memref_squeeze %dma_start3A_260 : memref<1x32x64xf32, #tpu.memory_space<any>> -> memref<32x64xf32, #tpu.memory_space<any>>
      %dma_start3A_262 = arith.constant 0 : i32
      %dma_start3A_263 = arith.constant 0 : i32
      %dma_start3A_264 = tpu.memref_slice %arg10[%dma_start3A_262, %dma_start3A_253, %dma_start3A_263] : memref<32x16x64xf32, #tpu.memory_space<vmem>> -> memref<32x1x64xf32, #tpu.memory_space<vmem>>
      %dma_start3A_265 = tpu.memref_squeeze %dma_start3A_264 : memref<32x1x64xf32, #tpu.memory_space<vmem>> -> memref<32x64xf32, #tpu.memory_space<vmem>>
      tpu.enqueue_dma source(%dma_start3A_265 : memref<32x64xf32, #tpu.memory_space<vmem>>) target(%dma_start3A_261 : memref<32x64xf32, #tpu.memory_space<any>>) target_semaphore(%dma_start3A_257 : memref<!tpu.dma_semaphore, #tpu.memory_space<semaphore_mem>>)
      %reduce_max3A = arith.constant dense<0xFF800000> : vector<32x16xf32>
      %reduce_max3A_266 = vector.multi_reduction <maximumf>, %get3A_57, %reduce_max3A [2] : vector<32x16x64xf32> to vector<32x16xf32>
      %broadcast_in_dim3A_267 = vector.shape_cast %reduce_max3A_266 : vector<32x16xf32> to vector<32x16x1xf32>
      %reduce_max3A_268 = arith.constant dense<0xFF800000> : vector<16x1xf32>
      %reduce_max3A_269 = vector.multi_reduction <maximumf>, %broadcast_in_dim3A_267, %reduce_max3A_268 [0] : vector<32x16x1xf32> to vector<16x1xf32>
      %broadcast_in_dim3A_270 = vector.shape_cast %reduce_max3A_269 : vector<16x1xf32> to vector<1x16x1xf32>
      %sub3A_271 = vector.broadcast %broadcast_in_dim3A_270 : vector<1x16x1xf32> to vector<32x16x64xf32>
      %sub3A_272 = arith.subf %get3A_57, %sub3A_271 : vector<32x16x64xf32>
      %exp3A_273 = math.exp %sub3A_272 : vector<32x16x64xf32>
      %reduce_sum3A_274 = arith.constant dense<0.000000e+00> : vector<32x16xf32>
      %reduce_sum3A_275 = vector.multi_reduction <add>, %exp3A_273, %reduce_sum3A_274 [2] : vector<32x16x64xf32> to vector<32x16xf32>
      %broadcast_in_dim3A_276 = vector.shape_cast %reduce_sum3A_275 : vector<32x16xf32> to vector<32x16x1xf32>
      %reduce_sum3A_277 = arith.constant dense<0.000000e+00> : vector<16x1xf32>
      %reduce_sum3A_278 = vector.multi_reduction <add>, %broadcast_in_dim3A_276, %reduce_sum3A_277 [0] : vector<32x16x1xf32> to vector<16x1xf32>
      %broadcast_in_dim3A_279 = vector.shape_cast %reduce_sum3A_278 : vector<16x1xf32> to vector<1x16x1xf32>
      %lt3A = arith.constant 2.000000e+00 : f32
      %lt3A_280 = vector.broadcast %lt3A : f32 to vector<1x16x1xf32>
      %lt3A_281 = arith.cmpf olt, %broadcast_in_dim3A_279, %lt3A_280 : vector<1x16x1xf32>
      %gt3A_282 = arith.constant 0.000000e+00 : f32
      %gt3A_283 = vector.broadcast %gt3A_282 : f32 to vector<1x16x1xf32>
      %gt3A_284 = arith.cmpf ogt, %broadcast_in_dim3A_270, %gt3A_283 : vector<1x16x1xf32>
      %and3A = arith.andi %lt3A_281, %gt3A_284 : vector<1x16x1xi1>
      %iota3A = tpu.iota {dimensions = array<i32: 0>} : vector<32x16x64xi32>
      %mul3A_285 = arith.constant 64 : i32
      %mul3A_286 = vector.broadcast %mul3A_285 : i32 to vector<32x16x64xi32>
      %mul3A_287 = arith.muli %iota3A, %mul3A_286 : vector<32x16x64xi32>
      %iota3A_288 = tpu.iota {dimensions = array<i32: 2>} : vector<32x16x64xi32>
      %add3A_289 = arith.addi %mul3A_287, %iota3A_288 : vector<32x16x64xi32>
      %eq3A_290 = vector.broadcast %broadcast_in_dim3A_270 : vector<1x16x1xf32> to vector<32x16x64xf32>
      %eq3A_291 = arith.cmpf oeq, %get3A_57, %eq3A_290 : vector<32x16x64xf32>
      %jit3A = arith.constant 2048 : i32
      %broadcast_in_dim3A_292 = vector.broadcast %jit3A : i32 to vector<32x16x64xi32>
      %select_n3A_293 = arith.select %eq3A_291, %add3A_289, %broadcast_in_dim3A_292 : vector<32x16x64xi1>, vector<32x16x64xi32>
      %reduce_min3A = arith.constant dense<2147483647> : vector<32x16xi32>
      %reduce_min3A_294 = vector.multi_reduction <minsi>, %select_n3A_293, %reduce_min3A [2] : vector<32x16x64xi32> to vector<32x16xi32>
      %broadcast_in_dim3A_295 = vector.shape_cast %reduce_min3A_294 : vector<32x16xi32> to vector<32x16x1xi32>
      %reduce_min3A_296 = arith.constant dense<2147483647> : vector<16x1xi32>
      %reduce_min3A_297 = vector.multi_reduction <minsi>, %broadcast_in_dim3A_295, %reduce_min3A_296 [0] : vector<32x16x1xi32> to vector<16x1xi32>
      %broadcast_in_dim3A_298 = vector.shape_cast %reduce_min3A_297 : vector<16x1xi32> to vector<1x16x1xi32>
      %jit3A_299 = arith.constant 2048 : i32
      %broadcast_in_dim3A_300 = vector.broadcast %jit3A_299 : i32 to vector<1x16x1xi32>
      %select_n3A_301 = arith.select %and3A, %broadcast_in_dim3A_298, %broadcast_in_dim3A_300 : vector<1x16x1xi1>, vector<1x16x1xi32>
      %reshape3A_302 = vector.shape_cast %select_n3A_301 : vector<1x16x1xi32> to vector<16x1xi32>
      %swap3A_303 = arith.constant 0 : index
      %swap3A_304 = arith.constant 0 : index
      %swap3A_305 = vector.load %arg11[%swap3A_303, %swap3A_304] : memref<16x1xi32, #tpu.memory_space<vmem>>, vector<16x1xi32>
      tpu.vector_store %arg11[%swap3A_303, %swap3A_304], %reshape3A_302 {strides = array<i32>} : memref<16x1xi32, #tpu.memory_space<vmem>>, vector<16x1xi32>,
      %dma_start3A_306 = arith.constant 32 : i32
      %dma_start3A_307 = tpu.memref_slice %arg13[%dma_start3A_306] : memref<35x!tpu.dma_semaphore, #tpu.memory_space<semaphore_mem>> -> memref<1x!tpu.dma_semaphore, #tpu.memory_space<semaphore_mem>>
      %dma_start3A_308 = tpu.memref_squeeze %dma_start3A_307 : memref<1x!tpu.dma_semaphore, #tpu.memory_space<semaphore_mem>> -> memref<!tpu.dma_semaphore, #tpu.memory_space<semaphore_mem>>
      tpu.enqueue_dma source(%arg11 : memref<16x1xi32, #tpu.memory_space<vmem>>) target(%arg7 : memref<16x1xi32, #tpu.memory_space<any>>) target_semaphore(%dma_start3A_308 : memref<!tpu.dma_semaphore, #tpu.memory_space<semaphore_mem>>)
      %dma_start3A_309 = arith.constant 33 : i32
      %dma_start3A_310 = tpu.memref_slice %arg13[%dma_start3A_309] : memref<35x!tpu.dma_semaphore, #tpu.memory_space<semaphore_mem>> -> memref<1x!tpu.dma_semaphore, #tpu.memory_space<semaphore_mem>>
      %dma_start3A_311 = tpu.memref_squeeze %dma_start3A_310 : memref<1x!tpu.dma_semaphore, #tpu.memory_space<semaphore_mem>> -> memref<!tpu.dma_semaphore, #tpu.memory_space<semaphore_mem>>
      tpu.enqueue_dma source(%arg11 : memref<16x1xi32, #tpu.memory_space<vmem>>) target(%arg12 : memref<16x1xi32, #tpu.memory_space<smem>>) target_semaphore(%dma_start3A_311 : memref<!tpu.dma_semaphore, #tpu.memory_space<semaphore_mem>>)
      %dma_wait3A = arith.constant 0 : i32
      %dma_wait3A_312 = tpu.memref_slice %arg13[%dma_wait3A] : memref<35x!tpu.dma_semaphore, #tpu.memory_space<semaphore_mem>> -> memref<1x!tpu.dma_semaphore, #tpu.memory_space<semaphore_mem>>
      %dma_wait3A_313 = tpu.memref_squeeze %dma_wait3A_312 : memref<1x!tpu.dma_semaphore, #tpu.memory_space<semaphore_mem>> -> memref<!tpu.dma_semaphore, #tpu.memory_space<semaphore_mem>>
      %dma_wait3A_314 = arith.constant 0 : i32
      %dma_wait3A_315 = arith.constant 0 : i32
      %dma_wait3A_316 = arith.constant 0 : i32
      %dma_wait3A_317 = tpu.memref_slice %arg6[%dma_wait3A_314, %dma_wait3A_315, %dma_wait3A_316] : memref<16x2048x128xf32, #tpu.memory_space<any>> -> memref<16x64x128xf32, #tpu.memory_space<any>>
      %dma_wait3A_318 = arith.constant 0 : i32
      %dma_wait3A_319 = arith.constant 0 : i32
      %dma_wait3A_320 = arith.constant 0 : i32
      %dma_wait3A_321 = tpu.memref_slice %arg9[%dma_wait3A_318, %dma_wait3A_319, %dma_wait3A_320] : memref<16x2048x128xf32, #tpu.memory_space<vmem>> -> memref<16x64x128xf32, #tpu.memory_space<vmem>>
      tpu.wait_dma2 semaphore(%dma_wait3A_313 : memref<!tpu.dma_semaphore, #tpu.memory_space<semaphore_mem>>) src(%dma_wait3A_321 : memref<16x64x128xf32, #tpu.memory_space<vmem>>) dst(%dma_wait3A_317 : memref<16x64x128xf32, #tpu.memory_space<any>>)
      %dma_wait3A_322 = arith.constant 1 : i32
      %dma_wait3A_323 = tpu.memref_slice %arg13[%dma_wait3A_322] : memref<35x!tpu.dma_semaphore, #tpu.memory_space<semaphore_mem>> -> memref<1x!tpu.dma_semaphore, #tpu.memory_space<semaphore_mem>>
      %dma_wait3A_324 = tpu.memref_squeeze %dma_wait3A_323 : memref<1x!tpu.dma_semaphore, #tpu.memory_space<semaphore_mem>> -> memref<!tpu.dma_semaphore, #tpu.memory_space<semaphore_mem>>
      %dma_wait3A_325 = arith.constant 0 : i32
      %dma_wait3A_326 = arith.constant 64 : i32
      %dma_wait3A_327 = arith.constant 0 : i32
      %dma_wait3A_328 = tpu.memref_slice %arg6[%dma_wait3A_325, %dma_wait3A_326, %dma_wait3A_327] : memref<16x2048x128xf32, #tpu.memory_space<any>> -> memref<16x64x128xf32, #tpu.memory_space<any>>
      %dma_wait3A_329 = arith.constant 0 : i32
      %dma_wait3A_330 = arith.constant 64 : i32
      %dma_wait3A_331 = arith.constant 0 : i32
      %dma_wait3A_332 = tpu.memref_slice %arg9[%dma_wait3A_329, %dma_wait3A_330, %dma_wait3A_331] : memref<16x2048x128xf32, #tpu.memory_space<vmem>> -> memref<16x64x128xf32, #tpu.memory_space<vmem>>
      tpu.wait_dma2 semaphore(%dma_wait3A_324 : memref<!tpu.dma_semaphore, #tpu.memory_space<semaphore_mem>>) src(%dma_wait3A_332 : memref<16x64x128xf32, #tpu.memory_space<vmem>>) dst(%dma_wait3A_328 : memref<16x64x128xf32, #tpu.memory_space<any>>)
      %dma_wait3A_333 = arith.constant 2 : i32
      %dma_wait3A_334 = tpu.memref_slice %arg13[%dma_wait3A_333] : memref<35x!tpu.dma_semaphore, #tpu.memory_space<semaphore_mem>> -> memref<1x!tpu.dma_semaphore, #tpu.memory_space<semaphore_mem>>
      %dma_wait3A_335 = tpu.memref_squeeze %dma_wait3A_334 : memref<1x!tpu.dma_semaphore, #tpu.memory_space<semaphore_mem>> -> memref<!tpu.dma_semaphore, #tpu.memory_space<semaphore_mem>>
      %dma_wait3A_336 = arith.constant 0 : i32
      %dma_wait3A_337 = arith.constant 128 : i32
      %dma_wait3A_338 = arith.constant 0 : i32
      %dma_wait3A_339 = tpu.memref_slice %arg6[%dma_wait3A_336, %dma_wait3A_337, %dma_wait3A_338] : memref<16x2048x128xf32, #tpu.memory_space<any>> -> memref<16x64x128xf32, #tpu.memory_space<any>>
      %dma_wait3A_340 = arith.constant 0 : i32
      %dma_wait3A_341 = arith.constant 128 : i32
      %dma_wait3A_342 = arith.constant 0 : i32
      %dma_wait3A_343 = tpu.memref_slice %arg9[%dma_wait3A_340, %dma_wait3A_341, %dma_wait3A_342] : memref<16x2048x128xf32, #tpu.memory_space<vmem>> -> memref<16x64x128xf32, #tpu.memory_space<vmem>>
      tpu.wait_dma2 semaphore(%dma_wait3A_335 : memref<!tpu.dma_semaphore, #tpu.memory_space<semaphore_mem>>) src(%dma_wait3A_343 : memref<16x64x128xf32, #tpu.memory_space<vmem>>) dst(%dma_wait3A_339 : memref<16x64x128xf32, #tpu.memory_space<any>>)
      %dma_wait3A_344 = arith.constant 3 : i32
      %dma_wait3A_345 = tpu.memref_slice %arg13[%dma_wait3A_344] : memref<35x!tpu.dma_semaphore, #tpu.memory_space<semaphore_mem>> -> memref<1x!tpu.dma_semaphore, #tpu.memory_space<semaphore_mem>>
      %dma_wait3A_346 = tpu.memref_squeeze %dma_wait3A_345 : memref<1x!tpu.dma_semaphore, #tpu.memory_space<semaphore_mem>> -> memref<!tpu.dma_semaphore, #tpu.memory_space<semaphore_mem>>
      %dma_wait3A_347 = arith.constant 0 : i32
      %dma_wait3A_348 = arith.constant 192 : i32
      %dma_wait3A_349 = arith.constant 0 : i32
      %dma_wait3A_350 = tpu.memref_slice %arg6[%dma_wait3A_347, %dma_wait3A_348, %dma_wait3A_349] : memref<16x2048x128xf32, #tpu.memory_space<any>> -> memref<16x64x128xf32, #tpu.memory_space<any>>
      %dma_wait3A_351 = arith.constant 0 : i32
      %dma_wait3A_352 = arith.constant 192 : i32
      %dma_wait3A_353 = arith.constant 0 : i32
      %dma_wait3A_354 = tpu.memref_slice %arg9[%dma_wait3A_351, %dma_wait3A_352, %dma_wait3A_353] : memref<16x2048x128xf32, #tpu.memory_space<vmem>> -> memref<16x64x128xf32, #tpu.memory_space<vmem>>
      tpu.wait_dma2 semaphore(%dma_wait3A_346 : memref<!tpu.dma_semaphore, #tpu.memory_space<semaphore_mem>>) src(%dma_wait3A_354 : memref<16x64x128xf32, #tpu.memory_space<vmem>>) dst(%dma_wait3A_350 : memref<16x64x128xf32, #tpu.memory_space<any>>)
      %dma_wait3A_355 = arith.constant 4 : i32
      %dma_wait3A_356 = tpu.memref_slice %arg13[%dma_wait3A_355] : memref<35x!tpu.dma_semaphore, #tpu.memory_space<semaphore_mem>> -> memref<1x!tpu.dma_semaphore, #tpu.memory_space<semaphore_mem>>
      %dma_wait3A_357 = tpu.memref_squeeze %dma_wait3A_356 : memref<1x!tpu.dma_semaphore, #tpu.memory_space<semaphore_mem>> -> memref<!tpu.dma_semaphore, #tpu.memory_space<semaphore_mem>>
      %dma_wait3A_358 = arith.constant 0 : i32
      %dma_wait3A_359 = arith.constant 256 : i32
      %dma_wait3A_360 = arith.constant 0 : i32
      %dma_wait3A_361 = tpu.memref_slice %arg6[%dma_wait3A_358, %dma_wait3A_359, %dma_wait3A_360] : memref<16x2048x128xf32, #tpu.memory_space<any>> -> memref<16x64x128xf32, #tpu.memory_space<any>>
      %dma_wait3A_362 = arith.constant 0 : i32
      %dma_wait3A_363 = arith.constant 256 : i32
      %dma_wait3A_364 = arith.constant 0 : i32
      %dma_wait3A_365 = tpu.memref_slice %arg9[%dma_wait3A_362, %dma_wait3A_363, %dma_wait3A_364] : memref<16x2048x128xf32, #tpu.memory_space<vmem>> -> memref<16x64x128xf32, #tpu.memory_space<vmem>>
      tpu.wait_dma2 semaphore(%dma_wait3A_357 : memref<!tpu.dma_semaphore, #tpu.memory_space<semaphore_mem>>) src(%dma_wait3A_365 : memref<16x64x128xf32, #tpu.memory_space<vmem>>) dst(%dma_wait3A_361 : memref<16x64x128xf32, #tpu.memory_space<any>>)
      %dma_wait3A_366 = arith.constant 5 : i32
      %dma_wait3A_367 = tpu.memref_slice %arg13[%dma_wait3A_366] : memref<35x!tpu.dma_semaphore, #tpu.memory_space<semaphore_mem>> -> memref<1x!tpu.dma_semaphore, #tpu.memory_space<semaphore_mem>>
      %dma_wait3A_368 = tpu.memref_squeeze %dma_wait3A_367 : memref<1x!tpu.dma_semaphore, #tpu.memory_space<semaphore_mem>> -> memref<!tpu.dma_semaphore, #tpu.memory_space<semaphore_mem>>
      %dma_wait3A_369 = arith.constant 0 : i32
      %dma_wait3A_370 = arith.constant 320 : i32
      %dma_wait3A_371 = arith.constant 0 : i32
      %dma_wait3A_372 = tpu.memref_slice %arg6[%dma_wait3A_369, %dma_wait3A_370, %dma_wait3A_371] : memref<16x2048x128xf32, #tpu.memory_space<any>> -> memref<16x64x128xf32, #tpu.memory_space<any>>
      %dma_wait3A_373 = arith.constant 0 : i32
      %dma_wait3A_374 = arith.constant 320 : i32
      %dma_wait3A_375 = arith.constant 0 : i32
      %dma_wait3A_376 = tpu.memref_slice %arg9[%dma_wait3A_373, %dma_wait3A_374, %dma_wait3A_375] : memref<16x2048x128xf32, #tpu.memory_space<vmem>> -> memref<16x64x128xf32, #tpu.memory_space<vmem>>
      tpu.wait_dma2 semaphore(%dma_wait3A_368 : memref<!tpu.dma_semaphore, #tpu.memory_space<semaphore_mem>>) src(%dma_wait3A_376 : memref<16x64x128xf32, #tpu.memory_space<vmem>>) dst(%dma_wait3A_372 : memref<16x64x128xf32, #tpu.memory_space<any>>)
      %dma_wait3A_377 = arith.constant 6 : i32
      %dma_wait3A_378 = tpu.memref_slice %arg13[%dma_wait3A_377] : memref<35x!tpu.dma_semaphore, #tpu.memory_space<semaphore_mem>> -> memref<1x!tpu.dma_semaphore, #tpu.memory_space<semaphore_mem>>
      %dma_wait3A_379 = tpu.memref_squeeze %dma_wait3A_378 : memref<1x!tpu.dma_semaphore, #tpu.memory_space<semaphore_mem>> -> memref<!tpu.dma_semaphore, #tpu.memory_space<semaphore_mem>>
      %dma_wait3A_380 = arith.constant 0 : i32
      %dma_wait3A_381 = arith.constant 384 : i32
      %dma_wait3A_382 = arith.constant 0 : i32
      %dma_wait3A_383 = tpu.memref_slice %arg6[%dma_wait3A_380, %dma_wait3A_381, %dma_wait3A_382] : memref<16x2048x128xf32, #tpu.memory_space<any>> -> memref<16x64x128xf32, #tpu.memory_space<any>>
      %dma_wait3A_384 = arith.constant 0 : i32
      %dma_wait3A_385 = arith.constant 384 : i32
      %dma_wait3A_386 = arith.constant 0 : i32
      %dma_wait3A_387 = tpu.memref_slice %arg9[%dma_wait3A_384, %dma_wait3A_385, %dma_wait3A_386] : memref<16x2048x128xf32, #tpu.memory_space<vmem>> -> memref<16x64x128xf32, #tpu.memory_space<vmem>>
      tpu.wait_dma2 semaphore(%dma_wait3A_379 : memref<!tpu.dma_semaphore, #tpu.memory_space<semaphore_mem>>) src(%dma_wait3A_387 : memref<16x64x128xf32, #tpu.memory_space<vmem>>) dst(%dma_wait3A_383 : memref<16x64x128xf32, #tpu.memory_space<any>>)
      %dma_wait3A_388 = arith.constant 7 : i32
      %dma_wait3A_389 = tpu.memref_slice %arg13[%dma_wait3A_388] : memref<35x!tpu.dma_semaphore, #tpu.memory_space<semaphore_mem>> -> memref<1x!tpu.dma_semaphore, #tpu.memory_space<semaphore_mem>>
      %dma_wait3A_390 = tpu.memref_squeeze %dma_wait3A_389 : memref<1x!tpu.dma_semaphore, #tpu.memory_space<semaphore_mem>> -> memref<!tpu.dma_semaphore, #tpu.memory_space<semaphore_mem>>
      %dma_wait3A_391 = arith.constant 0 : i32
      %dma_wait3A_392 = arith.constant 448 : i32
      %dma_wait3A_393 = arith.constant 0 : i32
      %dma_wait3A_394 = tpu.memref_slice %arg6[%dma_wait3A_391, %dma_wait3A_392, %dma_wait3A_393] : memref<16x2048x128xf32, #tpu.memory_space<any>> -> memref<16x64x128xf32, #tpu.memory_space<any>>
      %dma_wait3A_395 = arith.constant 0 : i32
      %dma_wait3A_396 = arith.constant 448 : i32
      %dma_wait3A_397 = arith.constant 0 : i32
      %dma_wait3A_398 = tpu.memref_slice %arg9[%dma_wait3A_395, %dma_wait3A_396, %dma_wait3A_397] : memref<16x2048x128xf32, #tpu.memory_space<vmem>> -> memref<16x64x128xf32, #tpu.memory_space<vmem>>
      tpu.wait_dma2 semaphore(%dma_wait3A_390 : memref<!tpu.dma_semaphore, #tpu.memory_space<semaphore_mem>>) src(%dma_wait3A_398 : memref<16x64x128xf32, #tpu.memory_space<vmem>>) dst(%dma_wait3A_394 : memref<16x64x128xf32, #tpu.memory_space<any>>)
      %dma_wait3A_399 = arith.constant 8 : i32
      %dma_wait3A_400 = tpu.memref_slice %arg13[%dma_wait3A_399] : memref<35x!tpu.dma_semaphore, #tpu.memory_space<semaphore_mem>> -> memref<1x!tpu.dma_semaphore, #tpu.memory_space<semaphore_mem>>
      %dma_wait3A_401 = tpu.memref_squeeze %dma_wait3A_400 : memref<1x!tpu.dma_semaphore, #tpu.memory_space<semaphore_mem>> -> memref<!tpu.dma_semaphore, #tpu.memory_space<semaphore_mem>>
      %dma_wait3A_402 = arith.constant 0 : i32
      %dma_wait3A_403 = arith.constant 512 : i32
      %dma_wait3A_404 = arith.constant 0 : i32
      %dma_wait3A_405 = tpu.memref_slice %arg6[%dma_wait3A_402, %dma_wait3A_403, %dma_wait3A_404] : memref<16x2048x128xf32, #tpu.memory_space<any>> -> memref<16x64x128xf32, #tpu.memory_space<any>>
      %dma_wait3A_406 = arith.constant 0 : i32
      %dma_wait3A_407 = arith.constant 512 : i32
      %dma_wait3A_408 = arith.constant 0 : i32
      %dma_wait3A_409 = tpu.memref_slice %arg9[%dma_wait3A_406, %dma_wait3A_407, %dma_wait3A_408] : memref<16x2048x128xf32, #tpu.memory_space<vmem>> -> memref<16x64x128xf32, #tpu.memory_space<vmem>>
      tpu.wait_dma2 semaphore(%dma_wait3A_401 : memref<!tpu.dma_semaphore, #tpu.memory_space<semaphore_mem>>) src(%dma_wait3A_409 : memref<16x64x128xf32, #tpu.memory_space<vmem>>) dst(%dma_wait3A_405 : memref<16x64x128xf32, #tpu.memory_space<any>>)
      %dma_wait3A_410 = arith.constant 9 : i32
      %dma_wait3A_411 = tpu.memref_slice %arg13[%dma_wait3A_410] : memref<35x!tpu.dma_semaphore, #tpu.memory_space<semaphore_mem>> -> memref<1x!tpu.dma_semaphore, #tpu.memory_space<semaphore_mem>>
      %dma_wait3A_412 = tpu.memref_squeeze %dma_wait3A_411 : memref<1x!tpu.dma_semaphore, #tpu.memory_space<semaphore_mem>> -> memref<!tpu.dma_semaphore, #tpu.memory_space<semaphore_mem>>
      %dma_wait3A_413 = arith.constant 0 : i32
      %dma_wait3A_414 = arith.constant 576 : i32
      %dma_wait3A_415 = arith.constant 0 : i32
      %dma_wait3A_416 = tpu.memref_slice %arg6[%dma_wait3A_413, %dma_wait3A_414, %dma_wait3A_415] : memref<16x2048x128xf32, #tpu.memory_space<any>> -> memref<16x64x128xf32, #tpu.memory_space<any>>
      %dma_wait3A_417 = arith.constant 0 : i32
      %dma_wait3A_418 = arith.constant 576 : i32
      %dma_wait3A_419 = arith.constant 0 : i32
      %dma_wait3A_420 = tpu.memref_slice %arg9[%dma_wait3A_417, %dma_wait3A_418, %dma_wait3A_419] : memref<16x2048x128xf32, #tpu.memory_space<vmem>> -> memref<16x64x128xf32, #tpu.memory_space<vmem>>
      tpu.wait_dma2 semaphore(%dma_wait3A_412 : memref<!tpu.dma_semaphore, #tpu.memory_space<semaphore_mem>>) src(%dma_wait3A_420 : memref<16x64x128xf32, #tpu.memory_space<vmem>>) dst(%dma_wait3A_416 : memref<16x64x128xf32, #tpu.memory_space<any>>)
      %dma_wait3A_421 = arith.constant 10 : i32
      %dma_wait3A_422 = tpu.memref_slice %arg13[%dma_wait3A_421] : memref<35x!tpu.dma_semaphore, #tpu.memory_space<semaphore_mem>> -> memref<1x!tpu.dma_semaphore, #tpu.memory_space<semaphore_mem>>
      %dma_wait3A_423 = tpu.memref_squeeze %dma_wait3A_422 : memref<1x!tpu.dma_semaphore, #tpu.memory_space<semaphore_mem>> -> memref<!tpu.dma_semaphore, #tpu.memory_space<semaphore_mem>>
      %dma_wait3A_424 = arith.constant 0 : i32
      %dma_wait3A_425 = arith.constant 640 : i32
      %dma_wait3A_426 = arith.constant 0 : i32
      %dma_wait3A_427 = tpu.memref_slice %arg6[%dma_wait3A_424, %dma_wait3A_425, %dma_wait3A_426] : memref<16x2048x128xf32, #tpu.memory_space<any>> -> memref<16x64x128xf32, #tpu.memory_space<any>>
      %dma_wait3A_428 = arith.constant 0 : i32
      %dma_wait3A_429 = arith.constant 640 : i32
      %dma_wait3A_430 = arith.constant 0 : i32
      %dma_wait3A_431 = tpu.memref_slice %arg9[%dma_wait3A_428, %dma_wait3A_429, %dma_wait3A_430] : memref<16x2048x128xf32, #tpu.memory_space<vmem>> -> memref<16x64x128xf32, #tpu.memory_space<vmem>>
      tpu.wait_dma2 semaphore(%dma_wait3A_423 : memref<!tpu.dma_semaphore, #tpu.memory_space<semaphore_mem>>) src(%dma_wait3A_431 : memref<16x64x128xf32, #tpu.memory_space<vmem>>) dst(%dma_wait3A_427 : memref<16x64x128xf32, #tpu.memory_space<any>>)
      %dma_wait3A_432 = arith.constant 11 : i32
      %dma_wait3A_433 = tpu.memref_slice %arg13[%dma_wait3A_432] : memref<35x!tpu.dma_semaphore, #tpu.memory_space<semaphore_mem>> -> memref<1x!tpu.dma_semaphore, #tpu.memory_space<semaphore_mem>>
      %dma_wait3A_434 = tpu.memref_squeeze %dma_wait3A_433 : memref<1x!tpu.dma_semaphore, #tpu.memory_space<semaphore_mem>> -> memref<!tpu.dma_semaphore, #tpu.memory_space<semaphore_mem>>
      %dma_wait3A_435 = arith.constant 0 : i32
      %dma_wait3A_436 = arith.constant 704 : i32
      %dma_wait3A_437 = arith.constant 0 : i32
      %dma_wait3A_438 = tpu.memref_slice %arg6[%dma_wait3A_435, %dma_wait3A_436, %dma_wait3A_437] : memref<16x2048x128xf32, #tpu.memory_space<any>> -> memref<16x64x128xf32, #tpu.memory_space<any>>
      %dma_wait3A_439 = arith.constant 0 : i32
      %dma_wait3A_440 = arith.constant 704 : i32
      %dma_wait3A_441 = arith.constant 0 : i32
      %dma_wait3A_442 = tpu.memref_slice %arg9[%dma_wait3A_439, %dma_wait3A_440, %dma_wait3A_441] : memref<16x2048x128xf32, #tpu.memory_space<vmem>> -> memref<16x64x128xf32, #tpu.memory_space<vmem>>
      tpu.wait_dma2 semaphore(%dma_wait3A_434 : memref<!tpu.dma_semaphore, #tpu.memory_space<semaphore_mem>>) src(%dma_wait3A_442 : memref<16x64x128xf32, #tpu.memory_space<vmem>>) dst(%dma_wait3A_438 : memref<16x64x128xf32, #tpu.memory_space<any>>)
      %dma_wait3A_443 = arith.constant 12 : i32
      %dma_wait3A_444 = tpu.memref_slice %arg13[%dma_wait3A_443] : memref<35x!tpu.dma_semaphore, #tpu.memory_space<semaphore_mem>> -> memref<1x!tpu.dma_semaphore, #tpu.memory_space<semaphore_mem>>
      %dma_wait3A_445 = tpu.memref_squeeze %dma_wait3A_444 : memref<1x!tpu.dma_semaphore, #tpu.memory_space<semaphore_mem>> -> memref<!tpu.dma_semaphore, #tpu.memory_space<semaphore_mem>>
      %dma_wait3A_446 = arith.constant 0 : i32
      %dma_wait3A_447 = arith.constant 768 : i32
      %dma_wait3A_448 = arith.constant 0 : i32
      %dma_wait3A_449 = tpu.memref_slice %arg6[%dma_wait3A_446, %dma_wait3A_447, %dma_wait3A_448] : memref<16x2048x128xf32, #tpu.memory_space<any>> -> memref<16x64x128xf32, #tpu.memory_space<any>>
      %dma_wait3A_450 = arith.constant 0 : i32
      %dma_wait3A_451 = arith.constant 768 : i32
      %dma_wait3A_452 = arith.constant 0 : i32
      %dma_wait3A_453 = tpu.memref_slice %arg9[%dma_wait3A_450, %dma_wait3A_451, %dma_wait3A_452] : memref<16x2048x128xf32, #tpu.memory_space<vmem>> -> memref<16x64x128xf32, #tpu.memory_space<vmem>>
      tpu.wait_dma2 semaphore(%dma_wait3A_445 : memref<!tpu.dma_semaphore, #tpu.memory_space<semaphore_mem>>) src(%dma_wait3A_453 : memref<16x64x128xf32, #tpu.memory_space<vmem>>) dst(%dma_wait3A_449 : memref<16x64x128xf32, #tpu.memory_space<any>>)
      %dma_wait3A_454 = arith.constant 13 : i32
      %dma_wait3A_455 = tpu.memref_slice %arg13[%dma_wait3A_454] : memref<35x!tpu.dma_semaphore, #tpu.memory_space<semaphore_mem>> -> memref<1x!tpu.dma_semaphore, #tpu.memory_space<semaphore_mem>>
      %dma_wait3A_456 = tpu.memref_squeeze %dma_wait3A_455 : memref<1x!tpu.dma_semaphore, #tpu.memory_space<semaphore_mem>> -> memref<!tpu.dma_semaphore, #tpu.memory_space<semaphore_mem>>
      %dma_wait3A_457 = arith.constant 0 : i32
      %dma_wait3A_458 = arith.constant 832 : i32
      %dma_wait3A_459 = arith.constant 0 : i32
      %dma_wait3A_460 = tpu.memref_slice %arg6[%dma_wait3A_457, %dma_wait3A_458, %dma_wait3A_459] : memref<16x2048x128xf32, #tpu.memory_space<any>> -> memref<16x64x128xf32, #tpu.memory_space<any>>
      %dma_wait3A_461 = arith.constant 0 : i32
      %dma_wait3A_462 = arith.constant 832 : i32
      %dma_wait3A_463 = arith.constant 0 : i32
      %dma_wait3A_464 = tpu.memref_slice %arg9[%dma_wait3A_461, %dma_wait3A_462, %dma_wait3A_463] : memref<16x2048x128xf32, #tpu.memory_space<vmem>> -> memref<16x64x128xf32, #tpu.memory_space<vmem>>
      tpu.wait_dma2 semaphore(%dma_wait3A_456 : memref<!tpu.dma_semaphore, #tpu.memory_space<semaphore_mem>>) src(%dma_wait3A_464 : memref<16x64x128xf32, #tpu.memory_space<vmem>>) dst(%dma_wait3A_460 : memref<16x64x128xf32, #tpu.memory_space<any>>)
      %dma_wait3A_465 = arith.constant 14 : i32
      %dma_wait3A_466 = tpu.memref_slice %arg13[%dma_wait3A_465] : memref<35x!tpu.dma_semaphore, #tpu.memory_space<semaphore_mem>> -> memref<1x!tpu.dma_semaphore, #tpu.memory_space<semaphore_mem>>
      %dma_wait3A_467 = tpu.memref_squeeze %dma_wait3A_466 : memref<1x!tpu.dma_semaphore, #tpu.memory_space<semaphore_mem>> -> memref<!tpu.dma_semaphore, #tpu.memory_space<semaphore_mem>>
      %dma_wait3A_468 = arith.constant 0 : i32
      %dma_wait3A_469 = arith.constant 896 : i32
      %dma_wait3A_470 = arith.constant 0 : i32
      %dma_wait3A_471 = tpu.memref_slice %arg6[%dma_wait3A_468, %dma_wait3A_469, %dma_wait3A_470] : memref<16x2048x128xf32, #tpu.memory_space<any>> -> memref<16x64x128xf32, #tpu.memory_space<any>>
      %dma_wait3A_472 = arith.constant 0 : i32
      %dma_wait3A_473 = arith.constant 896 : i32
      %dma_wait3A_474 = arith.constant 0 : i32
      %dma_wait3A_475 = tpu.memref_slice %arg9[%dma_wait3A_472, %dma_wait3A_473, %dma_wait3A_474] : memref<16x2048x128xf32, #tpu.memory_space<vmem>> -> memref<16x64x128xf32, #tpu.memory_space<vmem>>
      tpu.wait_dma2 semaphore(%dma_wait3A_467 : memref<!tpu.dma_semaphore, #tpu.memory_space<semaphore_mem>>) src(%dma_wait3A_475 : memref<16x64x128xf32, #tpu.memory_space<vmem>>) dst(%dma_wait3A_471 : memref<16x64x128xf32, #tpu.memory_space<any>>)
      %dma_wait3A_476 = arith.constant 15 : i32
      %dma_wait3A_477 = tpu.memref_slice %arg13[%dma_wait3A_476] : memref<35x!tpu.dma_semaphore, #tpu.memory_space<semaphore_mem>> -> memref<1x!tpu.dma_semaphore, #tpu.memory_space<semaphore_mem>>
      %dma_wait3A_478 = tpu.memref_squeeze %dma_wait3A_477 : memref<1x!tpu.dma_semaphore, #tpu.memory_space<semaphore_mem>> -> memref<!tpu.dma_semaphore, #tpu.memory_space<semaphore_mem>>
      %dma_wait3A_479 = arith.constant 0 : i32
      %dma_wait3A_480 = arith.constant 960 : i32
      %dma_wait3A_481 = arith.constant 0 : i32
      %dma_wait3A_482 = tpu.memref_slice %arg6[%dma_wait3A_479, %dma_wait3A_480, %dma_wait3A_481] : memref<16x2048x128xf32, #tpu.memory_space<any>> -> memref<16x64x128xf32, #tpu.memory_space<any>>
      %dma_wait3A_483 = arith.constant 0 : i32
      %dma_wait3A_484 = arith.constant 960 : i32
      %dma_wait3A_485 = arith.constant 0 : i32
      %dma_wait3A_486 = tpu.memref_slice %arg9[%dma_wait3A_483, %dma_wait3A_484, %dma_wait3A_485] : memref<16x2048x128xf32, #tpu.memory_space<vmem>> -> memref<16x64x128xf32, #tpu.memory_space<vmem>>
      tpu.wait_dma2 semaphore(%dma_wait3A_478 : memref<!tpu.dma_semaphore, #tpu.memory_space<semaphore_mem>>) src(%dma_wait3A_486 : memref<16x64x128xf32, #tpu.memory_space<vmem>>) dst(%dma_wait3A_482 : memref<16x64x128xf32, #tpu.memory_space<any>>)
      %dma_wait3A_487 = arith.constant 16 : i32
      %dma_wait3A_488 = tpu.memref_slice %arg13[%dma_wait3A_487] : memref<35x!tpu.dma_semaphore, #tpu.memory_space<semaphore_mem>> -> memref<1x!tpu.dma_semaphore, #tpu.memory_space<semaphore_mem>>
      %dma_wait3A_489 = tpu.memref_squeeze %dma_wait3A_488 : memref<1x!tpu.dma_semaphore, #tpu.memory_space<semaphore_mem>> -> memref<!tpu.dma_semaphore, #tpu.memory_space<semaphore_mem>>
      %dma_wait3A_490 = arith.constant 0 : i32
      %dma_wait3A_491 = arith.constant 1024 : i32
      %dma_wait3A_492 = arith.constant 0 : i32
      %dma_wait3A_493 = tpu.memref_slice %arg6[%dma_wait3A_490, %dma_wait3A_491, %dma_wait3A_492] : memref<16x2048x128xf32, #tpu.memory_space<any>> -> memref<16x64x128xf32, #tpu.memory_space<any>>
      %dma_wait3A_494 = arith.constant 0 : i32
      %dma_wait3A_495 = arith.constant 1024 : i32
      %dma_wait3A_496 = arith.constant 0 : i32
      %dma_wait3A_497 = tpu.memref_slice %arg9[%dma_wait3A_494, %dma_wait3A_495, %dma_wait3A_496] : memref<16x2048x128xf32, #tpu.memory_space<vmem>> -> memref<16x64x128xf32, #tpu.memory_space<vmem>>
      tpu.wait_dma2 semaphore(%dma_wait3A_489 : memref<!tpu.dma_semaphore, #tpu.memory_space<semaphore_mem>>) src(%dma_wait3A_497 : memref<16x64x128xf32, #tpu.memory_space<vmem>>) dst(%dma_wait3A_493 : memref<16x64x128xf32, #tpu.memory_space<any>>)
      %dma_wait3A_498 = arith.constant 17 : i32
      %dma_wait3A_499 = tpu.memref_slice %arg13[%dma_wait3A_498] : memref<35x!tpu.dma_semaphore, #tpu.memory_space<semaphore_mem>> -> memref<1x!tpu.dma_semaphore, #tpu.memory_space<semaphore_mem>>
      %dma_wait3A_500 = tpu.memref_squeeze %dma_wait3A_499 : memref<1x!tpu.dma_semaphore, #tpu.memory_space<semaphore_mem>> -> memref<!tpu.dma_semaphore, #tpu.memory_space<semaphore_mem>>
      %dma_wait3A_501 = arith.constant 0 : i32
      %dma_wait3A_502 = arith.constant 1088 : i32
      %dma_wait3A_503 = arith.constant 0 : i32
      %dma_wait3A_504 = tpu.memref_slice %arg6[%dma_wait3A_501, %dma_wait3A_502, %dma_wait3A_503] : memref<16x2048x128xf32, #tpu.memory_space<any>> -> memref<16x64x128xf32, #tpu.memory_space<any>>
      %dma_wait3A_505 = arith.constant 0 : i32
      %dma_wait3A_506 = arith.constant 1088 : i32
      %dma_wait3A_507 = arith.constant 0 : i32
      %dma_wait3A_508 = tpu.memref_slice %arg9[%dma_wait3A_505, %dma_wait3A_506, %dma_wait3A_507] : memref<16x2048x128xf32, #tpu.memory_space<vmem>> -> memref<16x64x128xf32, #tpu.memory_space<vmem>>
      tpu.wait_dma2 semaphore(%dma_wait3A_500 : memref<!tpu.dma_semaphore, #tpu.memory_space<semaphore_mem>>) src(%dma_wait3A_508 : memref<16x64x128xf32, #tpu.memory_space<vmem>>) dst(%dma_wait3A_504 : memref<16x64x128xf32, #tpu.memory_space<any>>)
      %dma_wait3A_509 = arith.constant 18 : i32
      %dma_wait3A_510 = tpu.memref_slice %arg13[%dma_wait3A_509] : memref<35x!tpu.dma_semaphore, #tpu.memory_space<semaphore_mem>> -> memref<1x!tpu.dma_semaphore, #tpu.memory_space<semaphore_mem>>
      %dma_wait3A_511 = tpu.memref_squeeze %dma_wait3A_510 : memref<1x!tpu.dma_semaphore, #tpu.memory_space<semaphore_mem>> -> memref<!tpu.dma_semaphore, #tpu.memory_space<semaphore_mem>>
      %dma_wait3A_512 = arith.constant 0 : i32
      %dma_wait3A_513 = arith.constant 1152 : i32
      %dma_wait3A_514 = arith.constant 0 : i32
      %dma_wait3A_515 = tpu.memref_slice %arg6[%dma_wait3A_512, %dma_wait3A_513, %dma_wait3A_514] : memref<16x2048x128xf32, #tpu.memory_space<any>> -> memref<16x64x128xf32, #tpu.memory_space<any>>
      %dma_wait3A_516 = arith.constant 0 : i32
      %dma_wait3A_517 = arith.constant 1152 : i32
      %dma_wait3A_518 = arith.constant 0 : i32
      %dma_wait3A_519 = tpu.memref_slice %arg9[%dma_wait3A_516, %dma_wait3A_517, %dma_wait3A_518] : memref<16x2048x128xf32, #tpu.memory_space<vmem>> -> memref<16x64x128xf32, #tpu.memory_space<vmem>>
      tpu.wait_dma2 semaphore(%dma_wait3A_511 : memref<!tpu.dma_semaphore, #tpu.memory_space<semaphore_mem>>) src(%dma_wait3A_519 : memref<16x64x128xf32, #tpu.memory_space<vmem>>) dst(%dma_wait3A_515 : memref<16x64x128xf32, #tpu.memory_space<any>>)
      %dma_wait3A_520 = arith.constant 19 : i32
      %dma_wait3A_521 = tpu.memref_slice %arg13[%dma_wait3A_520] : memref<35x!tpu.dma_semaphore, #tpu.memory_space<semaphore_mem>> -> memref<1x!tpu.dma_semaphore, #tpu.memory_space<semaphore_mem>>
      %dma_wait3A_522 = tpu.memref_squeeze %dma_wait3A_521 : memref<1x!tpu.dma_semaphore, #tpu.memory_space<semaphore_mem>> -> memref<!tpu.dma_semaphore, #tpu.memory_space<semaphore_mem>>
      %dma_wait3A_523 = arith.constant 0 : i32
      %dma_wait3A_524 = arith.constant 1216 : i32
      %dma_wait3A_525 = arith.constant 0 : i32
      %dma_wait3A_526 = tpu.memref_slice %arg6[%dma_wait3A_523, %dma_wait3A_524, %dma_wait3A_525] : memref<16x2048x128xf32, #tpu.memory_space<any>> -> memref<16x64x128xf32, #tpu.memory_space<any>>
      %dma_wait3A_527 = arith.constant 0 : i32
      %dma_wait3A_528 = arith.constant 1216 : i32
      %dma_wait3A_529 = arith.constant 0 : i32
      %dma_wait3A_530 = tpu.memref_slice %arg9[%dma_wait3A_527, %dma_wait3A_528, %dma_wait3A_529] : memref<16x2048x128xf32, #tpu.memory_space<vmem>> -> memref<16x64x128xf32, #tpu.memory_space<vmem>>
      tpu.wait_dma2 semaphore(%dma_wait3A_522 : memref<!tpu.dma_semaphore, #tpu.memory_space<semaphore_mem>>) src(%dma_wait3A_530 : memref<16x64x128xf32, #tpu.memory_space<vmem>>) dst(%dma_wait3A_526 : memref<16x64x128xf32, #tpu.memory_space<any>>)
      %dma_wait3A_531 = arith.constant 20 : i32
      %dma_wait3A_532 = tpu.memref_slice %arg13[%dma_wait3A_531] : memref<35x!tpu.dma_semaphore, #tpu.memory_space<semaphore_mem>> -> memref<1x!tpu.dma_semaphore, #tpu.memory_space<semaphore_mem>>
      %dma_wait3A_533 = tpu.memref_squeeze %dma_wait3A_532 : memref<1x!tpu.dma_semaphore, #tpu.memory_space<semaphore_mem>> -> memref<!tpu.dma_semaphore, #tpu.memory_space<semaphore_mem>>
      %dma_wait3A_534 = arith.constant 0 : i32
      %dma_wait3A_535 = arith.constant 1280 : i32
      %dma_wait3A_536 = arith.constant 0 : i32
      %dma_wait3A_537 = tpu.memref_slice %arg6[%dma_wait3A_534, %dma_wait3A_535, %dma_wait3A_536] : memref<16x2048x128xf32, #tpu.memory_space<any>> -> memref<16x64x128xf32, #tpu.memory_space<any>>
      %dma_wait3A_538 = arith.constant 0 : i32
      %dma_wait3A_539 = arith.constant 1280 : i32
      %dma_wait3A_540 = arith.constant 0 : i32
      %dma_wait3A_541 = tpu.memref_slice %arg9[%dma_wait3A_538, %dma_wait3A_539, %dma_wait3A_540] : memref<16x2048x128xf32, #tpu.memory_space<vmem>> -> memref<16x64x128xf32, #tpu.memory_space<vmem>>
      tpu.wait_dma2 semaphore(%dma_wait3A_533 : memref<!tpu.dma_semaphore, #tpu.memory_space<semaphore_mem>>) src(%dma_wait3A_541 : memref<16x64x128xf32, #tpu.memory_space<vmem>>) dst(%dma_wait3A_537 : memref<16x64x128xf32, #tpu.memory_space<any>>)
      %dma_wait3A_542 = arith.constant 21 : i32
      %dma_wait3A_543 = tpu.memref_slice %arg13[%dma_wait3A_542] : memref<35x!tpu.dma_semaphore, #tpu.memory_space<semaphore_mem>> -> memref<1x!tpu.dma_semaphore, #tpu.memory_space<semaphore_mem>>
      %dma_wait3A_544 = tpu.memref_squeeze %dma_wait3A_543 : memref<1x!tpu.dma_semaphore, #tpu.memory_space<semaphore_mem>> -> memref<!tpu.dma_semaphore, #tpu.memory_space<semaphore_mem>>
      %dma_wait3A_545 = arith.constant 0 : i32
      %dma_wait3A_546 = arith.constant 1344 : i32
      %dma_wait3A_547 = arith.constant 0 : i32
      %dma_wait3A_548 = tpu.memref_slice %arg6[%dma_wait3A_545, %dma_wait3A_546, %dma_wait3A_547] : memref<16x2048x128xf32, #tpu.memory_space<any>> -> memref<16x64x128xf32, #tpu.memory_space<any>>
      %dma_wait3A_549 = arith.constant 0 : i32
      %dma_wait3A_550 = arith.constant 1344 : i32
      %dma_wait3A_551 = arith.constant 0 : i32
      %dma_wait3A_552 = tpu.memref_slice %arg9[%dma_wait3A_549, %dma_wait3A_550, %dma_wait3A_551] : memref<16x2048x128xf32, #tpu.memory_space<vmem>> -> memref<16x64x128xf32, #tpu.memory_space<vmem>>
      tpu.wait_dma2 semaphore(%dma_wait3A_544 : memref<!tpu.dma_semaphore, #tpu.memory_space<semaphore_mem>>) src(%dma_wait3A_552 : memref<16x64x128xf32, #tpu.memory_space<vmem>>) dst(%dma_wait3A_548 : memref<16x64x128xf32, #tpu.memory_space<any>>)
      %dma_wait3A_553 = arith.constant 22 : i32
      %dma_wait3A_554 = tpu.memref_slice %arg13[%dma_wait3A_553] : memref<35x!tpu.dma_semaphore, #tpu.memory_space<semaphore_mem>> -> memref<1x!tpu.dma_semaphore, #tpu.memory_space<semaphore_mem>>
      %dma_wait3A_555 = tpu.memref_squeeze %dma_wait3A_554 : memref<1x!tpu.dma_semaphore, #tpu.memory_space<semaphore_mem>> -> memref<!tpu.dma_semaphore, #tpu.memory_space<semaphore_mem>>
      %dma_wait3A_556 = arith.constant 0 : i32
      %dma_wait3A_557 = arith.constant 1408 : i32
      %dma_wait3A_558 = arith.constant 0 : i32
      %dma_wait3A_559 = tpu.memref_slice %arg6[%dma_wait3A_556, %dma_wait3A_557, %dma_wait3A_558] : memref<16x2048x128xf32, #tpu.memory_space<any>> -> memref<16x64x128xf32, #tpu.memory_space<any>>
      %dma_wait3A_560 = arith.constant 0 : i32
      %dma_wait3A_561 = arith.constant 1408 : i32
      %dma_wait3A_562 = arith.constant 0 : i32
      %dma_wait3A_563 = tpu.memref_slice %arg9[%dma_wait3A_560, %dma_wait3A_561, %dma_wait3A_562] : memref<16x2048x128xf32, #tpu.memory_space<vmem>> -> memref<16x64x128xf32, #tpu.memory_space<vmem>>
      tpu.wait_dma2 semaphore(%dma_wait3A_555 : memref<!tpu.dma_semaphore, #tpu.memory_space<semaphore_mem>>) src(%dma_wait3A_563 : memref<16x64x128xf32, #tpu.memory_space<vmem>>) dst(%dma_wait3A_559 : memref<16x64x128xf32, #tpu.memory_space<any>>)
      %dma_wait3A_564 = arith.constant 23 : i32
      %dma_wait3A_565 = tpu.memref_slice %arg13[%dma_wait3A_564] : memref<35x!tpu.dma_semaphore, #tpu.memory_space<semaphore_mem>> -> memref<1x!tpu.dma_semaphore, #tpu.memory_space<semaphore_mem>>
      %dma_wait3A_566 = tpu.memref_squeeze %dma_wait3A_565 : memref<1x!tpu.dma_semaphore, #tpu.memory_space<semaphore_mem>> -> memref<!tpu.dma_semaphore, #tpu.memory_space<semaphore_mem>>
      %dma_wait3A_567 = arith.constant 0 : i32
      %dma_wait3A_568 = arith.constant 1472 : i32
      %dma_wait3A_569 = arith.constant 0 : i32
      %dma_wait3A_570 = tpu.memref_slice %arg6[%dma_wait3A_567, %dma_wait3A_568, %dma_wait3A_569] : memref<16x2048x128xf32, #tpu.memory_space<any>> -> memref<16x64x128xf32, #tpu.memory_space<any>>
      %dma_wait3A_571 = arith.constant 0 : i32
      %dma_wait3A_572 = arith.constant 1472 : i32
      %dma_wait3A_573 = arith.constant 0 : i32
      %dma_wait3A_574 = tpu.memref_slice %arg9[%dma_wait3A_571, %dma_wait3A_572, %dma_wait3A_573] : memref<16x2048x128xf32, #tpu.memory_space<vmem>> -> memref<16x64x128xf32, #tpu.memory_space<vmem>>
      tpu.wait_dma2 semaphore(%dma_wait3A_566 : memref<!tpu.dma_semaphore, #tpu.memory_space<semaphore_mem>>) src(%dma_wait3A_574 : memref<16x64x128xf32, #tpu.memory_space<vmem>>) dst(%dma_wait3A_570 : memref<16x64x128xf32, #tpu.memory_space<any>>)
      %dma_wait3A_575 = arith.constant 24 : i32
      %dma_wait3A_576 = tpu.memref_slice %arg13[%dma_wait3A_575] : memref<35x!tpu.dma_semaphore, #tpu.memory_space<semaphore_mem>> -> memref<1x!tpu.dma_semaphore, #tpu.memory_space<semaphore_mem>>
      %dma_wait3A_577 = tpu.memref_squeeze %dma_wait3A_576 : memref<1x!tpu.dma_semaphore, #tpu.memory_space<semaphore_mem>> -> memref<!tpu.dma_semaphore, #tpu.memory_space<semaphore_mem>>
      %dma_wait3A_578 = arith.constant 0 : i32
      %dma_wait3A_579 = arith.constant 1536 : i32
      %dma_wait3A_580 = arith.constant 0 : i32
      %dma_wait3A_581 = tpu.memref_slice %arg6[%dma_wait3A_578, %dma_wait3A_579, %dma_wait3A_580] : memref<16x2048x128xf32, #tpu.memory_space<any>> -> memref<16x64x128xf32, #tpu.memory_space<any>>
      %dma_wait3A_582 = arith.constant 0 : i32
      %dma_wait3A_583 = arith.constant 1536 : i32
      %dma_wait3A_584 = arith.constant 0 : i32
      %dma_wait3A_585 = tpu.memref_slice %arg9[%dma_wait3A_582, %dma_wait3A_583, %dma_wait3A_584] : memref<16x2048x128xf32, #tpu.memory_space<vmem>> -> memref<16x64x128xf32, #tpu.memory_space<vmem>>
      tpu.wait_dma2 semaphore(%dma_wait3A_577 : memref<!tpu.dma_semaphore, #tpu.memory_space<semaphore_mem>>) src(%dma_wait3A_585 : memref<16x64x128xf32, #tpu.memory_space<vmem>>) dst(%dma_wait3A_581 : memref<16x64x128xf32, #tpu.memory_space<any>>)
      %dma_wait3A_586 = arith.constant 25 : i32
      %dma_wait3A_587 = tpu.memref_slice %arg13[%dma_wait3A_586] : memref<35x!tpu.dma_semaphore, #tpu.memory_space<semaphore_mem>> -> memref<1x!tpu.dma_semaphore, #tpu.memory_space<semaphore_mem>>
      %dma_wait3A_588 = tpu.memref_squeeze %dma_wait3A_587 : memref<1x!tpu.dma_semaphore, #tpu.memory_space<semaphore_mem>> -> memref<!tpu.dma_semaphore, #tpu.memory_space<semaphore_mem>>
      %dma_wait3A_589 = arith.constant 0 : i32
      %dma_wait3A_590 = arith.constant 1600 : i32
      %dma_wait3A_591 = arith.constant 0 : i32
      %dma_wait3A_592 = tpu.memref_slice %arg6[%dma_wait3A_589, %dma_wait3A_590, %dma_wait3A_591] : memref<16x2048x128xf32, #tpu.memory_space<any>> -> memref<16x64x128xf32, #tpu.memory_space<any>>
      %dma_wait3A_593 = arith.constant 0 : i32
      %dma_wait3A_594 = arith.constant 1600 : i32
      %dma_wait3A_595 = arith.constant 0 : i32
      %dma_wait3A_596 = tpu.memref_slice %arg9[%dma_wait3A_593, %dma_wait3A_594, %dma_wait3A_595] : memref<16x2048x128xf32, #tpu.memory_space<vmem>> -> memref<16x64x128xf32, #tpu.memory_space<vmem>>
      tpu.wait_dma2 semaphore(%dma_wait3A_588 : memref<!tpu.dma_semaphore, #tpu.memory_space<semaphore_mem>>) src(%dma_wait3A_596 : memref<16x64x128xf32, #tpu.memory_space<vmem>>) dst(%dma_wait3A_592 : memref<16x64x128xf32, #tpu.memory_space<any>>)
      %dma_wait3A_597 = arith.constant 26 : i32
      %dma_wait3A_598 = tpu.memref_slice %arg13[%dma_wait3A_597] : memref<35x!tpu.dma_semaphore, #tpu.memory_space<semaphore_mem>> -> memref<1x!tpu.dma_semaphore, #tpu.memory_space<semaphore_mem>>
      %dma_wait3A_599 = tpu.memref_squeeze %dma_wait3A_598 : memref<1x!tpu.dma_semaphore, #tpu.memory_space<semaphore_mem>> -> memref<!tpu.dma_semaphore, #tpu.memory_space<semaphore_mem>>
      %dma_wait3A_600 = arith.constant 0 : i32
      %dma_wait3A_601 = arith.constant 1664 : i32
      %dma_wait3A_602 = arith.constant 0 : i32
      %dma_wait3A_603 = tpu.memref_slice %arg6[%dma_wait3A_600, %dma_wait3A_601, %dma_wait3A_602] : memref<16x2048x128xf32, #tpu.memory_space<any>> -> memref<16x64x128xf32, #tpu.memory_space<any>>
      %dma_wait3A_604 = arith.constant 0 : i32
      %dma_wait3A_605 = arith.constant 1664 : i32
      %dma_wait3A_606 = arith.constant 0 : i32
      %dma_wait3A_607 = tpu.memref_slice %arg9[%dma_wait3A_604, %dma_wait3A_605, %dma_wait3A_606] : memref<16x2048x128xf32, #tpu.memory_space<vmem>> -> memref<16x64x128xf32, #tpu.memory_space<vmem>>
      tpu.wait_dma2 semaphore(%dma_wait3A_599 : memref<!tpu.dma_semaphore, #tpu.memory_space<semaphore_mem>>) src(%dma_wait3A_607 : memref<16x64x128xf32, #tpu.memory_space<vmem>>) dst(%dma_wait3A_603 : memref<16x64x128xf32, #tpu.memory_space<any>>)
      %dma_wait3A_608 = arith.constant 27 : i32
      %dma_wait3A_609 = tpu.memref_slice %arg13[%dma_wait3A_608] : memref<35x!tpu.dma_semaphore, #tpu.memory_space<semaphore_mem>> -> memref<1x!tpu.dma_semaphore, #tpu.memory_space<semaphore_mem>>
      %dma_wait3A_610 = tpu.memref_squeeze %dma_wait3A_609 : memref<1x!tpu.dma_semaphore, #tpu.memory_space<semaphore_mem>> -> memref<!tpu.dma_semaphore, #tpu.memory_space<semaphore_mem>>
      %dma_wait3A_611 = arith.constant 0 : i32
      %dma_wait3A_612 = arith.constant 1728 : i32
      %dma_wait3A_613 = arith.constant 0 : i32
      %dma_wait3A_614 = tpu.memref_slice %arg6[%dma_wait3A_611, %dma_wait3A_612, %dma_wait3A_613] : memref<16x2048x128xf32, #tpu.memory_space<any>> -> memref<16x64x128xf32, #tpu.memory_space<any>>
      %dma_wait3A_615 = arith.constant 0 : i32
      %dma_wait3A_616 = arith.constant 1728 : i32
      %dma_wait3A_617 = arith.constant 0 : i32
      %dma_wait3A_618 = tpu.memref_slice %arg9[%dma_wait3A_615, %dma_wait3A_616, %dma_wait3A_617] : memref<16x2048x128xf32, #tpu.memory_space<vmem>> -> memref<16x64x128xf32, #tpu.memory_space<vmem>>
      tpu.wait_dma2 semaphore(%dma_wait3A_610 : memref<!tpu.dma_semaphore, #tpu.memory_space<semaphore_mem>>) src(%dma_wait3A_618 : memref<16x64x128xf32, #tpu.memory_space<vmem>>) dst(%dma_wait3A_614 : memref<16x64x128xf32, #tpu.memory_space<any>>)
      %dma_wait3A_619 = arith.constant 28 : i32
      %dma_wait3A_620 = tpu.memref_slice %arg13[%dma_wait3A_619] : memref<35x!tpu.dma_semaphore, #tpu.memory_space<semaphore_mem>> -> memref<1x!tpu.dma_semaphore, #tpu.memory_space<semaphore_mem>>
      %dma_wait3A_621 = tpu.memref_squeeze %dma_wait3A_620 : memref<1x!tpu.dma_semaphore, #tpu.memory_space<semaphore_mem>> -> memref<!tpu.dma_semaphore, #tpu.memory_space<semaphore_mem>>
      %dma_wait3A_622 = arith.constant 0 : i32
      %dma_wait3A_623 = arith.constant 1792 : i32
      %dma_wait3A_624 = arith.constant 0 : i32
      %dma_wait3A_625 = tpu.memref_slice %arg6[%dma_wait3A_622, %dma_wait3A_623, %dma_wait3A_624] : memref<16x2048x128xf32, #tpu.memory_space<any>> -> memref<16x64x128xf32, #tpu.memory_space<any>>
      %dma_wait3A_626 = arith.constant 0 : i32
      %dma_wait3A_627 = arith.constant 1792 : i32
      %dma_wait3A_628 = arith.constant 0 : i32
      %dma_wait3A_629 = tpu.memref_slice %arg9[%dma_wait3A_626, %dma_wait3A_627, %dma_wait3A_628] : memref<16x2048x128xf32, #tpu.memory_space<vmem>> -> memref<16x64x128xf32, #tpu.memory_space<vmem>>
      tpu.wait_dma2 semaphore(%dma_wait3A_621 : memref<!tpu.dma_semaphore, #tpu.memory_space<semaphore_mem>>) src(%dma_wait3A_629 : memref<16x64x128xf32, #tpu.memory_space<vmem>>) dst(%dma_wait3A_625 : memref<16x64x128xf32, #tpu.memory_space<any>>)
      %dma_wait3A_630 = arith.constant 29 : i32
      %dma_wait3A_631 = tpu.memref_slice %arg13[%dma_wait3A_630] : memref<35x!tpu.dma_semaphore, #tpu.memory_space<semaphore_mem>> -> memref<1x!tpu.dma_semaphore, #tpu.memory_space<semaphore_mem>>
      %dma_wait3A_632 = tpu.memref_squeeze %dma_wait3A_631 : memref<1x!tpu.dma_semaphore, #tpu.memory_space<semaphore_mem>> -> memref<!tpu.dma_semaphore, #tpu.memory_space<semaphore_mem>>
      %dma_wait3A_633 = arith.constant 0 : i32
      %dma_wait3A_634 = arith.constant 1856 : i32
      %dma_wait3A_635 = arith.constant 0 : i32
      %dma_wait3A_636 = tpu.memref_slice %arg6[%dma_wait3A_633, %dma_wait3A_634, %dma_wait3A_635] : memref<16x2048x128xf32, #tpu.memory_space<any>> -> memref<16x64x128xf32, #tpu.memory_space<any>>
      %dma_wait3A_637 = arith.constant 0 : i32
      %dma_wait3A_638 = arith.constant 1856 : i32
      %dma_wait3A_639 = arith.constant 0 : i32
      %dma_wait3A_640 = tpu.memref_slice %arg9[%dma_wait3A_637, %dma_wait3A_638, %dma_wait3A_639] : memref<16x2048x128xf32, #tpu.memory_space<vmem>> -> memref<16x64x128xf32, #tpu.memory_space<vmem>>
      tpu.wait_dma2 semaphore(%dma_wait3A_632 : memref<!tpu.dma_semaphore, #tpu.memory_space<semaphore_mem>>) src(%dma_wait3A_640 : memref<16x64x128xf32, #tpu.memory_space<vmem>>) dst(%dma_wait3A_636 : memref<16x64x128xf32, #tpu.memory_space<any>>)
      %dma_wait3A_641 = arith.constant 30 : i32
      %dma_wait3A_642 = tpu.memref_slice %arg13[%dma_wait3A_641] : memref<35x!tpu.dma_semaphore, #tpu.memory_space<semaphore_mem>> -> memref<1x!tpu.dma_semaphore, #tpu.memory_space<semaphore_mem>>
      %dma_wait3A_643 = tpu.memref_squeeze %dma_wait3A_642 : memref<1x!tpu.dma_semaphore, #tpu.memory_space<semaphore_mem>> -> memref<!tpu.dma_semaphore, #tpu.memory_space<semaphore_mem>>
      %dma_wait3A_644 = arith.constant 0 : i32
      %dma_wait3A_645 = arith.constant 1920 : i32
      %dma_wait3A_646 = arith.constant 0 : i32
      %dma_wait3A_647 = tpu.memref_slice %arg6[%dma_wait3A_644, %dma_wait3A_645, %dma_wait3A_646] : memref<16x2048x128xf32, #tpu.memory_space<any>> -> memref<16x64x128xf32, #tpu.memory_space<any>>
      %dma_wait3A_648 = arith.constant 0 : i32
      %dma_wait3A_649 = arith.constant 1920 : i32
      %dma_wait3A_650 = arith.constant 0 : i32
      %dma_wait3A_651 = tpu.memref_slice %arg9[%dma_wait3A_648, %dma_wait3A_649, %dma_wait3A_650] : memref<16x2048x128xf32, #tpu.memory_space<vmem>> -> memref<16x64x128xf32, #tpu.memory_space<vmem>>
      tpu.wait_dma2 semaphore(%dma_wait3A_643 : memref<!tpu.dma_semaphore, #tpu.memory_space<semaphore_mem>>) src(%dma_wait3A_651 : memref<16x64x128xf32, #tpu.memory_space<vmem>>) dst(%dma_wait3A_647 : memref<16x64x128xf32, #tpu.memory_space<any>>)
      %dma_wait3A_652 = arith.constant 31 : i32
      %dma_wait3A_653 = tpu.memref_slice %arg13[%dma_wait3A_652] : memref<35x!tpu.dma_semaphore, #tpu.memory_space<semaphore_mem>> -> memref<1x!tpu.dma_semaphore, #tpu.memory_space<semaphore_mem>>
      %dma_wait3A_654 = tpu.memref_squeeze %dma_wait3A_653 : memref<1x!tpu.dma_semaphore, #tpu.memory_space<semaphore_mem>> -> memref<!tpu.dma_semaphore, #tpu.memory_space<semaphore_mem>>
      %dma_wait3A_655 = arith.constant 0 : i32
      %dma_wait3A_656 = arith.constant 1984 : i32
      %dma_wait3A_657 = arith.constant 0 : i32
      %dma_wait3A_658 = tpu.memref_slice %arg6[%dma_wait3A_655, %dma_wait3A_656, %dma_wait3A_657] : memref<16x2048x128xf32, #tpu.memory_space<any>> -> memref<16x64x128xf32, #tpu.memory_space<any>>
      %dma_wait3A_659 = arith.constant 0 : i32
      %dma_wait3A_660 = arith.constant 1984 : i32
      %dma_wait3A_661 = arith.constant 0 : i32
      %dma_wait3A_662 = tpu.memref_slice %arg9[%dma_wait3A_659, %dma_wait3A_660, %dma_wait3A_661] : memref<16x2048x128xf32, #tpu.memory_space<vmem>> -> memref<16x64x128xf32, #tpu.memory_space<vmem>>
      tpu.wait_dma2 semaphore(%dma_wait3A_654 : memref<!tpu.dma_semaphore, #tpu.memory_space<semaphore_mem>>) src(%dma_wait3A_662 : memref<16x64x128xf32, #tpu.memory_space<vmem>>) dst(%dma_wait3A_658 : memref<16x64x128xf32, #tpu.memory_space<any>>)
      %dma_wait3A_663 = arith.constant 33 : i32
      %dma_wait3A_664 = tpu.memref_slice %arg13[%dma_wait3A_663] : memref<35x!tpu.dma_semaphore, #tpu.memory_space<semaphore_mem>> -> memref<1x!tpu.dma_semaphore, #tpu.memory_space<semaphore_mem>>
      %dma_wait3A_665 = tpu.memref_squeeze %dma_wait3A_664 : memref<1x!tpu.dma_semaphore, #tpu.memory_space<semaphore_mem>> -> memref<!tpu.dma_semaphore, #tpu.memory_space<semaphore_mem>>
      tpu.wait_dma2 semaphore(%dma_wait3A_665 : memref<!tpu.dma_semaphore, #tpu.memory_space<semaphore_mem>>) src(%arg11 : memref<16x1xi32, #tpu.memory_space<vmem>>) dst(%arg12 : memref<16x1xi32, #tpu.memory_space<smem>>)
      %iota3A_666 = tpu.iota {dimensions = array<i32: 0>} : vector<2048x128xi32>
      %get3A_667 = arith.constant 0 : index
      %get3A_668 = arith.constant 0 : index
      %get3A_669 = memref.load %arg12[%get3A_667, %get3A_668] : memref<16x1xi32, #tpu.memory_space<smem>>
      %lt3A_670 = arith.constant 2047 : i32
      %lt3A_671 = arith.cmpi slt, %get3A_669, %lt3A_670 : i32
      %convert_element_type3A_672 = arith.extui %lt3A_671 : i1 to i32
      %cond3A_673 = arith.constant 0 : i32
      %cond3A_674 = arith.cmpi ne, %convert_element_type3A_672, %cond3A_673 : i32
      scf.if %cond3A_674 {
        %slice3A = vector.extract_strided_slice %reshape3A_302 {offsets = [0, 0], sizes = [1, 1], strides = [1, 1]} : vector<16x1xi32> to vector<1x1xi32>
        %gt3A_1006 = vector.broadcast %slice3A : vector<1x1xi32> to vector<2048x128xi32>
        %gt3A_1007 = arith.cmpi sgt, %iota3A_666, %gt3A_1006 : vector<2048x128xi32>
        %get3A_1008 = arith.constant 0 : index
        %get3A_1009 = arith.constant 0 : index
        %get3A_1010 = arith.constant 0 : index
        %get3A_1011 = vector.load %arg9[%get3A_1008, %get3A_1009, %get3A_1010] : memref<16x2048x128xf32, #tpu.memory_space<vmem>>, vector<1x2048x128xf32>
        %get3A_1012 = vector.shape_cast %get3A_1011 : vector<1x2048x128xf32> to vector<2048x128xf32>
        %jit3A_1013 = arith.constant 0.000000e+00 : f32
        %broadcast_in_dim3A_1014 = vector.broadcast %jit3A_1013 : f32 to vector<2048x128xf32>
        %select_n3A_1015 = arith.select %gt3A_1007, %broadcast_in_dim3A_1014, %get3A_1012 : vector<2048x128xi1>, vector<2048x128xf32>
        %swap3A_1016 = arith.constant 0 : index
        %swap3A_1017 = arith.constant 0 : index
        %swap3A_1018 = arith.constant 0 : index
        %swap3A_1019 = vector.load %arg9[%swap3A_1016, %swap3A_1017, %swap3A_1018] : memref<16x2048x128xf32, #tpu.memory_space<vmem>>, vector<1x2048x128xf32>
        %swap3A_1020 = vector.shape_cast %swap3A_1019 : vector<1x2048x128xf32> to vector<2048x128xf32>
        %swap3A_1021 = vector.shape_cast %select_n3A_1015 : vector<2048x128xf32> to vector<1x2048x128xf32>
        tpu.vector_store %arg9[%swap3A_1016, %swap3A_1017, %swap3A_1018], %swap3A_1021 {strides = array<i32>} : memref<16x2048x128xf32, #tpu.memory_space<vmem>>, vector<1x2048x128xf32>,
        %dma_start3A_1022 = arith.constant 0 : i32
        %dma_start3A_1023 = arith.constant 0 : i32
        %dma_start3A_1024 = arith.constant 33 : i32
        %dma_start3A_1025 = tpu.memref_slice %arg13[%dma_start3A_1024] : memref<35x!tpu.dma_semaphore, #tpu.memory_space<semaphore_mem>> -> memref<1x!tpu.dma_semaphore, #tpu.memory_space<semaphore_mem>>
        %dma_start3A_1026 = tpu.memref_squeeze %dma_start3A_1025 : memref<1x!tpu.dma_semaphore, #tpu.memory_space<semaphore_mem>> -> memref<!tpu.dma_semaphore, #tpu.memory_space<semaphore_mem>>
        %dma_start3A_1027 = arith.constant 0 : i32
        %dma_start3A_1028 = arith.constant 0 : i32
        %dma_start3A_1029 = tpu.memref_slice %arg6[%dma_start3A_1023, %dma_start3A_1027, %dma_start3A_1028] : memref<16x2048x128xf32, #tpu.memory_space<any>> -> memref<1x2048x128xf32, #tpu.memory_space<any>>
        %dma_start3A_1030 = tpu.memref_squeeze %dma_start3A_1029 : memref<1x2048x128xf32, #tpu.memory_space<any>> -> memref<2048x128xf32, #tpu.memory_space<any>>
        %dma_start3A_1031 = arith.constant 0 : i32
        %dma_start3A_1032 = arith.constant 0 : i32
        %dma_start3A_1033 = tpu.memref_slice %arg9[%dma_start3A_1022, %dma_start3A_1031, %dma_start3A_1032] : memref<16x2048x128xf32, #tpu.memory_space<vmem>> -> memref<1x2048x128xf32, #tpu.memory_space<vmem>>
        %dma_start3A_1034 = tpu.memref_squeeze %dma_start3A_1033 : memref<1x2048x128xf32, #tpu.memory_space<vmem>> -> memref<2048x128xf32, #tpu.memory_space<vmem>>
        tpu.enqueue_dma source(%dma_start3A_1034 : memref<2048x128xf32, #tpu.memory_space<vmem>>) target(%dma_start3A_1030 : memref<2048x128xf32, #tpu.memory_space<any>>) target_semaphore(%dma_start3A_1026 : memref<!tpu.dma_semaphore, #tpu.memory_space<semaphore_mem>>)
        %dma_wait3A_1035 = arith.constant 0 : i32
        %dma_wait3A_1036 = arith.constant 0 : i32
        %dma_wait3A_1037 = arith.constant 33 : i32
        %dma_wait3A_1038 = tpu.memref_slice %arg13[%dma_wait3A_1037] : memref<35x!tpu.dma_semaphore, #tpu.memory_space<semaphore_mem>> -> memref<1x!tpu.dma_semaphore, #tpu.memory_space<semaphore_mem>>
        %dma_wait3A_1039 = tpu.memref_squeeze %dma_wait3A_1038 : memref<1x!tpu.dma_semaphore, #tpu.memory_space<semaphore_mem>> -> memref<!tpu.dma_semaphore, #tpu.memory_space<semaphore_mem>>
        %dma_wait3A_1040 = arith.constant 0 : i32
        %dma_wait3A_1041 = arith.constant 0 : i32
        %dma_wait3A_1042 = tpu.memref_slice %arg6[%dma_wait3A_1036, %dma_wait3A_1040, %dma_wait3A_1041] : memref<16x2048x128xf32, #tpu.memory_space<any>> -> memref<1x2048x128xf32, #tpu.memory_space<any>>
        %dma_wait3A_1043 = tpu.memref_squeeze %dma_wait3A_1042 : memref<1x2048x128xf32, #tpu.memory_space<any>> -> memref<2048x128xf32, #tpu.memory_space<any>>
        %dma_wait3A_1044 = arith.constant 0 : i32
        %dma_wait3A_1045 = arith.constant 0 : i32
        %dma_wait3A_1046 = tpu.memref_slice %arg9[%dma_wait3A_1035, %dma_wait3A_1044, %dma_wait3A_1045] : memref<16x2048x128xf32, #tpu.memory_space<vmem>> -> memref<1x2048x128xf32, #tpu.memory_space<vmem>>
        %dma_wait3A_1047 = tpu.memref_squeeze %dma_wait3A_1046 : memref<1x2048x128xf32, #tpu.memory_space<vmem>> -> memref<2048x128xf32, #tpu.memory_space<vmem>>
        tpu.wait_dma2 semaphore(%dma_wait3A_1039 : memref<!tpu.dma_semaphore, #tpu.memory_space<semaphore_mem>>) src(%dma_wait3A_1047 : memref<2048x128xf32, #tpu.memory_space<vmem>>) dst(%dma_wait3A_1043 : memref<2048x128xf32, #tpu.memory_space<any>>)
      } else {
      }
      %get3A_675 = arith.constant 1 : index
      %get3A_676 = arith.constant 0 : index
      %get3A_677 = memref.load %arg12[%get3A_675, %get3A_676] : memref<16x1xi32, #tpu.memory_space<smem>>
      %lt3A_678 = arith.constant 2047 : i32
      %lt3A_679 = arith.cmpi slt, %get3A_677, %lt3A_678 : i32
      %convert_element_type3A_680 = arith.extui %lt3A_679 : i1 to i32
      %cond3A_681 = arith.constant 0 : i32
      %cond3A_682 = arith.cmpi ne, %convert_element_type3A_680, %cond3A_681 : i32
      scf.if %cond3A_682 {
        %slice3A = vector.extract_strided_slice %reshape3A_302 {offsets = [1, 0], sizes = [1, 1], strides = [1, 1]} : vector<16x1xi32> to vector<1x1xi32>
        %gt3A_1006 = vector.broadcast %slice3A : vector<1x1xi32> to vector<2048x128xi32>
        %gt3A_1007 = arith.cmpi sgt, %iota3A_666, %gt3A_1006 : vector<2048x128xi32>
        %get3A_1008 = arith.constant 1 : index
        %get3A_1009 = arith.constant 0 : index
        %get3A_1010 = arith.constant 0 : index
        %get3A_1011 = vector.load %arg9[%get3A_1008, %get3A_1009, %get3A_1010] : memref<16x2048x128xf32, #tpu.memory_space<vmem>>, vector<1x2048x128xf32>
        %get3A_1012 = vector.shape_cast %get3A_1011 : vector<1x2048x128xf32> to vector<2048x128xf32>
        %jit3A_1013 = arith.constant 0.000000e+00 : f32
        %broadcast_in_dim3A_1014 = vector.broadcast %jit3A_1013 : f32 to vector<2048x128xf32>
        %select_n3A_1015 = arith.select %gt3A_1007, %broadcast_in_dim3A_1014, %get3A_1012 : vector<2048x128xi1>, vector<2048x128xf32>
        %swap3A_1016 = arith.constant 1 : index
        %swap3A_1017 = arith.constant 0 : index
        %swap3A_1018 = arith.constant 0 : index
        %swap3A_1019 = vector.load %arg9[%swap3A_1016, %swap3A_1017, %swap3A_1018] : memref<16x2048x128xf32, #tpu.memory_space<vmem>>, vector<1x2048x128xf32>
        %swap3A_1020 = vector.shape_cast %swap3A_1019 : vector<1x2048x128xf32> to vector<2048x128xf32>
        %swap3A_1021 = vector.shape_cast %select_n3A_1015 : vector<2048x128xf32> to vector<1x2048x128xf32>
        tpu.vector_store %arg9[%swap3A_1016, %swap3A_1017, %swap3A_1018], %swap3A_1021 {strides = array<i32>} : memref<16x2048x128xf32, #tpu.memory_space<vmem>>, vector<1x2048x128xf32>,
        %dma_start3A_1022 = arith.constant 1 : i32
        %dma_start3A_1023 = arith.constant 1 : i32
        %dma_start3A_1024 = arith.constant 33 : i32
        %dma_start3A_1025 = tpu.memref_slice %arg13[%dma_start3A_1024] : memref<35x!tpu.dma_semaphore, #tpu.memory_space<semaphore_mem>> -> memref<1x!tpu.dma_semaphore, #tpu.memory_space<semaphore_mem>>
        %dma_start3A_1026 = tpu.memref_squeeze %dma_start3A_1025 : memref<1x!tpu.dma_semaphore, #tpu.memory_space<semaphore_mem>> -> memref<!tpu.dma_semaphore, #tpu.memory_space<semaphore_mem>>
        %dma_start3A_1027 = arith.constant 0 : i32
        %dma_start3A_1028 = arith.constant 0 : i32
        %dma_start3A_1029 = tpu.memref_slice %arg6[%dma_start3A_1023, %dma_start3A_1027, %dma_start3A_1028] : memref<16x2048x128xf32, #tpu.memory_space<any>> -> memref<1x2048x128xf32, #tpu.memory_space<any>>
        %dma_start3A_1030 = tpu.memref_squeeze %dma_start3A_1029 : memref<1x2048x128xf32, #tpu.memory_space<any>> -> memref<2048x128xf32, #tpu.memory_space<any>>
        %dma_start3A_1031 = arith.constant 0 : i32
        %dma_start3A_1032 = arith.constant 0 : i32
        %dma_start3A_1033 = tpu.memref_slice %arg9[%dma_start3A_1022, %dma_start3A_1031, %dma_start3A_1032] : memref<16x2048x128xf32, #tpu.memory_space<vmem>> -> memref<1x2048x128xf32, #tpu.memory_space<vmem>>
        %dma_start3A_1034 = tpu.memref_squeeze %dma_start3A_1033 : memref<1x2048x128xf32, #tpu.memory_space<vmem>> -> memref<2048x128xf32, #tpu.memory_space<vmem>>
        tpu.enqueue_dma source(%dma_start3A_1034 : memref<2048x128xf32, #tpu.memory_space<vmem>>) target(%dma_start3A_1030 : memref<2048x128xf32, #tpu.memory_space<any>>) target_semaphore(%dma_start3A_1026 : memref<!tpu.dma_semaphore, #tpu.memory_space<semaphore_mem>>)
        %dma_wait3A_1035 = arith.constant 1 : i32
        %dma_wait3A_1036 = arith.constant 1 : i32
        %dma_wait3A_1037 = arith.constant 33 : i32
        %dma_wait3A_1038 = tpu.memref_slice %arg13[%dma_wait3A_1037] : memref<35x!tpu.dma_semaphore, #tpu.memory_space<semaphore_mem>> -> memref<1x!tpu.dma_semaphore, #tpu.memory_space<semaphore_mem>>
        %dma_wait3A_1039 = tpu.memref_squeeze %dma_wait3A_1038 : memref<1x!tpu.dma_semaphore, #tpu.memory_space<semaphore_mem>> -> memref<!tpu.dma_semaphore, #tpu.memory_space<semaphore_mem>>
        %dma_wait3A_1040 = arith.constant 0 : i32
        %dma_wait3A_1041 = arith.constant 0 : i32
        %dma_wait3A_1042 = tpu.memref_slice %arg6[%dma_wait3A_1036, %dma_wait3A_1040, %dma_wait3A_1041] : memref<16x2048x128xf32, #tpu.memory_space<any>> -> memref<1x2048x128xf32, #tpu.memory_space<any>>
        %dma_wait3A_1043 = tpu.memref_squeeze %dma_wait3A_1042 : memref<1x2048x128xf32, #tpu.memory_space<any>> -> memref<2048x128xf32, #tpu.memory_space<any>>
        %dma_wait3A_1044 = arith.constant 0 : i32
        %dma_wait3A_1045 = arith.constant 0 : i32
        %dma_wait3A_1046 = tpu.memref_slice %arg9[%dma_wait3A_1035, %dma_wait3A_1044, %dma_wait3A_1045] : memref<16x2048x128xf32, #tpu.memory_space<vmem>> -> memref<1x2048x128xf32, #tpu.memory_space<vmem>>
        %dma_wait3A_1047 = tpu.memref_squeeze %dma_wait3A_1046 : memref<1x2048x128xf32, #tpu.memory_space<vmem>> -> memref<2048x128xf32, #tpu.memory_space<vmem>>
        tpu.wait_dma2 semaphore(%dma_wait3A_1039 : memref<!tpu.dma_semaphore, #tpu.memory_space<semaphore_mem>>) src(%dma_wait3A_1047 : memref<2048x128xf32, #tpu.memory_space<vmem>>) dst(%dma_wait3A_1043 : memref<2048x128xf32, #tpu.memory_space<any>>)
      } else {
      }
      %get3A_683 = arith.constant 2 : index
      %get3A_684 = arith.constant 0 : index
      %get3A_685 = memref.load %arg12[%get3A_683, %get3A_684] : memref<16x1xi32, #tpu.memory_space<smem>>
      %lt3A_686 = arith.constant 2047 : i32
      %lt3A_687 = arith.cmpi slt, %get3A_685, %lt3A_686 : i32
      %convert_element_type3A_688 = arith.extui %lt3A_687 : i1 to i32
      %cond3A_689 = arith.constant 0 : i32
      %cond3A_690 = arith.cmpi ne, %convert_element_type3A_688, %cond3A_689 : i32
      scf.if %cond3A_690 {
        %slice3A = vector.extract_strided_slice %reshape3A_302 {offsets = [2, 0], sizes = [1, 1], strides = [1, 1]} : vector<16x1xi32> to vector<1x1xi32>
        %gt3A_1006 = vector.broadcast %slice3A : vector<1x1xi32> to vector<2048x128xi32>
        %gt3A_1007 = arith.cmpi sgt, %iota3A_666, %gt3A_1006 : vector<2048x128xi32>
        %get3A_1008 = arith.constant 2 : index
        %get3A_1009 = arith.constant 0 : index
        %get3A_1010 = arith.constant 0 : index
        %get3A_1011 = vector.load %arg9[%get3A_1008, %get3A_1009, %get3A_1010] : memref<16x2048x128xf32, #tpu.memory_space<vmem>>, vector<1x2048x128xf32>
        %get3A_1012 = vector.shape_cast %get3A_1011 : vector<1x2048x128xf32> to vector<2048x128xf32>
        %jit3A_1013 = arith.constant 0.000000e+00 : f32
        %broadcast_in_dim3A_1014 = vector.broadcast %jit3A_1013 : f32 to vector<2048x128xf32>
        %select_n3A_1015 = arith.select %gt3A_1007, %broadcast_in_dim3A_1014, %get3A_1012 : vector<2048x128xi1>, vector<2048x128xf32>
        %swap3A_1016 = arith.constant 2 : index
        %swap3A_1017 = arith.constant 0 : index
        %swap3A_1018 = arith.constant 0 : index
        %swap3A_1019 = vector.load %arg9[%swap3A_1016, %swap3A_1017, %swap3A_1018] : memref<16x2048x128xf32, #tpu.memory_space<vmem>>, vector<1x2048x128xf32>
        %swap3A_1020 = vector.shape_cast %swap3A_1019 : vector<1x2048x128xf32> to vector<2048x128xf32>
        %swap3A_1021 = vector.shape_cast %select_n3A_1015 : vector<2048x128xf32> to vector<1x2048x128xf32>
        tpu.vector_store %arg9[%swap3A_1016, %swap3A_1017, %swap3A_1018], %swap3A_1021 {strides = array<i32>} : memref<16x2048x128xf32, #tpu.memory_space<vmem>>, vector<1x2048x128xf32>,
        %dma_start3A_1022 = arith.constant 2 : i32
        %dma_start3A_1023 = arith.constant 2 : i32
        %dma_start3A_1024 = arith.constant 33 : i32
        %dma_start3A_1025 = tpu.memref_slice %arg13[%dma_start3A_1024] : memref<35x!tpu.dma_semaphore, #tpu.memory_space<semaphore_mem>> -> memref<1x!tpu.dma_semaphore, #tpu.memory_space<semaphore_mem>>
        %dma_start3A_1026 = tpu.memref_squeeze %dma_start3A_1025 : memref<1x!tpu.dma_semaphore, #tpu.memory_space<semaphore_mem>> -> memref<!tpu.dma_semaphore, #tpu.memory_space<semaphore_mem>>
        %dma_start3A_1027 = arith.constant 0 : i32
        %dma_start3A_1028 = arith.constant 0 : i32
        %dma_start3A_1029 = tpu.memref_slice %arg6[%dma_start3A_1023, %dma_start3A_1027, %dma_start3A_1028] : memref<16x2048x128xf32, #tpu.memory_space<any>> -> memref<1x2048x128xf32, #tpu.memory_space<any>>
        %dma_start3A_1030 = tpu.memref_squeeze %dma_start3A_1029 : memref<1x2048x128xf32, #tpu.memory_space<any>> -> memref<2048x128xf32, #tpu.memory_space<any>>
        %dma_start3A_1031 = arith.constant 0 : i32
        %dma_start3A_1032 = arith.constant 0 : i32
        %dma_start3A_1033 = tpu.memref_slice %arg9[%dma_start3A_1022, %dma_start3A_1031, %dma_start3A_1032] : memref<16x2048x128xf32, #tpu.memory_space<vmem>> -> memref<1x2048x128xf32, #tpu.memory_space<vmem>>
        %dma_start3A_1034 = tpu.memref_squeeze %dma_start3A_1033 : memref<1x2048x128xf32, #tpu.memory_space<vmem>> -> memref<2048x128xf32, #tpu.memory_space<vmem>>
        tpu.enqueue_dma source(%dma_start3A_1034 : memref<2048x128xf32, #tpu.memory_space<vmem>>) target(%dma_start3A_1030 : memref<2048x128xf32, #tpu.memory_space<any>>) target_semaphore(%dma_start3A_1026 : memref<!tpu.dma_semaphore, #tpu.memory_space<semaphore_mem>>)
        %dma_wait3A_1035 = arith.constant 2 : i32
        %dma_wait3A_1036 = arith.constant 2 : i32
        %dma_wait3A_1037 = arith.constant 33 : i32
        %dma_wait3A_1038 = tpu.memref_slice %arg13[%dma_wait3A_1037] : memref<35x!tpu.dma_semaphore, #tpu.memory_space<semaphore_mem>> -> memref<1x!tpu.dma_semaphore, #tpu.memory_space<semaphore_mem>>
        %dma_wait3A_1039 = tpu.memref_squeeze %dma_wait3A_1038 : memref<1x!tpu.dma_semaphore, #tpu.memory_space<semaphore_mem>> -> memref<!tpu.dma_semaphore, #tpu.memory_space<semaphore_mem>>
        %dma_wait3A_1040 = arith.constant 0 : i32
        %dma_wait3A_1041 = arith.constant 0 : i32
        %dma_wait3A_1042 = tpu.memref_slice %arg6[%dma_wait3A_1036, %dma_wait3A_1040, %dma_wait3A_1041] : memref<16x2048x128xf32, #tpu.memory_space<any>> -> memref<1x2048x128xf32, #tpu.memory_space<any>>
        %dma_wait3A_1043 = tpu.memref_squeeze %dma_wait3A_1042 : memref<1x2048x128xf32, #tpu.memory_space<any>> -> memref<2048x128xf32, #tpu.memory_space<any>>
        %dma_wait3A_1044 = arith.constant 0 : i32
        %dma_wait3A_1045 = arith.constant 0 : i32
        %dma_wait3A_1046 = tpu.memref_slice %arg9[%dma_wait3A_1035, %dma_wait3A_1044, %dma_wait3A_1045] : memref<16x2048x128xf32, #tpu.memory_space<vmem>> -> memref<1x2048x128xf32, #tpu.memory_space<vmem>>
        %dma_wait3A_1047 = tpu.memref_squeeze %dma_wait3A_1046 : memref<1x2048x128xf32, #tpu.memory_space<vmem>> -> memref<2048x128xf32, #tpu.memory_space<vmem>>
        tpu.wait_dma2 semaphore(%dma_wait3A_1039 : memref<!tpu.dma_semaphore, #tpu.memory_space<semaphore_mem>>) src(%dma_wait3A_1047 : memref<2048x128xf32, #tpu.memory_space<vmem>>) dst(%dma_wait3A_1043 : memref<2048x128xf32, #tpu.memory_space<any>>)
      } else {
      }
      %get3A_691 = arith.constant 3 : index
      %get3A_692 = arith.constant 0 : index
      %get3A_693 = memref.load %arg12[%get3A_691, %get3A_692] : memref<16x1xi32, #tpu.memory_space<smem>>
      %lt3A_694 = arith.constant 2047 : i32
      %lt3A_695 = arith.cmpi slt, %get3A_693, %lt3A_694 : i32
      %convert_element_type3A_696 = arith.extui %lt3A_695 : i1 to i32
      %cond3A_697 = arith.constant 0 : i32
      %cond3A_698 = arith.cmpi ne, %convert_element_type3A_696, %cond3A_697 : i32
      scf.if %cond3A_698 {
        %slice3A = vector.extract_strided_slice %reshape3A_302 {offsets = [3, 0], sizes = [1, 1], strides = [1, 1]} : vector<16x1xi32> to vector<1x1xi32>
        %gt3A_1006 = vector.broadcast %slice3A : vector<1x1xi32> to vector<2048x128xi32>
        %gt3A_1007 = arith.cmpi sgt, %iota3A_666, %gt3A_1006 : vector<2048x128xi32>
        %get3A_1008 = arith.constant 3 : index
        %get3A_1009 = arith.constant 0 : index
        %get3A_1010 = arith.constant 0 : index
        %get3A_1011 = vector.load %arg9[%get3A_1008, %get3A_1009, %get3A_1010] : memref<16x2048x128xf32, #tpu.memory_space<vmem>>, vector<1x2048x128xf32>
        %get3A_1012 = vector.shape_cast %get3A_1011 : vector<1x2048x128xf32> to vector<2048x128xf32>
        %jit3A_1013 = arith.constant 0.000000e+00 : f32
        %broadcast_in_dim3A_1014 = vector.broadcast %jit3A_1013 : f32 to vector<2048x128xf32>
        %select_n3A_1015 = arith.select %gt3A_1007, %broadcast_in_dim3A_1014, %get3A_1012 : vector<2048x128xi1>, vector<2048x128xf32>
        %swap3A_1016 = arith.constant 3 : index
        %swap3A_1017 = arith.constant 0 : index
        %swap3A_1018 = arith.constant 0 : index
        %swap3A_1019 = vector.load %arg9[%swap3A_1016, %swap3A_1017, %swap3A_1018] : memref<16x2048x128xf32, #tpu.memory_space<vmem>>, vector<1x2048x128xf32>
        %swap3A_1020 = vector.shape_cast %swap3A_1019 : vector<1x2048x128xf32> to vector<2048x128xf32>
        %swap3A_1021 = vector.shape_cast %select_n3A_1015 : vector<2048x128xf32> to vector<1x2048x128xf32>
        tpu.vector_store %arg9[%swap3A_1016, %swap3A_1017, %swap3A_1018], %swap3A_1021 {strides = array<i32>} : memref<16x2048x128xf32, #tpu.memory_space<vmem>>, vector<1x2048x128xf32>,
        %dma_start3A_1022 = arith.constant 3 : i32
        %dma_start3A_1023 = arith.constant 3 : i32
        %dma_start3A_1024 = arith.constant 33 : i32
        %dma_start3A_1025 = tpu.memref_slice %arg13[%dma_start3A_1024] : memref<35x!tpu.dma_semaphore, #tpu.memory_space<semaphore_mem>> -> memref<1x!tpu.dma_semaphore, #tpu.memory_space<semaphore_mem>>
        %dma_start3A_1026 = tpu.memref_squeeze %dma_start3A_1025 : memref<1x!tpu.dma_semaphore, #tpu.memory_space<semaphore_mem>> -> memref<!tpu.dma_semaphore, #tpu.memory_space<semaphore_mem>>
        %dma_start3A_1027 = arith.constant 0 : i32
        %dma_start3A_1028 = arith.constant 0 : i32
        %dma_start3A_1029 = tpu.memref_slice %arg6[%dma_start3A_1023, %dma_start3A_1027, %dma_start3A_1028] : memref<16x2048x128xf32, #tpu.memory_space<any>> -> memref<1x2048x128xf32, #tpu.memory_space<any>>
        %dma_start3A_1030 = tpu.memref_squeeze %dma_start3A_1029 : memref<1x2048x128xf32, #tpu.memory_space<any>> -> memref<2048x128xf32, #tpu.memory_space<any>>
        %dma_start3A_1031 = arith.constant 0 : i32
        %dma_start3A_1032 = arith.constant 0 : i32
        %dma_start3A_1033 = tpu.memref_slice %arg9[%dma_start3A_1022, %dma_start3A_1031, %dma_start3A_1032] : memref<16x2048x128xf32, #tpu.memory_space<vmem>> -> memref<1x2048x128xf32, #tpu.memory_space<vmem>>
        %dma_start3A_1034 = tpu.memref_squeeze %dma_start3A_1033 : memref<1x2048x128xf32, #tpu.memory_space<vmem>> -> memref<2048x128xf32, #tpu.memory_space<vmem>>
        tpu.enqueue_dma source(%dma_start3A_1034 : memref<2048x128xf32, #tpu.memory_space<vmem>>) target(%dma_start3A_1030 : memref<2048x128xf32, #tpu.memory_space<any>>) target_semaphore(%dma_start3A_1026 : memref<!tpu.dma_semaphore, #tpu.memory_space<semaphore_mem>>)
        %dma_wait3A_1035 = arith.constant 3 : i32
        %dma_wait3A_1036 = arith.constant 3 : i32
        %dma_wait3A_1037 = arith.constant 33 : i32
        %dma_wait3A_1038 = tpu.memref_slice %arg13[%dma_wait3A_1037] : memref<35x!tpu.dma_semaphore, #tpu.memory_space<semaphore_mem>> -> memref<1x!tpu.dma_semaphore, #tpu.memory_space<semaphore_mem>>
        %dma_wait3A_1039 = tpu.memref_squeeze %dma_wait3A_1038 : memref<1x!tpu.dma_semaphore, #tpu.memory_space<semaphore_mem>> -> memref<!tpu.dma_semaphore, #tpu.memory_space<semaphore_mem>>
        %dma_wait3A_1040 = arith.constant 0 : i32
        %dma_wait3A_1041 = arith.constant 0 : i32
        %dma_wait3A_1042 = tpu.memref_slice %arg6[%dma_wait3A_1036, %dma_wait3A_1040, %dma_wait3A_1041] : memref<16x2048x128xf32, #tpu.memory_space<any>> -> memref<1x2048x128xf32, #tpu.memory_space<any>>
        %dma_wait3A_1043 = tpu.memref_squeeze %dma_wait3A_1042 : memref<1x2048x128xf32, #tpu.memory_space<any>> -> memref<2048x128xf32, #tpu.memory_space<any>>
        %dma_wait3A_1044 = arith.constant 0 : i32
        %dma_wait3A_1045 = arith.constant 0 : i32
        %dma_wait3A_1046 = tpu.memref_slice %arg9[%dma_wait3A_1035, %dma_wait3A_1044, %dma_wait3A_1045] : memref<16x2048x128xf32, #tpu.memory_space<vmem>> -> memref<1x2048x128xf32, #tpu.memory_space<vmem>>
        %dma_wait3A_1047 = tpu.memref_squeeze %dma_wait3A_1046 : memref<1x2048x128xf32, #tpu.memory_space<vmem>> -> memref<2048x128xf32, #tpu.memory_space<vmem>>
        tpu.wait_dma2 semaphore(%dma_wait3A_1039 : memref<!tpu.dma_semaphore, #tpu.memory_space<semaphore_mem>>) src(%dma_wait3A_1047 : memref<2048x128xf32, #tpu.memory_space<vmem>>) dst(%dma_wait3A_1043 : memref<2048x128xf32, #tpu.memory_space<any>>)
      } else {
      }
      %get3A_699 = arith.constant 4 : index
      %get3A_700 = arith.constant 0 : index
      %get3A_701 = memref.load %arg12[%get3A_699, %get3A_700] : memref<16x1xi32, #tpu.memory_space<smem>>
      %lt3A_702 = arith.constant 2047 : i32
      %lt3A_703 = arith.cmpi slt, %get3A_701, %lt3A_702 : i32
      %convert_element_type3A_704 = arith.extui %lt3A_703 : i1 to i32
      %cond3A_705 = arith.constant 0 : i32
      %cond3A_706 = arith.cmpi ne, %convert_element_type3A_704, %cond3A_705 : i32
      scf.if %cond3A_706 {
        %slice3A = vector.extract_strided_slice %reshape3A_302 {offsets = [4, 0], sizes = [1, 1], strides = [1, 1]} : vector<16x1xi32> to vector<1x1xi32>
        %gt3A_1006 = vector.broadcast %slice3A : vector<1x1xi32> to vector<2048x128xi32>
        %gt3A_1007 = arith.cmpi sgt, %iota3A_666, %gt3A_1006 : vector<2048x128xi32>
        %get3A_1008 = arith.constant 4 : index
        %get3A_1009 = arith.constant 0 : index
        %get3A_1010 = arith.constant 0 : index
        %get3A_1011 = vector.load %arg9[%get3A_1008, %get3A_1009, %get3A_1010] : memref<16x2048x128xf32, #tpu.memory_space<vmem>>, vector<1x2048x128xf32>
        %get3A_1012 = vector.shape_cast %get3A_1011 : vector<1x2048x128xf32> to vector<2048x128xf32>
        %jit3A_1013 = arith.constant 0.000000e+00 : f32
        %broadcast_in_dim3A_1014 = vector.broadcast %jit3A_1013 : f32 to vector<2048x128xf32>
        %select_n3A_1015 = arith.select %gt3A_1007, %broadcast_in_dim3A_1014, %get3A_1012 : vector<2048x128xi1>, vector<2048x128xf32>
        %swap3A_1016 = arith.constant 4 : index
        %swap3A_1017 = arith.constant 0 : index
        %swap3A_1018 = arith.constant 0 : index
        %swap3A_1019 = vector.load %arg9[%swap3A_1016, %swap3A_1017, %swap3A_1018] : memref<16x2048x128xf32, #tpu.memory_space<vmem>>, vector<1x2048x128xf32>
        %swap3A_1020 = vector.shape_cast %swap3A_1019 : vector<1x2048x128xf32> to vector<2048x128xf32>
        %swap3A_1021 = vector.shape_cast %select_n3A_1015 : vector<2048x128xf32> to vector<1x2048x128xf32>
        tpu.vector_store %arg9[%swap3A_1016, %swap3A_1017, %swap3A_1018], %swap3A_1021 {strides = array<i32>} : memref<16x2048x128xf32, #tpu.memory_space<vmem>>, vector<1x2048x128xf32>,
        %dma_start3A_1022 = arith.constant 4 : i32
        %dma_start3A_1023 = arith.constant 4 : i32
        %dma_start3A_1024 = arith.constant 33 : i32
        %dma_start3A_1025 = tpu.memref_slice %arg13[%dma_start3A_1024] : memref<35x!tpu.dma_semaphore, #tpu.memory_space<semaphore_mem>> -> memref<1x!tpu.dma_semaphore, #tpu.memory_space<semaphore_mem>>
        %dma_start3A_1026 = tpu.memref_squeeze %dma_start3A_1025 : memref<1x!tpu.dma_semaphore, #tpu.memory_space<semaphore_mem>> -> memref<!tpu.dma_semaphore, #tpu.memory_space<semaphore_mem>>
        %dma_start3A_1027 = arith.constant 0 : i32
        %dma_start3A_1028 = arith.constant 0 : i32
        %dma_start3A_1029 = tpu.memref_slice %arg6[%dma_start3A_1023, %dma_start3A_1027, %dma_start3A_1028] : memref<16x2048x128xf32, #tpu.memory_space<any>> -> memref<1x2048x128xf32, #tpu.memory_space<any>>
        %dma_start3A_1030 = tpu.memref_squeeze %dma_start3A_1029 : memref<1x2048x128xf32, #tpu.memory_space<any>> -> memref<2048x128xf32, #tpu.memory_space<any>>
        %dma_start3A_1031 = arith.constant 0 : i32
        %dma_start3A_1032 = arith.constant 0 : i32
        %dma_start3A_1033 = tpu.memref_slice %arg9[%dma_start3A_1022, %dma_start3A_1031, %dma_start3A_1032] : memref<16x2048x128xf32, #tpu.memory_space<vmem>> -> memref<1x2048x128xf32, #tpu.memory_space<vmem>>
        %dma_start3A_1034 = tpu.memref_squeeze %dma_start3A_1033 : memref<1x2048x128xf32, #tpu.memory_space<vmem>> -> memref<2048x128xf32, #tpu.memory_space<vmem>>
        tpu.enqueue_dma source(%dma_start3A_1034 : memref<2048x128xf32, #tpu.memory_space<vmem>>) target(%dma_start3A_1030 : memref<2048x128xf32, #tpu.memory_space<any>>) target_semaphore(%dma_start3A_1026 : memref<!tpu.dma_semaphore, #tpu.memory_space<semaphore_mem>>)
        %dma_wait3A_1035 = arith.constant 4 : i32
        %dma_wait3A_1036 = arith.constant 4 : i32
        %dma_wait3A_1037 = arith.constant 33 : i32
        %dma_wait3A_1038 = tpu.memref_slice %arg13[%dma_wait3A_1037] : memref<35x!tpu.dma_semaphore, #tpu.memory_space<semaphore_mem>> -> memref<1x!tpu.dma_semaphore, #tpu.memory_space<semaphore_mem>>
        %dma_wait3A_1039 = tpu.memref_squeeze %dma_wait3A_1038 : memref<1x!tpu.dma_semaphore, #tpu.memory_space<semaphore_mem>> -> memref<!tpu.dma_semaphore, #tpu.memory_space<semaphore_mem>>
        %dma_wait3A_1040 = arith.constant 0 : i32
        %dma_wait3A_1041 = arith.constant 0 : i32
        %dma_wait3A_1042 = tpu.memref_slice %arg6[%dma_wait3A_1036, %dma_wait3A_1040, %dma_wait3A_1041] : memref<16x2048x128xf32, #tpu.memory_space<any>> -> memref<1x2048x128xf32, #tpu.memory_space<any>>
        %dma_wait3A_1043 = tpu.memref_squeeze %dma_wait3A_1042 : memref<1x2048x128xf32, #tpu.memory_space<any>> -> memref<2048x128xf32, #tpu.memory_space<any>>
        %dma_wait3A_1044 = arith.constant 0 : i32
        %dma_wait3A_1045 = arith.constant 0 : i32
        %dma_wait3A_1046 = tpu.memref_slice %arg9[%dma_wait3A_1035, %dma_wait3A_1044, %dma_wait3A_1045] : memref<16x2048x128xf32, #tpu.memory_space<vmem>> -> memref<1x2048x128xf32, #tpu.memory_space<vmem>>
        %dma_wait3A_1047 = tpu.memref_squeeze %dma_wait3A_1046 : memref<1x2048x128xf32, #tpu.memory_space<vmem>> -> memref<2048x128xf32, #tpu.memory_space<vmem>>
        tpu.wait_dma2 semaphore(%dma_wait3A_1039 : memref<!tpu.dma_semaphore, #tpu.memory_space<semaphore_mem>>) src(%dma_wait3A_1047 : memref<2048x128xf32, #tpu.memory_space<vmem>>) dst(%dma_wait3A_1043 : memref<2048x128xf32, #tpu.memory_space<any>>)
      } else {
      }
      %get3A_707 = arith.constant 5 : index
      %get3A_708 = arith.constant 0 : index
      %get3A_709 = memref.load %arg12[%get3A_707, %get3A_708] : memref<16x1xi32, #tpu.memory_space<smem>>
      %lt3A_710 = arith.constant 2047 : i32
      %lt3A_711 = arith.cmpi slt, %get3A_709, %lt3A_710 : i32
      %convert_element_type3A_712 = arith.extui %lt3A_711 : i1 to i32
      %cond3A_713 = arith.constant 0 : i32
      %cond3A_714 = arith.cmpi ne, %convert_element_type3A_712, %cond3A_713 : i32
      scf.if %cond3A_714 {
        %slice3A = vector.extract_strided_slice %reshape3A_302 {offsets = [5, 0], sizes = [1, 1], strides = [1, 1]} : vector<16x1xi32> to vector<1x1xi32>
        %gt3A_1006 = vector.broadcast %slice3A : vector<1x1xi32> to vector<2048x128xi32>
        %gt3A_1007 = arith.cmpi sgt, %iota3A_666, %gt3A_1006 : vector<2048x128xi32>
        %get3A_1008 = arith.constant 5 : index
        %get3A_1009 = arith.constant 0 : index
        %get3A_1010 = arith.constant 0 : index
        %get3A_1011 = vector.load %arg9[%get3A_1008, %get3A_1009, %get3A_1010] : memref<16x2048x128xf32, #tpu.memory_space<vmem>>, vector<1x2048x128xf32>
        %get3A_1012 = vector.shape_cast %get3A_1011 : vector<1x2048x128xf32> to vector<2048x128xf32>
        %jit3A_1013 = arith.constant 0.000000e+00 : f32
        %broadcast_in_dim3A_1014 = vector.broadcast %jit3A_1013 : f32 to vector<2048x128xf32>
        %select_n3A_1015 = arith.select %gt3A_1007, %broadcast_in_dim3A_1014, %get3A_1012 : vector<2048x128xi1>, vector<2048x128xf32>
        %swap3A_1016 = arith.constant 5 : index
        %swap3A_1017 = arith.constant 0 : index
        %swap3A_1018 = arith.constant 0 : index
        %swap3A_1019 = vector.load %arg9[%swap3A_1016, %swap3A_1017, %swap3A_1018] : memref<16x2048x128xf32, #tpu.memory_space<vmem>>, vector<1x2048x128xf32>
        %swap3A_1020 = vector.shape_cast %swap3A_1019 : vector<1x2048x128xf32> to vector<2048x128xf32>
        %swap3A_1021 = vector.shape_cast %select_n3A_1015 : vector<2048x128xf32> to vector<1x2048x128xf32>
        tpu.vector_store %arg9[%swap3A_1016, %swap3A_1017, %swap3A_1018], %swap3A_1021 {strides = array<i32>} : memref<16x2048x128xf32, #tpu.memory_space<vmem>>, vector<1x2048x128xf32>,
        %dma_start3A_1022 = arith.constant 5 : i32
        %dma_start3A_1023 = arith.constant 5 : i32
        %dma_start3A_1024 = arith.constant 33 : i32
        %dma_start3A_1025 = tpu.memref_slice %arg13[%dma_start3A_1024] : memref<35x!tpu.dma_semaphore, #tpu.memory_space<semaphore_mem>> -> memref<1x!tpu.dma_semaphore, #tpu.memory_space<semaphore_mem>>
        %dma_start3A_1026 = tpu.memref_squeeze %dma_start3A_1025 : memref<1x!tpu.dma_semaphore, #tpu.memory_space<semaphore_mem>> -> memref<!tpu.dma_semaphore, #tpu.memory_space<semaphore_mem>>
        %dma_start3A_1027 = arith.constant 0 : i32
        %dma_start3A_1028 = arith.constant 0 : i32
        %dma_start3A_1029 = tpu.memref_slice %arg6[%dma_start3A_1023, %dma_start3A_1027, %dma_start3A_1028] : memref<16x2048x128xf32, #tpu.memory_space<any>> -> memref<1x2048x128xf32, #tpu.memory_space<any>>
        %dma_start3A_1030 = tpu.memref_squeeze %dma_start3A_1029 : memref<1x2048x128xf32, #tpu.memory_space<any>> -> memref<2048x128xf32, #tpu.memory_space<any>>
        %dma_start3A_1031 = arith.constant 0 : i32
        %dma_start3A_1032 = arith.constant 0 : i32
        %dma_start3A_1033 = tpu.memref_slice %arg9[%dma_start3A_1022, %dma_start3A_1031, %dma_start3A_1032] : memref<16x2048x128xf32, #tpu.memory_space<vmem>> -> memref<1x2048x128xf32, #tpu.memory_space<vmem>>
        %dma_start3A_1034 = tpu.memref_squeeze %dma_start3A_1033 : memref<1x2048x128xf32, #tpu.memory_space<vmem>> -> memref<2048x128xf32, #tpu.memory_space<vmem>>
        tpu.enqueue_dma source(%dma_start3A_1034 : memref<2048x128xf32, #tpu.memory_space<vmem>>) target(%dma_start3A_1030 : memref<2048x128xf32, #tpu.memory_space<any>>) target_semaphore(%dma_start3A_1026 : memref<!tpu.dma_semaphore, #tpu.memory_space<semaphore_mem>>)
        %dma_wait3A_1035 = arith.constant 5 : i32
        %dma_wait3A_1036 = arith.constant 5 : i32
        %dma_wait3A_1037 = arith.constant 33 : i32
        %dma_wait3A_1038 = tpu.memref_slice %arg13[%dma_wait3A_1037] : memref<35x!tpu.dma_semaphore, #tpu.memory_space<semaphore_mem>> -> memref<1x!tpu.dma_semaphore, #tpu.memory_space<semaphore_mem>>
        %dma_wait3A_1039 = tpu.memref_squeeze %dma_wait3A_1038 : memref<1x!tpu.dma_semaphore, #tpu.memory_space<semaphore_mem>> -> memref<!tpu.dma_semaphore, #tpu.memory_space<semaphore_mem>>
        %dma_wait3A_1040 = arith.constant 0 : i32
        %dma_wait3A_1041 = arith.constant 0 : i32
        %dma_wait3A_1042 = tpu.memref_slice %arg6[%dma_wait3A_1036, %dma_wait3A_1040, %dma_wait3A_1041] : memref<16x2048x128xf32, #tpu.memory_space<any>> -> memref<1x2048x128xf32, #tpu.memory_space<any>>
        %dma_wait3A_1043 = tpu.memref_squeeze %dma_wait3A_1042 : memref<1x2048x128xf32, #tpu.memory_space<any>> -> memref<2048x128xf32, #tpu.memory_space<any>>
        %dma_wait3A_1044 = arith.constant 0 : i32
        %dma_wait3A_1045 = arith.constant 0 : i32
        %dma_wait3A_1046 = tpu.memref_slice %arg9[%dma_wait3A_1035, %dma_wait3A_1044, %dma_wait3A_1045] : memref<16x2048x128xf32, #tpu.memory_space<vmem>> -> memref<1x2048x128xf32, #tpu.memory_space<vmem>>
        %dma_wait3A_1047 = tpu.memref_squeeze %dma_wait3A_1046 : memref<1x2048x128xf32, #tpu.memory_space<vmem>> -> memref<2048x128xf32, #tpu.memory_space<vmem>>
        tpu.wait_dma2 semaphore(%dma_wait3A_1039 : memref<!tpu.dma_semaphore, #tpu.memory_space<semaphore_mem>>) src(%dma_wait3A_1047 : memref<2048x128xf32, #tpu.memory_space<vmem>>) dst(%dma_wait3A_1043 : memref<2048x128xf32, #tpu.memory_space<any>>)
      } else {
      }
      %get3A_715 = arith.constant 6 : index
      %get3A_716 = arith.constant 0 : index
      %get3A_717 = memref.load %arg12[%get3A_715, %get3A_716] : memref<16x1xi32, #tpu.memory_space<smem>>
      %lt3A_718 = arith.constant 2047 : i32
      %lt3A_719 = arith.cmpi slt, %get3A_717, %lt3A_718 : i32
      %convert_element_type3A_720 = arith.extui %lt3A_719 : i1 to i32
      %cond3A_721 = arith.constant 0 : i32
      %cond3A_722 = arith.cmpi ne, %convert_element_type3A_720, %cond3A_721 : i32
      scf.if %cond3A_722 {
        %slice3A = vector.extract_strided_slice %reshape3A_302 {offsets = [6, 0], sizes = [1, 1], strides = [1, 1]} : vector<16x1xi32> to vector<1x1xi32>
        %gt3A_1006 = vector.broadcast %slice3A : vector<1x1xi32> to vector<2048x128xi32>
        %gt3A_1007 = arith.cmpi sgt, %iota3A_666, %gt3A_1006 : vector<2048x128xi32>
        %get3A_1008 = arith.constant 6 : index
        %get3A_1009 = arith.constant 0 : index
        %get3A_1010 = arith.constant 0 : index
        %get3A_1011 = vector.load %arg9[%get3A_1008, %get3A_1009, %get3A_1010] : memref<16x2048x128xf32, #tpu.memory_space<vmem>>, vector<1x2048x128xf32>
        %get3A_1012 = vector.shape_cast %get3A_1011 : vector<1x2048x128xf32> to vector<2048x128xf32>
        %jit3A_1013 = arith.constant 0.000000e+00 : f32
        %broadcast_in_dim3A_1014 = vector.broadcast %jit3A_1013 : f32 to vector<2048x128xf32>
        %select_n3A_1015 = arith.select %gt3A_1007, %broadcast_in_dim3A_1014, %get3A_1012 : vector<2048x128xi1>, vector<2048x128xf32>
        %swap3A_1016 = arith.constant 6 : index
        %swap3A_1017 = arith.constant 0 : index
        %swap3A_1018 = arith.constant 0 : index
        %swap3A_1019 = vector.load %arg9[%swap3A_1016, %swap3A_1017, %swap3A_1018] : memref<16x2048x128xf32, #tpu.memory_space<vmem>>, vector<1x2048x128xf32>
        %swap3A_1020 = vector.shape_cast %swap3A_1019 : vector<1x2048x128xf32> to vector<2048x128xf32>
        %swap3A_1021 = vector.shape_cast %select_n3A_1015 : vector<2048x128xf32> to vector<1x2048x128xf32>
        tpu.vector_store %arg9[%swap3A_1016, %swap3A_1017, %swap3A_1018], %swap3A_1021 {strides = array<i32>} : memref<16x2048x128xf32, #tpu.memory_space<vmem>>, vector<1x2048x128xf32>,
        %dma_start3A_1022 = arith.constant 6 : i32
        %dma_start3A_1023 = arith.constant 6 : i32
        %dma_start3A_1024 = arith.constant 33 : i32
        %dma_start3A_1025 = tpu.memref_slice %arg13[%dma_start3A_1024] : memref<35x!tpu.dma_semaphore, #tpu.memory_space<semaphore_mem>> -> memref<1x!tpu.dma_semaphore, #tpu.memory_space<semaphore_mem>>
        %dma_start3A_1026 = tpu.memref_squeeze %dma_start3A_1025 : memref<1x!tpu.dma_semaphore, #tpu.memory_space<semaphore_mem>> -> memref<!tpu.dma_semaphore, #tpu.memory_space<semaphore_mem>>
        %dma_start3A_1027 = arith.constant 0 : i32
        %dma_start3A_1028 = arith.constant 0 : i32
        %dma_start3A_1029 = tpu.memref_slice %arg6[%dma_start3A_1023, %dma_start3A_1027, %dma_start3A_1028] : memref<16x2048x128xf32, #tpu.memory_space<any>> -> memref<1x2048x128xf32, #tpu.memory_space<any>>
        %dma_start3A_1030 = tpu.memref_squeeze %dma_start3A_1029 : memref<1x2048x128xf32, #tpu.memory_space<any>> -> memref<2048x128xf32, #tpu.memory_space<any>>
        %dma_start3A_1031 = arith.constant 0 : i32
        %dma_start3A_1032 = arith.constant 0 : i32
        %dma_start3A_1033 = tpu.memref_slice %arg9[%dma_start3A_1022, %dma_start3A_1031, %dma_start3A_1032] : memref<16x2048x128xf32, #tpu.memory_space<vmem>> -> memref<1x2048x128xf32, #tpu.memory_space<vmem>>
        %dma_start3A_1034 = tpu.memref_squeeze %dma_start3A_1033 : memref<1x2048x128xf32, #tpu.memory_space<vmem>> -> memref<2048x128xf32, #tpu.memory_space<vmem>>
        tpu.enqueue_dma source(%dma_start3A_1034 : memref<2048x128xf32, #tpu.memory_space<vmem>>) target(%dma_start3A_1030 : memref<2048x128xf32, #tpu.memory_space<any>>) target_semaphore(%dma_start3A_1026 : memref<!tpu.dma_semaphore, #tpu.memory_space<semaphore_mem>>)
        %dma_wait3A_1035 = arith.constant 6 : i32
        %dma_wait3A_1036 = arith.constant 6 : i32
        %dma_wait3A_1037 = arith.constant 33 : i32
        %dma_wait3A_1038 = tpu.memref_slice %arg13[%dma_wait3A_1037] : memref<35x!tpu.dma_semaphore, #tpu.memory_space<semaphore_mem>> -> memref<1x!tpu.dma_semaphore, #tpu.memory_space<semaphore_mem>>
        %dma_wait3A_1039 = tpu.memref_squeeze %dma_wait3A_1038 : memref<1x!tpu.dma_semaphore, #tpu.memory_space<semaphore_mem>> -> memref<!tpu.dma_semaphore, #tpu.memory_space<semaphore_mem>>
        %dma_wait3A_1040 = arith.constant 0 : i32
        %dma_wait3A_1041 = arith.constant 0 : i32
        %dma_wait3A_1042 = tpu.memref_slice %arg6[%dma_wait3A_1036, %dma_wait3A_1040, %dma_wait3A_1041] : memref<16x2048x128xf32, #tpu.memory_space<any>> -> memref<1x2048x128xf32, #tpu.memory_space<any>>
        %dma_wait3A_1043 = tpu.memref_squeeze %dma_wait3A_1042 : memref<1x2048x128xf32, #tpu.memory_space<any>> -> memref<2048x128xf32, #tpu.memory_space<any>>
        %dma_wait3A_1044 = arith.constant 0 : i32
        %dma_wait3A_1045 = arith.constant 0 : i32
        %dma_wait3A_1046 = tpu.memref_slice %arg9[%dma_wait3A_1035, %dma_wait3A_1044, %dma_wait3A_1045] : memref<16x2048x128xf32, #tpu.memory_space<vmem>> -> memref<1x2048x128xf32, #tpu.memory_space<vmem>>
        %dma_wait3A_1047 = tpu.memref_squeeze %dma_wait3A_1046 : memref<1x2048x128xf32, #tpu.memory_space<vmem>> -> memref<2048x128xf32, #tpu.memory_space<vmem>>
        tpu.wait_dma2 semaphore(%dma_wait3A_1039 : memref<!tpu.dma_semaphore, #tpu.memory_space<semaphore_mem>>) src(%dma_wait3A_1047 : memref<2048x128xf32, #tpu.memory_space<vmem>>) dst(%dma_wait3A_1043 : memref<2048x128xf32, #tpu.memory_space<any>>)
      } else {
      }
      %get3A_723 = arith.constant 7 : index
      %get3A_724 = arith.constant 0 : index
      %get3A_725 = memref.load %arg12[%get3A_723, %get3A_724] : memref<16x1xi32, #tpu.memory_space<smem>>
      %lt3A_726 = arith.constant 2047 : i32
      %lt3A_727 = arith.cmpi slt, %get3A_725, %lt3A_726 : i32
      %convert_element_type3A_728 = arith.extui %lt3A_727 : i1 to i32
      %cond3A_729 = arith.constant 0 : i32
      %cond3A_730 = arith.cmpi ne, %convert_element_type3A_728, %cond3A_729 : i32
      scf.if %cond3A_730 {
        %slice3A = vector.extract_strided_slice %reshape3A_302 {offsets = [7, 0], sizes = [1, 1], strides = [1, 1]} : vector<16x1xi32> to vector<1x1xi32>
        %gt3A_1006 = vector.broadcast %slice3A : vector<1x1xi32> to vector<2048x128xi32>
        %gt3A_1007 = arith.cmpi sgt, %iota3A_666, %gt3A_1006 : vector<2048x128xi32>
        %get3A_1008 = arith.constant 7 : index
        %get3A_1009 = arith.constant 0 : index
        %get3A_1010 = arith.constant 0 : index
        %get3A_1011 = vector.load %arg9[%get3A_1008, %get3A_1009, %get3A_1010] : memref<16x2048x128xf32, #tpu.memory_space<vmem>>, vector<1x2048x128xf32>
        %get3A_1012 = vector.shape_cast %get3A_1011 : vector<1x2048x128xf32> to vector<2048x128xf32>
        %jit3A_1013 = arith.constant 0.000000e+00 : f32
        %broadcast_in_dim3A_1014 = vector.broadcast %jit3A_1013 : f32 to vector<2048x128xf32>
        %select_n3A_1015 = arith.select %gt3A_1007, %broadcast_in_dim3A_1014, %get3A_1012 : vector<2048x128xi1>, vector<2048x128xf32>
        %swap3A_1016 = arith.constant 7 : index
        %swap3A_1017 = arith.constant 0 : index
        %swap3A_1018 = arith.constant 0 : index
        %swap3A_1019 = vector.load %arg9[%swap3A_1016, %swap3A_1017, %swap3A_1018] : memref<16x2048x128xf32, #tpu.memory_space<vmem>>, vector<1x2048x128xf32>
        %swap3A_1020 = vector.shape_cast %swap3A_1019 : vector<1x2048x128xf32> to vector<2048x128xf32>
        %swap3A_1021 = vector.shape_cast %select_n3A_1015 : vector<2048x128xf32> to vector<1x2048x128xf32>
        tpu.vector_store %arg9[%swap3A_1016, %swap3A_1017, %swap3A_1018], %swap3A_1021 {strides = array<i32>} : memref<16x2048x128xf32, #tpu.memory_space<vmem>>, vector<1x2048x128xf32>,
        %dma_start3A_1022 = arith.constant 7 : i32
        %dma_start3A_1023 = arith.constant 7 : i32
        %dma_start3A_1024 = arith.constant 33 : i32
        %dma_start3A_1025 = tpu.memref_slice %arg13[%dma_start3A_1024] : memref<35x!tpu.dma_semaphore, #tpu.memory_space<semaphore_mem>> -> memref<1x!tpu.dma_semaphore, #tpu.memory_space<semaphore_mem>>
        %dma_start3A_1026 = tpu.memref_squeeze %dma_start3A_1025 : memref<1x!tpu.dma_semaphore, #tpu.memory_space<semaphore_mem>> -> memref<!tpu.dma_semaphore, #tpu.memory_space<semaphore_mem>>
        %dma_start3A_1027 = arith.constant 0 : i32
        %dma_start3A_1028 = arith.constant 0 : i32
        %dma_start3A_1029 = tpu.memref_slice %arg6[%dma_start3A_1023, %dma_start3A_1027, %dma_start3A_1028] : memref<16x2048x128xf32, #tpu.memory_space<any>> -> memref<1x2048x128xf32, #tpu.memory_space<any>>
        %dma_start3A_1030 = tpu.memref_squeeze %dma_start3A_1029 : memref<1x2048x128xf32, #tpu.memory_space<any>> -> memref<2048x128xf32, #tpu.memory_space<any>>
        %dma_start3A_1031 = arith.constant 0 : i32
        %dma_start3A_1032 = arith.constant 0 : i32
        %dma_start3A_1033 = tpu.memref_slice %arg9[%dma_start3A_1022, %dma_start3A_1031, %dma_start3A_1032] : memref<16x2048x128xf32, #tpu.memory_space<vmem>> -> memref<1x2048x128xf32, #tpu.memory_space<vmem>>
        %dma_start3A_1034 = tpu.memref_squeeze %dma_start3A_1033 : memref<1x2048x128xf32, #tpu.memory_space<vmem>> -> memref<2048x128xf32, #tpu.memory_space<vmem>>
        tpu.enqueue_dma source(%dma_start3A_1034 : memref<2048x128xf32, #tpu.memory_space<vmem>>) target(%dma_start3A_1030 : memref<2048x128xf32, #tpu.memory_space<any>>) target_semaphore(%dma_start3A_1026 : memref<!tpu.dma_semaphore, #tpu.memory_space<semaphore_mem>>)
        %dma_wait3A_1035 = arith.constant 7 : i32
        %dma_wait3A_1036 = arith.constant 7 : i32
        %dma_wait3A_1037 = arith.constant 33 : i32
        %dma_wait3A_1038 = tpu.memref_slice %arg13[%dma_wait3A_1037] : memref<35x!tpu.dma_semaphore, #tpu.memory_space<semaphore_mem>> -> memref<1x!tpu.dma_semaphore, #tpu.memory_space<semaphore_mem>>
        %dma_wait3A_1039 = tpu.memref_squeeze %dma_wait3A_1038 : memref<1x!tpu.dma_semaphore, #tpu.memory_space<semaphore_mem>> -> memref<!tpu.dma_semaphore, #tpu.memory_space<semaphore_mem>>
        %dma_wait3A_1040 = arith.constant 0 : i32
        %dma_wait3A_1041 = arith.constant 0 : i32
        %dma_wait3A_1042 = tpu.memref_slice %arg6[%dma_wait3A_1036, %dma_wait3A_1040, %dma_wait3A_1041] : memref<16x2048x128xf32, #tpu.memory_space<any>> -> memref<1x2048x128xf32, #tpu.memory_space<any>>
        %dma_wait3A_1043 = tpu.memref_squeeze %dma_wait3A_1042 : memref<1x2048x128xf32, #tpu.memory_space<any>> -> memref<2048x128xf32, #tpu.memory_space<any>>
        %dma_wait3A_1044 = arith.constant 0 : i32
        %dma_wait3A_1045 = arith.constant 0 : i32
        %dma_wait3A_1046 = tpu.memref_slice %arg9[%dma_wait3A_1035, %dma_wait3A_1044, %dma_wait3A_1045] : memref<16x2048x128xf32, #tpu.memory_space<vmem>> -> memref<1x2048x128xf32, #tpu.memory_space<vmem>>
        %dma_wait3A_1047 = tpu.memref_squeeze %dma_wait3A_1046 : memref<1x2048x128xf32, #tpu.memory_space<vmem>> -> memref<2048x128xf32, #tpu.memory_space<vmem>>
        tpu.wait_dma2 semaphore(%dma_wait3A_1039 : memref<!tpu.dma_semaphore, #tpu.memory_space<semaphore_mem>>) src(%dma_wait3A_1047 : memref<2048x128xf32, #tpu.memory_space<vmem>>) dst(%dma_wait3A_1043 : memref<2048x128xf32, #tpu.memory_space<any>>)
      } else {
      }
      %get3A_731 = arith.constant 8 : index
      %get3A_732 = arith.constant 0 : index
      %get3A_733 = memref.load %arg12[%get3A_731, %get3A_732] : memref<16x1xi32, #tpu.memory_space<smem>>
      %lt3A_734 = arith.constant 2047 : i32
      %lt3A_735 = arith.cmpi slt, %get3A_733, %lt3A_734 : i32
      %convert_element_type3A_736 = arith.extui %lt3A_735 : i1 to i32
      %cond3A_737 = arith.constant 0 : i32
      %cond3A_738 = arith.cmpi ne, %convert_element_type3A_736, %cond3A_737 : i32
      scf.if %cond3A_738 {
        %slice3A = vector.extract_strided_slice %reshape3A_302 {offsets = [8, 0], sizes = [1, 1], strides = [1, 1]} : vector<16x1xi32> to vector<1x1xi32>
        %gt3A_1006 = vector.broadcast %slice3A : vector<1x1xi32> to vector<2048x128xi32>
        %gt3A_1007 = arith.cmpi sgt, %iota3A_666, %gt3A_1006 : vector<2048x128xi32>
        %get3A_1008 = arith.constant 8 : index
        %get3A_1009 = arith.constant 0 : index
        %get3A_1010 = arith.constant 0 : index
        %get3A_1011 = vector.load %arg9[%get3A_1008, %get3A_1009, %get3A_1010] : memref<16x2048x128xf32, #tpu.memory_space<vmem>>, vector<1x2048x128xf32>
        %get3A_1012 = vector.shape_cast %get3A_1011 : vector<1x2048x128xf32> to vector<2048x128xf32>
        %jit3A_1013 = arith.constant 0.000000e+00 : f32
        %broadcast_in_dim3A_1014 = vector.broadcast %jit3A_1013 : f32 to vector<2048x128xf32>
        %select_n3A_1015 = arith.select %gt3A_1007, %broadcast_in_dim3A_1014, %get3A_1012 : vector<2048x128xi1>, vector<2048x128xf32>
        %swap3A_1016 = arith.constant 8 : index
        %swap3A_1017 = arith.constant 0 : index
        %swap3A_1018 = arith.constant 0 : index
        %swap3A_1019 = vector.load %arg9[%swap3A_1016, %swap3A_1017, %swap3A_1018] : memref<16x2048x128xf32, #tpu.memory_space<vmem>>, vector<1x2048x128xf32>
        %swap3A_1020 = vector.shape_cast %swap3A_1019 : vector<1x2048x128xf32> to vector<2048x128xf32>
        %swap3A_1021 = vector.shape_cast %select_n3A_1015 : vector<2048x128xf32> to vector<1x2048x128xf32>
        tpu.vector_store %arg9[%swap3A_1016, %swap3A_1017, %swap3A_1018], %swap3A_1021 {strides = array<i32>} : memref<16x2048x128xf32, #tpu.memory_space<vmem>>, vector<1x2048x128xf32>,
        %dma_start3A_1022 = arith.constant 8 : i32
        %dma_start3A_1023 = arith.constant 8 : i32
        %dma_start3A_1024 = arith.constant 33 : i32
        %dma_start3A_1025 = tpu.memref_slice %arg13[%dma_start3A_1024] : memref<35x!tpu.dma_semaphore, #tpu.memory_space<semaphore_mem>> -> memref<1x!tpu.dma_semaphore, #tpu.memory_space<semaphore_mem>>
        %dma_start3A_1026 = tpu.memref_squeeze %dma_start3A_1025 : memref<1x!tpu.dma_semaphore, #tpu.memory_space<semaphore_mem>> -> memref<!tpu.dma_semaphore, #tpu.memory_space<semaphore_mem>>
        %dma_start3A_1027 = arith.constant 0 : i32
        %dma_start3A_1028 = arith.constant 0 : i32
        %dma_start3A_1029 = tpu.memref_slice %arg6[%dma_start3A_1023, %dma_start3A_1027, %dma_start3A_1028] : memref<16x2048x128xf32, #tpu.memory_space<any>> -> memref<1x2048x128xf32, #tpu.memory_space<any>>
        %dma_start3A_1030 = tpu.memref_squeeze %dma_start3A_1029 : memref<1x2048x128xf32, #tpu.memory_space<any>> -> memref<2048x128xf32, #tpu.memory_space<any>>
        %dma_start3A_1031 = arith.constant 0 : i32
        %dma_start3A_1032 = arith.constant 0 : i32
        %dma_start3A_1033 = tpu.memref_slice %arg9[%dma_start3A_1022, %dma_start3A_1031, %dma_start3A_1032] : memref<16x2048x128xf32, #tpu.memory_space<vmem>> -> memref<1x2048x128xf32, #tpu.memory_space<vmem>>
        %dma_start3A_1034 = tpu.memref_squeeze %dma_start3A_1033 : memref<1x2048x128xf32, #tpu.memory_space<vmem>> -> memref<2048x128xf32, #tpu.memory_space<vmem>>
        tpu.enqueue_dma source(%dma_start3A_1034 : memref<2048x128xf32, #tpu.memory_space<vmem>>) target(%dma_start3A_1030 : memref<2048x128xf32, #tpu.memory_space<any>>) target_semaphore(%dma_start3A_1026 : memref<!tpu.dma_semaphore, #tpu.memory_space<semaphore_mem>>)
        %dma_wait3A_1035 = arith.constant 8 : i32
        %dma_wait3A_1036 = arith.constant 8 : i32
        %dma_wait3A_1037 = arith.constant 33 : i32
        %dma_wait3A_1038 = tpu.memref_slice %arg13[%dma_wait3A_1037] : memref<35x!tpu.dma_semaphore, #tpu.memory_space<semaphore_mem>> -> memref<1x!tpu.dma_semaphore, #tpu.memory_space<semaphore_mem>>
        %dma_wait3A_1039 = tpu.memref_squeeze %dma_wait3A_1038 : memref<1x!tpu.dma_semaphore, #tpu.memory_space<semaphore_mem>> -> memref<!tpu.dma_semaphore, #tpu.memory_space<semaphore_mem>>
        %dma_wait3A_1040 = arith.constant 0 : i32
        %dma_wait3A_1041 = arith.constant 0 : i32
        %dma_wait3A_1042 = tpu.memref_slice %arg6[%dma_wait3A_1036, %dma_wait3A_1040, %dma_wait3A_1041] : memref<16x2048x128xf32, #tpu.memory_space<any>> -> memref<1x2048x128xf32, #tpu.memory_space<any>>
        %dma_wait3A_1043 = tpu.memref_squeeze %dma_wait3A_1042 : memref<1x2048x128xf32, #tpu.memory_space<any>> -> memref<2048x128xf32, #tpu.memory_space<any>>
        %dma_wait3A_1044 = arith.constant 0 : i32
        %dma_wait3A_1045 = arith.constant 0 : i32
        %dma_wait3A_1046 = tpu.memref_slice %arg9[%dma_wait3A_1035, %dma_wait3A_1044, %dma_wait3A_1045] : memref<16x2048x128xf32, #tpu.memory_space<vmem>> -> memref<1x2048x128xf32, #tpu.memory_space<vmem>>
        %dma_wait3A_1047 = tpu.memref_squeeze %dma_wait3A_1046 : memref<1x2048x128xf32, #tpu.memory_space<vmem>> -> memref<2048x128xf32, #tpu.memory_space<vmem>>
        tpu.wait_dma2 semaphore(%dma_wait3A_1039 : memref<!tpu.dma_semaphore, #tpu.memory_space<semaphore_mem>>) src(%dma_wait3A_1047 : memref<2048x128xf32, #tpu.memory_space<vmem>>) dst(%dma_wait3A_1043 : memref<2048x128xf32, #tpu.memory_space<any>>)
      } else {
      }
      %get3A_739 = arith.constant 9 : index
      %get3A_740 = arith.constant 0 : index
      %get3A_741 = memref.load %arg12[%get3A_739, %get3A_740] : memref<16x1xi32, #tpu.memory_space<smem>>
      %lt3A_742 = arith.constant 2047 : i32
      %lt3A_743 = arith.cmpi slt, %get3A_741, %lt3A_742 : i32
      %convert_element_type3A_744 = arith.extui %lt3A_743 : i1 to i32
      %cond3A_745 = arith.constant 0 : i32
      %cond3A_746 = arith.cmpi ne, %convert_element_type3A_744, %cond3A_745 : i32
      scf.if %cond3A_746 {
        %slice3A = vector.extract_strided_slice %reshape3A_302 {offsets = [9, 0], sizes = [1, 1], strides = [1, 1]} : vector<16x1xi32> to vector<1x1xi32>
        %gt3A_1006 = vector.broadcast %slice3A : vector<1x1xi32> to vector<2048x128xi32>
        %gt3A_1007 = arith.cmpi sgt, %iota3A_666, %gt3A_1006 : vector<2048x128xi32>
        %get3A_1008 = arith.constant 9 : index
        %get3A_1009 = arith.constant 0 : index
        %get3A_1010 = arith.constant 0 : index
        %get3A_1011 = vector.load %arg9[%get3A_1008, %get3A_1009, %get3A_1010] : memref<16x2048x128xf32, #tpu.memory_space<vmem>>, vector<1x2048x128xf32>
        %get3A_1012 = vector.shape_cast %get3A_1011 : vector<1x2048x128xf32> to vector<2048x128xf32>
        %jit3A_1013 = arith.constant 0.000000e+00 : f32
        %broadcast_in_dim3A_1014 = vector.broadcast %jit3A_1013 : f32 to vector<2048x128xf32>
        %select_n3A_1015 = arith.select %gt3A_1007, %broadcast_in_dim3A_1014, %get3A_1012 : vector<2048x128xi1>, vector<2048x128xf32>
        %swap3A_1016 = arith.constant 9 : index
        %swap3A_1017 = arith.constant 0 : index
        %swap3A_1018 = arith.constant 0 : index
        %swap3A_1019 = vector.load %arg9[%swap3A_1016, %swap3A_1017, %swap3A_1018] : memref<16x2048x128xf32, #tpu.memory_space<vmem>>, vector<1x2048x128xf32>
        %swap3A_1020 = vector.shape_cast %swap3A_1019 : vector<1x2048x128xf32> to vector<2048x128xf32>
        %swap3A_1021 = vector.shape_cast %select_n3A_1015 : vector<2048x128xf32> to vector<1x2048x128xf32>
        tpu.vector_store %arg9[%swap3A_1016, %swap3A_1017, %swap3A_1018], %swap3A_1021 {strides = array<i32>} : memref<16x2048x128xf32, #tpu.memory_space<vmem>>, vector<1x2048x128xf32>,
        %dma_start3A_1022 = arith.constant 9 : i32
        %dma_start3A_1023 = arith.constant 9 : i32
        %dma_start3A_1024 = arith.constant 33 : i32
        %dma_start3A_1025 = tpu.memref_slice %arg13[%dma_start3A_1024] : memref<35x!tpu.dma_semaphore, #tpu.memory_space<semaphore_mem>> -> memref<1x!tpu.dma_semaphore, #tpu.memory_space<semaphore_mem>>
        %dma_start3A_1026 = tpu.memref_squeeze %dma_start3A_1025 : memref<1x!tpu.dma_semaphore, #tpu.memory_space<semaphore_mem>> -> memref<!tpu.dma_semaphore, #tpu.memory_space<semaphore_mem>>
        %dma_start3A_1027 = arith.constant 0 : i32
        %dma_start3A_1028 = arith.constant 0 : i32
        %dma_start3A_1029 = tpu.memref_slice %arg6[%dma_start3A_1023, %dma_start3A_1027, %dma_start3A_1028] : memref<16x2048x128xf32, #tpu.memory_space<any>> -> memref<1x2048x128xf32, #tpu.memory_space<any>>
        %dma_start3A_1030 = tpu.memref_squeeze %dma_start3A_1029 : memref<1x2048x128xf32, #tpu.memory_space<any>> -> memref<2048x128xf32, #tpu.memory_space<any>>
        %dma_start3A_1031 = arith.constant 0 : i32
        %dma_start3A_1032 = arith.constant 0 : i32
        %dma_start3A_1033 = tpu.memref_slice %arg9[%dma_start3A_1022, %dma_start3A_1031, %dma_start3A_1032] : memref<16x2048x128xf32, #tpu.memory_space<vmem>> -> memref<1x2048x128xf32, #tpu.memory_space<vmem>>
        %dma_start3A_1034 = tpu.memref_squeeze %dma_start3A_1033 : memref<1x2048x128xf32, #tpu.memory_space<vmem>> -> memref<2048x128xf32, #tpu.memory_space<vmem>>
        tpu.enqueue_dma source(%dma_start3A_1034 : memref<2048x128xf32, #tpu.memory_space<vmem>>) target(%dma_start3A_1030 : memref<2048x128xf32, #tpu.memory_space<any>>) target_semaphore(%dma_start3A_1026 : memref<!tpu.dma_semaphore, #tpu.memory_space<semaphore_mem>>)
        %dma_wait3A_1035 = arith.constant 9 : i32
        %dma_wait3A_1036 = arith.constant 9 : i32
        %dma_wait3A_1037 = arith.constant 33 : i32
        %dma_wait3A_1038 = tpu.memref_slice %arg13[%dma_wait3A_1037] : memref<35x!tpu.dma_semaphore, #tpu.memory_space<semaphore_mem>> -> memref<1x!tpu.dma_semaphore, #tpu.memory_space<semaphore_mem>>
        %dma_wait3A_1039 = tpu.memref_squeeze %dma_wait3A_1038 : memref<1x!tpu.dma_semaphore, #tpu.memory_space<semaphore_mem>> -> memref<!tpu.dma_semaphore, #tpu.memory_space<semaphore_mem>>
        %dma_wait3A_1040 = arith.constant 0 : i32
        %dma_wait3A_1041 = arith.constant 0 : i32
        %dma_wait3A_1042 = tpu.memref_slice %arg6[%dma_wait3A_1036, %dma_wait3A_1040, %dma_wait3A_1041] : memref<16x2048x128xf32, #tpu.memory_space<any>> -> memref<1x2048x128xf32, #tpu.memory_space<any>>
        %dma_wait3A_1043 = tpu.memref_squeeze %dma_wait3A_1042 : memref<1x2048x128xf32, #tpu.memory_space<any>> -> memref<2048x128xf32, #tpu.memory_space<any>>
        %dma_wait3A_1044 = arith.constant 0 : i32
        %dma_wait3A_1045 = arith.constant 0 : i32
        %dma_wait3A_1046 = tpu.memref_slice %arg9[%dma_wait3A_1035, %dma_wait3A_1044, %dma_wait3A_1045] : memref<16x2048x128xf32, #tpu.memory_space<vmem>> -> memref<1x2048x128xf32, #tpu.memory_space<vmem>>
        %dma_wait3A_1047 = tpu.memref_squeeze %dma_wait3A_1046 : memref<1x2048x128xf32, #tpu.memory_space<vmem>> -> memref<2048x128xf32, #tpu.memory_space<vmem>>
        tpu.wait_dma2 semaphore(%dma_wait3A_1039 : memref<!tpu.dma_semaphore, #tpu.memory_space<semaphore_mem>>) src(%dma_wait3A_1047 : memref<2048x128xf32, #tpu.memory_space<vmem>>) dst(%dma_wait3A_1043 : memref<2048x128xf32, #tpu.memory_space<any>>)
      } else {
      }
      %get3A_747 = arith.constant 10 : index
      %get3A_748 = arith.constant 0 : index
      %get3A_749 = memref.load %arg12[%get3A_747, %get3A_748] : memref<16x1xi32, #tpu.memory_space<smem>>
      %lt3A_750 = arith.constant 2047 : i32
      %lt3A_751 = arith.cmpi slt, %get3A_749, %lt3A_750 : i32
      %convert_element_type3A_752 = arith.extui %lt3A_751 : i1 to i32
      %cond3A_753 = arith.constant 0 : i32
      %cond3A_754 = arith.cmpi ne, %convert_element_type3A_752, %cond3A_753 : i32
      scf.if %cond3A_754 {
        %slice3A = vector.extract_strided_slice %reshape3A_302 {offsets = [10, 0], sizes = [1, 1], strides = [1, 1]} : vector<16x1xi32> to vector<1x1xi32>
        %gt3A_1006 = vector.broadcast %slice3A : vector<1x1xi32> to vector<2048x128xi32>
        %gt3A_1007 = arith.cmpi sgt, %iota3A_666, %gt3A_1006 : vector<2048x128xi32>
        %get3A_1008 = arith.constant 10 : index
        %get3A_1009 = arith.constant 0 : index
        %get3A_1010 = arith.constant 0 : index
        %get3A_1011 = vector.load %arg9[%get3A_1008, %get3A_1009, %get3A_1010] : memref<16x2048x128xf32, #tpu.memory_space<vmem>>, vector<1x2048x128xf32>
        %get3A_1012 = vector.shape_cast %get3A_1011 : vector<1x2048x128xf32> to vector<2048x128xf32>
        %jit3A_1013 = arith.constant 0.000000e+00 : f32
        %broadcast_in_dim3A_1014 = vector.broadcast %jit3A_1013 : f32 to vector<2048x128xf32>
        %select_n3A_1015 = arith.select %gt3A_1007, %broadcast_in_dim3A_1014, %get3A_1012 : vector<2048x128xi1>, vector<2048x128xf32>
        %swap3A_1016 = arith.constant 10 : index
        %swap3A_1017 = arith.constant 0 : index
        %swap3A_1018 = arith.constant 0 : index
        %swap3A_1019 = vector.load %arg9[%swap3A_1016, %swap3A_1017, %swap3A_1018] : memref<16x2048x128xf32, #tpu.memory_space<vmem>>, vector<1x2048x128xf32>
        %swap3A_1020 = vector.shape_cast %swap3A_1019 : vector<1x2048x128xf32> to vector<2048x128xf32>
        %swap3A_1021 = vector.shape_cast %select_n3A_1015 : vector<2048x128xf32> to vector<1x2048x128xf32>
        tpu.vector_store %arg9[%swap3A_1016, %swap3A_1017, %swap3A_1018], %swap3A_1021 {strides = array<i32>} : memref<16x2048x128xf32, #tpu.memory_space<vmem>>, vector<1x2048x128xf32>,
        %dma_start3A_1022 = arith.constant 10 : i32
        %dma_start3A_1023 = arith.constant 10 : i32
        %dma_start3A_1024 = arith.constant 33 : i32
        %dma_start3A_1025 = tpu.memref_slice %arg13[%dma_start3A_1024] : memref<35x!tpu.dma_semaphore, #tpu.memory_space<semaphore_mem>> -> memref<1x!tpu.dma_semaphore, #tpu.memory_space<semaphore_mem>>
        %dma_start3A_1026 = tpu.memref_squeeze %dma_start3A_1025 : memref<1x!tpu.dma_semaphore, #tpu.memory_space<semaphore_mem>> -> memref<!tpu.dma_semaphore, #tpu.memory_space<semaphore_mem>>
        %dma_start3A_1027 = arith.constant 0 : i32
        %dma_start3A_1028 = arith.constant 0 : i32
        %dma_start3A_1029 = tpu.memref_slice %arg6[%dma_start3A_1023, %dma_start3A_1027, %dma_start3A_1028] : memref<16x2048x128xf32, #tpu.memory_space<any>> -> memref<1x2048x128xf32, #tpu.memory_space<any>>
        %dma_start3A_1030 = tpu.memref_squeeze %dma_start3A_1029 : memref<1x2048x128xf32, #tpu.memory_space<any>> -> memref<2048x128xf32, #tpu.memory_space<any>>
        %dma_start3A_1031 = arith.constant 0 : i32
        %dma_start3A_1032 = arith.constant 0 : i32
        %dma_start3A_1033 = tpu.memref_slice %arg9[%dma_start3A_1022, %dma_start3A_1031, %dma_start3A_1032] : memref<16x2048x128xf32, #tpu.memory_space<vmem>> -> memref<1x2048x128xf32, #tpu.memory_space<vmem>>
        %dma_start3A_1034 = tpu.memref_squeeze %dma_start3A_1033 : memref<1x2048x128xf32, #tpu.memory_space<vmem>> -> memref<2048x128xf32, #tpu.memory_space<vmem>>
        tpu.enqueue_dma source(%dma_start3A_1034 : memref<2048x128xf32, #tpu.memory_space<vmem>>) target(%dma_start3A_1030 : memref<2048x128xf32, #tpu.memory_space<any>>) target_semaphore(%dma_start3A_1026 : memref<!tpu.dma_semaphore, #tpu.memory_space<semaphore_mem>>)
        %dma_wait3A_1035 = arith.constant 10 : i32
        %dma_wait3A_1036 = arith.constant 10 : i32
        %dma_wait3A_1037 = arith.constant 33 : i32
        %dma_wait3A_1038 = tpu.memref_slice %arg13[%dma_wait3A_1037] : memref<35x!tpu.dma_semaphore, #tpu.memory_space<semaphore_mem>> -> memref<1x!tpu.dma_semaphore, #tpu.memory_space<semaphore_mem>>
        %dma_wait3A_1039 = tpu.memref_squeeze %dma_wait3A_1038 : memref<1x!tpu.dma_semaphore, #tpu.memory_space<semaphore_mem>> -> memref<!tpu.dma_semaphore, #tpu.memory_space<semaphore_mem>>
        %dma_wait3A_1040 = arith.constant 0 : i32
        %dma_wait3A_1041 = arith.constant 0 : i32
        %dma_wait3A_1042 = tpu.memref_slice %arg6[%dma_wait3A_1036, %dma_wait3A_1040, %dma_wait3A_1041] : memref<16x2048x128xf32, #tpu.memory_space<any>> -> memref<1x2048x128xf32, #tpu.memory_space<any>>
        %dma_wait3A_1043 = tpu.memref_squeeze %dma_wait3A_1042 : memref<1x2048x128xf32, #tpu.memory_space<any>> -> memref<2048x128xf32, #tpu.memory_space<any>>
        %dma_wait3A_1044 = arith.constant 0 : i32
        %dma_wait3A_1045 = arith.constant 0 : i32
        %dma_wait3A_1046 = tpu.memref_slice %arg9[%dma_wait3A_1035, %dma_wait3A_1044, %dma_wait3A_1045] : memref<16x2048x128xf32, #tpu.memory_space<vmem>> -> memref<1x2048x128xf32, #tpu.memory_space<vmem>>
        %dma_wait3A_1047 = tpu.memref_squeeze %dma_wait3A_1046 : memref<1x2048x128xf32, #tpu.memory_space<vmem>> -> memref<2048x128xf32, #tpu.memory_space<vmem>>
        tpu.wait_dma2 semaphore(%dma_wait3A_1039 : memref<!tpu.dma_semaphore, #tpu.memory_space<semaphore_mem>>) src(%dma_wait3A_1047 : memref<2048x128xf32, #tpu.memory_space<vmem>>) dst(%dma_wait3A_1043 : memref<2048x128xf32, #tpu.memory_space<any>>)
      } else {
      }
      %get3A_755 = arith.constant 11 : index
      %get3A_756 = arith.constant 0 : index
      %get3A_757 = memref.load %arg12[%get3A_755, %get3A_756] : memref<16x1xi32, #tpu.memory_space<smem>>
      %lt3A_758 = arith.constant 2047 : i32
      %lt3A_759 = arith.cmpi slt, %get3A_757, %lt3A_758 : i32
      %convert_element_type3A_760 = arith.extui %lt3A_759 : i1 to i32
      %cond3A_761 = arith.constant 0 : i32
      %cond3A_762 = arith.cmpi ne, %convert_element_type3A_760, %cond3A_761 : i32
      scf.if %cond3A_762 {
        %slice3A = vector.extract_strided_slice %reshape3A_302 {offsets = [11, 0], sizes = [1, 1], strides = [1, 1]} : vector<16x1xi32> to vector<1x1xi32>
        %gt3A_1006 = vector.broadcast %slice3A : vector<1x1xi32> to vector<2048x128xi32>
        %gt3A_1007 = arith.cmpi sgt, %iota3A_666, %gt3A_1006 : vector<2048x128xi32>
        %get3A_1008 = arith.constant 11 : index
        %get3A_1009 = arith.constant 0 : index
        %get3A_1010 = arith.constant 0 : index
        %get3A_1011 = vector.load %arg9[%get3A_1008, %get3A_1009, %get3A_1010] : memref<16x2048x128xf32, #tpu.memory_space<vmem>>, vector<1x2048x128xf32>
        %get3A_1012 = vector.shape_cast %get3A_1011 : vector<1x2048x128xf32> to vector<2048x128xf32>
        %jit3A_1013 = arith.constant 0.000000e+00 : f32
        %broadcast_in_dim3A_1014 = vector.broadcast %jit3A_1013 : f32 to vector<2048x128xf32>
        %select_n3A_1015 = arith.select %gt3A_1007, %broadcast_in_dim3A_1014, %get3A_1012 : vector<2048x128xi1>, vector<2048x128xf32>
        %swap3A_1016 = arith.constant 11 : index
        %swap3A_1017 = arith.constant 0 : index
        %swap3A_1018 = arith.constant 0 : index
        %swap3A_1019 = vector.load %arg9[%swap3A_1016, %swap3A_1017, %swap3A_1018] : memref<16x2048x128xf32, #tpu.memory_space<vmem>>, vector<1x2048x128xf32>
        %swap3A_1020 = vector.shape_cast %swap3A_1019 : vector<1x2048x128xf32> to vector<2048x128xf32>
        %swap3A_1021 = vector.shape_cast %select_n3A_1015 : vector<2048x128xf32> to vector<1x2048x128xf32>
        tpu.vector_store %arg9[%swap3A_1016, %swap3A_1017, %swap3A_1018], %swap3A_1021 {strides = array<i32>} : memref<16x2048x128xf32, #tpu.memory_space<vmem>>, vector<1x2048x128xf32>,
        %dma_start3A_1022 = arith.constant 11 : i32
        %dma_start3A_1023 = arith.constant 11 : i32
        %dma_start3A_1024 = arith.constant 33 : i32
        %dma_start3A_1025 = tpu.memref_slice %arg13[%dma_start3A_1024] : memref<35x!tpu.dma_semaphore, #tpu.memory_space<semaphore_mem>> -> memref<1x!tpu.dma_semaphore, #tpu.memory_space<semaphore_mem>>
        %dma_start3A_1026 = tpu.memref_squeeze %dma_start3A_1025 : memref<1x!tpu.dma_semaphore, #tpu.memory_space<semaphore_mem>> -> memref<!tpu.dma_semaphore, #tpu.memory_space<semaphore_mem>>
        %dma_start3A_1027 = arith.constant 0 : i32
        %dma_start3A_1028 = arith.constant 0 : i32
        %dma_start3A_1029 = tpu.memref_slice %arg6[%dma_start3A_1023, %dma_start3A_1027, %dma_start3A_1028] : memref<16x2048x128xf32, #tpu.memory_space<any>> -> memref<1x2048x128xf32, #tpu.memory_space<any>>
        %dma_start3A_1030 = tpu.memref_squeeze %dma_start3A_1029 : memref<1x2048x128xf32, #tpu.memory_space<any>> -> memref<2048x128xf32, #tpu.memory_space<any>>
        %dma_start3A_1031 = arith.constant 0 : i32
        %dma_start3A_1032 = arith.constant 0 : i32
        %dma_start3A_1033 = tpu.memref_slice %arg9[%dma_start3A_1022, %dma_start3A_1031, %dma_start3A_1032] : memref<16x2048x128xf32, #tpu.memory_space<vmem>> -> memref<1x2048x128xf32, #tpu.memory_space<vmem>>
        %dma_start3A_1034 = tpu.memref_squeeze %dma_start3A_1033 : memref<1x2048x128xf32, #tpu.memory_space<vmem>> -> memref<2048x128xf32, #tpu.memory_space<vmem>>
        tpu.enqueue_dma source(%dma_start3A_1034 : memref<2048x128xf32, #tpu.memory_space<vmem>>) target(%dma_start3A_1030 : memref<2048x128xf32, #tpu.memory_space<any>>) target_semaphore(%dma_start3A_1026 : memref<!tpu.dma_semaphore, #tpu.memory_space<semaphore_mem>>)
        %dma_wait3A_1035 = arith.constant 11 : i32
        %dma_wait3A_1036 = arith.constant 11 : i32
        %dma_wait3A_1037 = arith.constant 33 : i32
        %dma_wait3A_1038 = tpu.memref_slice %arg13[%dma_wait3A_1037] : memref<35x!tpu.dma_semaphore, #tpu.memory_space<semaphore_mem>> -> memref<1x!tpu.dma_semaphore, #tpu.memory_space<semaphore_mem>>
        %dma_wait3A_1039 = tpu.memref_squeeze %dma_wait3A_1038 : memref<1x!tpu.dma_semaphore, #tpu.memory_space<semaphore_mem>> -> memref<!tpu.dma_semaphore, #tpu.memory_space<semaphore_mem>>
        %dma_wait3A_1040 = arith.constant 0 : i32
        %dma_wait3A_1041 = arith.constant 0 : i32
        %dma_wait3A_1042 = tpu.memref_slice %arg6[%dma_wait3A_1036, %dma_wait3A_1040, %dma_wait3A_1041] : memref<16x2048x128xf32, #tpu.memory_space<any>> -> memref<1x2048x128xf32, #tpu.memory_space<any>>
        %dma_wait3A_1043 = tpu.memref_squeeze %dma_wait3A_1042 : memref<1x2048x128xf32, #tpu.memory_space<any>> -> memref<2048x128xf32, #tpu.memory_space<any>>
        %dma_wait3A_1044 = arith.constant 0 : i32
        %dma_wait3A_1045 = arith.constant 0 : i32
        %dma_wait3A_1046 = tpu.memref_slice %arg9[%dma_wait3A_1035, %dma_wait3A_1044, %dma_wait3A_1045] : memref<16x2048x128xf32, #tpu.memory_space<vmem>> -> memref<1x2048x128xf32, #tpu.memory_space<vmem>>
        %dma_wait3A_1047 = tpu.memref_squeeze %dma_wait3A_1046 : memref<1x2048x128xf32, #tpu.memory_space<vmem>> -> memref<2048x128xf32, #tpu.memory_space<vmem>>
        tpu.wait_dma2 semaphore(%dma_wait3A_1039 : memref<!tpu.dma_semaphore, #tpu.memory_space<semaphore_mem>>) src(%dma_wait3A_1047 : memref<2048x128xf32, #tpu.memory_space<vmem>>) dst(%dma_wait3A_1043 : memref<2048x128xf32, #tpu.memory_space<any>>)
      } else {
      }
      %get3A_763 = arith.constant 12 : index
      %get3A_764 = arith.constant 0 : index
      %get3A_765 = memref.load %arg12[%get3A_763, %get3A_764] : memref<16x1xi32, #tpu.memory_space<smem>>
      %lt3A_766 = arith.constant 2047 : i32
      %lt3A_767 = arith.cmpi slt, %get3A_765, %lt3A_766 : i32
      %convert_element_type3A_768 = arith.extui %lt3A_767 : i1 to i32
      %cond3A_769 = arith.constant 0 : i32
      %cond3A_770 = arith.cmpi ne, %convert_element_type3A_768, %cond3A_769 : i32
      scf.if %cond3A_770 {
        %slice3A = vector.extract_strided_slice %reshape3A_302 {offsets = [12, 0], sizes = [1, 1], strides = [1, 1]} : vector<16x1xi32> to vector<1x1xi32>
        %gt3A_1006 = vector.broadcast %slice3A : vector<1x1xi32> to vector<2048x128xi32>
        %gt3A_1007 = arith.cmpi sgt, %iota3A_666, %gt3A_1006 : vector<2048x128xi32>
        %get3A_1008 = arith.constant 12 : index
        %get3A_1009 = arith.constant 0 : index
        %get3A_1010 = arith.constant 0 : index
        %get3A_1011 = vector.load %arg9[%get3A_1008, %get3A_1009, %get3A_1010] : memref<16x2048x128xf32, #tpu.memory_space<vmem>>, vector<1x2048x128xf32>
        %get3A_1012 = vector.shape_cast %get3A_1011 : vector<1x2048x128xf32> to vector<2048x128xf32>
        %jit3A_1013 = arith.constant 0.000000e+00 : f32
        %broadcast_in_dim3A_1014 = vector.broadcast %jit3A_1013 : f32 to vector<2048x128xf32>
        %select_n3A_1015 = arith.select %gt3A_1007, %broadcast_in_dim3A_1014, %get3A_1012 : vector<2048x128xi1>, vector<2048x128xf32>
        %swap3A_1016 = arith.constant 12 : index
        %swap3A_1017 = arith.constant 0 : index
        %swap3A_1018 = arith.constant 0 : index
        %swap3A_1019 = vector.load %arg9[%swap3A_1016, %swap3A_1017, %swap3A_1018] : memref<16x2048x128xf32, #tpu.memory_space<vmem>>, vector<1x2048x128xf32>
        %swap3A_1020 = vector.shape_cast %swap3A_1019 : vector<1x2048x128xf32> to vector<2048x128xf32>
        %swap3A_1021 = vector.shape_cast %select_n3A_1015 : vector<2048x128xf32> to vector<1x2048x128xf32>
        tpu.vector_store %arg9[%swap3A_1016, %swap3A_1017, %swap3A_1018], %swap3A_1021 {strides = array<i32>} : memref<16x2048x128xf32, #tpu.memory_space<vmem>>, vector<1x2048x128xf32>,
        %dma_start3A_1022 = arith.constant 12 : i32
        %dma_start3A_1023 = arith.constant 12 : i32
        %dma_start3A_1024 = arith.constant 33 : i32
        %dma_start3A_1025 = tpu.memref_slice %arg13[%dma_start3A_1024] : memref<35x!tpu.dma_semaphore, #tpu.memory_space<semaphore_mem>> -> memref<1x!tpu.dma_semaphore, #tpu.memory_space<semaphore_mem>>
        %dma_start3A_1026 = tpu.memref_squeeze %dma_start3A_1025 : memref<1x!tpu.dma_semaphore, #tpu.memory_space<semaphore_mem>> -> memref<!tpu.dma_semaphore, #tpu.memory_space<semaphore_mem>>
        %dma_start3A_1027 = arith.constant 0 : i32
        %dma_start3A_1028 = arith.constant 0 : i32
        %dma_start3A_1029 = tpu.memref_slice %arg6[%dma_start3A_1023, %dma_start3A_1027, %dma_start3A_1028] : memref<16x2048x128xf32, #tpu.memory_space<any>> -> memref<1x2048x128xf32, #tpu.memory_space<any>>
        %dma_start3A_1030 = tpu.memref_squeeze %dma_start3A_1029 : memref<1x2048x128xf32, #tpu.memory_space<any>> -> memref<2048x128xf32, #tpu.memory_space<any>>
        %dma_start3A_1031 = arith.constant 0 : i32
        %dma_start3A_1032 = arith.constant 0 : i32
        %dma_start3A_1033 = tpu.memref_slice %arg9[%dma_start3A_1022, %dma_start3A_1031, %dma_start3A_1032] : memref<16x2048x128xf32, #tpu.memory_space<vmem>> -> memref<1x2048x128xf32, #tpu.memory_space<vmem>>
        %dma_start3A_1034 = tpu.memref_squeeze %dma_start3A_1033 : memref<1x2048x128xf32, #tpu.memory_space<vmem>> -> memref<2048x128xf32, #tpu.memory_space<vmem>>
        tpu.enqueue_dma source(%dma_start3A_1034 : memref<2048x128xf32, #tpu.memory_space<vmem>>) target(%dma_start3A_1030 : memref<2048x128xf32, #tpu.memory_space<any>>) target_semaphore(%dma_start3A_1026 : memref<!tpu.dma_semaphore, #tpu.memory_space<semaphore_mem>>)
        %dma_wait3A_1035 = arith.constant 12 : i32
        %dma_wait3A_1036 = arith.constant 12 : i32
        %dma_wait3A_1037 = arith.constant 33 : i32
        %dma_wait3A_1038 = tpu.memref_slice %arg13[%dma_wait3A_1037] : memref<35x!tpu.dma_semaphore, #tpu.memory_space<semaphore_mem>> -> memref<1x!tpu.dma_semaphore, #tpu.memory_space<semaphore_mem>>
        %dma_wait3A_1039 = tpu.memref_squeeze %dma_wait3A_1038 : memref<1x!tpu.dma_semaphore, #tpu.memory_space<semaphore_mem>> -> memref<!tpu.dma_semaphore, #tpu.memory_space<semaphore_mem>>
        %dma_wait3A_1040 = arith.constant 0 : i32
        %dma_wait3A_1041 = arith.constant 0 : i32
        %dma_wait3A_1042 = tpu.memref_slice %arg6[%dma_wait3A_1036, %dma_wait3A_1040, %dma_wait3A_1041] : memref<16x2048x128xf32, #tpu.memory_space<any>> -> memref<1x2048x128xf32, #tpu.memory_space<any>>
        %dma_wait3A_1043 = tpu.memref_squeeze %dma_wait3A_1042 : memref<1x2048x128xf32, #tpu.memory_space<any>> -> memref<2048x128xf32, #tpu.memory_space<any>>
        %dma_wait3A_1044 = arith.constant 0 : i32
        %dma_wait3A_1045 = arith.constant 0 : i32
        %dma_wait3A_1046 = tpu.memref_slice %arg9[%dma_wait3A_1035, %dma_wait3A_1044, %dma_wait3A_1045] : memref<16x2048x128xf32, #tpu.memory_space<vmem>> -> memref<1x2048x128xf32, #tpu.memory_space<vmem>>
        %dma_wait3A_1047 = tpu.memref_squeeze %dma_wait3A_1046 : memref<1x2048x128xf32, #tpu.memory_space<vmem>> -> memref<2048x128xf32, #tpu.memory_space<vmem>>
        tpu.wait_dma2 semaphore(%dma_wait3A_1039 : memref<!tpu.dma_semaphore, #tpu.memory_space<semaphore_mem>>) src(%dma_wait3A_1047 : memref<2048x128xf32, #tpu.memory_space<vmem>>) dst(%dma_wait3A_1043 : memref<2048x128xf32, #tpu.memory_space<any>>)
      } else {
      }
      %get3A_771 = arith.constant 13 : index
      %get3A_772 = arith.constant 0 : index
      %get3A_773 = memref.load %arg12[%get3A_771, %get3A_772] : memref<16x1xi32, #tpu.memory_space<smem>>
      %lt3A_774 = arith.constant 2047 : i32
      %lt3A_775 = arith.cmpi slt, %get3A_773, %lt3A_774 : i32
      %convert_element_type3A_776 = arith.extui %lt3A_775 : i1 to i32
      %cond3A_777 = arith.constant 0 : i32
      %cond3A_778 = arith.cmpi ne, %convert_element_type3A_776, %cond3A_777 : i32
      scf.if %cond3A_778 {
        %slice3A = vector.extract_strided_slice %reshape3A_302 {offsets = [13, 0], sizes = [1, 1], strides = [1, 1]} : vector<16x1xi32> to vector<1x1xi32>
        %gt3A_1006 = vector.broadcast %slice3A : vector<1x1xi32> to vector<2048x128xi32>
        %gt3A_1007 = arith.cmpi sgt, %iota3A_666, %gt3A_1006 : vector<2048x128xi32>
        %get3A_1008 = arith.constant 13 : index
        %get3A_1009 = arith.constant 0 : index
        %get3A_1010 = arith.constant 0 : index
        %get3A_1011 = vector.load %arg9[%get3A_1008, %get3A_1009, %get3A_1010] : memref<16x2048x128xf32, #tpu.memory_space<vmem>>, vector<1x2048x128xf32>
        %get3A_1012 = vector.shape_cast %get3A_1011 : vector<1x2048x128xf32> to vector<2048x128xf32>
        %jit3A_1013 = arith.constant 0.000000e+00 : f32
        %broadcast_in_dim3A_1014 = vector.broadcast %jit3A_1013 : f32 to vector<2048x128xf32>
        %select_n3A_1015 = arith.select %gt3A_1007, %broadcast_in_dim3A_1014, %get3A_1012 : vector<2048x128xi1>, vector<2048x128xf32>
        %swap3A_1016 = arith.constant 13 : index
        %swap3A_1017 = arith.constant 0 : index
        %swap3A_1018 = arith.constant 0 : index
        %swap3A_1019 = vector.load %arg9[%swap3A_1016, %swap3A_1017, %swap3A_1018] : memref<16x2048x128xf32, #tpu.memory_space<vmem>>, vector<1x2048x128xf32>
        %swap3A_1020 = vector.shape_cast %swap3A_1019 : vector<1x2048x128xf32> to vector<2048x128xf32>
        %swap3A_1021 = vector.shape_cast %select_n3A_1015 : vector<2048x128xf32> to vector<1x2048x128xf32>
        tpu.vector_store %arg9[%swap3A_1016, %swap3A_1017, %swap3A_1018], %swap3A_1021 {strides = array<i32>} : memref<16x2048x128xf32, #tpu.memory_space<vmem>>, vector<1x2048x128xf32>,
        %dma_start3A_1022 = arith.constant 13 : i32
        %dma_start3A_1023 = arith.constant 13 : i32
        %dma_start3A_1024 = arith.constant 33 : i32
        %dma_start3A_1025 = tpu.memref_slice %arg13[%dma_start3A_1024] : memref<35x!tpu.dma_semaphore, #tpu.memory_space<semaphore_mem>> -> memref<1x!tpu.dma_semaphore, #tpu.memory_space<semaphore_mem>>
        %dma_start3A_1026 = tpu.memref_squeeze %dma_start3A_1025 : memref<1x!tpu.dma_semaphore, #tpu.memory_space<semaphore_mem>> -> memref<!tpu.dma_semaphore, #tpu.memory_space<semaphore_mem>>
        %dma_start3A_1027 = arith.constant 0 : i32
        %dma_start3A_1028 = arith.constant 0 : i32
        %dma_start3A_1029 = tpu.memref_slice %arg6[%dma_start3A_1023, %dma_start3A_1027, %dma_start3A_1028] : memref<16x2048x128xf32, #tpu.memory_space<any>> -> memref<1x2048x128xf32, #tpu.memory_space<any>>
        %dma_start3A_1030 = tpu.memref_squeeze %dma_start3A_1029 : memref<1x2048x128xf32, #tpu.memory_space<any>> -> memref<2048x128xf32, #tpu.memory_space<any>>
        %dma_start3A_1031 = arith.constant 0 : i32
        %dma_start3A_1032 = arith.constant 0 : i32
        %dma_start3A_1033 = tpu.memref_slice %arg9[%dma_start3A_1022, %dma_start3A_1031, %dma_start3A_1032] : memref<16x2048x128xf32, #tpu.memory_space<vmem>> -> memref<1x2048x128xf32, #tpu.memory_space<vmem>>
        %dma_start3A_1034 = tpu.memref_squeeze %dma_start3A_1033 : memref<1x2048x128xf32, #tpu.memory_space<vmem>> -> memref<2048x128xf32, #tpu.memory_space<vmem>>
        tpu.enqueue_dma source(%dma_start3A_1034 : memref<2048x128xf32, #tpu.memory_space<vmem>>) target(%dma_start3A_1030 : memref<2048x128xf32, #tpu.memory_space<any>>) target_semaphore(%dma_start3A_1026 : memref<!tpu.dma_semaphore, #tpu.memory_space<semaphore_mem>>)
        %dma_wait3A_1035 = arith.constant 13 : i32
        %dma_wait3A_1036 = arith.constant 13 : i32
        %dma_wait3A_1037 = arith.constant 33 : i32
        %dma_wait3A_1038 = tpu.memref_slice %arg13[%dma_wait3A_1037] : memref<35x!tpu.dma_semaphore, #tpu.memory_space<semaphore_mem>> -> memref<1x!tpu.dma_semaphore, #tpu.memory_space<semaphore_mem>>
        %dma_wait3A_1039 = tpu.memref_squeeze %dma_wait3A_1038 : memref<1x!tpu.dma_semaphore, #tpu.memory_space<semaphore_mem>> -> memref<!tpu.dma_semaphore, #tpu.memory_space<semaphore_mem>>
        %dma_wait3A_1040 = arith.constant 0 : i32
        %dma_wait3A_1041 = arith.constant 0 : i32
        %dma_wait3A_1042 = tpu.memref_slice %arg6[%dma_wait3A_1036, %dma_wait3A_1040, %dma_wait3A_1041] : memref<16x2048x128xf32, #tpu.memory_space<any>> -> memref<1x2048x128xf32, #tpu.memory_space<any>>
        %dma_wait3A_1043 = tpu.memref_squeeze %dma_wait3A_1042 : memref<1x2048x128xf32, #tpu.memory_space<any>> -> memref<2048x128xf32, #tpu.memory_space<any>>
        %dma_wait3A_1044 = arith.constant 0 : i32
        %dma_wait3A_1045 = arith.constant 0 : i32
        %dma_wait3A_1046 = tpu.memref_slice %arg9[%dma_wait3A_1035, %dma_wait3A_1044, %dma_wait3A_1045] : memref<16x2048x128xf32, #tpu.memory_space<vmem>> -> memref<1x2048x128xf32, #tpu.memory_space<vmem>>
        %dma_wait3A_1047 = tpu.memref_squeeze %dma_wait3A_1046 : memref<1x2048x128xf32, #tpu.memory_space<vmem>> -> memref<2048x128xf32, #tpu.memory_space<vmem>>
        tpu.wait_dma2 semaphore(%dma_wait3A_1039 : memref<!tpu.dma_semaphore, #tpu.memory_space<semaphore_mem>>) src(%dma_wait3A_1047 : memref<2048x128xf32, #tpu.memory_space<vmem>>) dst(%dma_wait3A_1043 : memref<2048x128xf32, #tpu.memory_space<any>>)
      } else {
      }
      %get3A_779 = arith.constant 14 : index
      %get3A_780 = arith.constant 0 : index
      %get3A_781 = memref.load %arg12[%get3A_779, %get3A_780] : memref<16x1xi32, #tpu.memory_space<smem>>
      %lt3A_782 = arith.constant 2047 : i32
      %lt3A_783 = arith.cmpi slt, %get3A_781, %lt3A_782 : i32
      %convert_element_type3A_784 = arith.extui %lt3A_783 : i1 to i32
      %cond3A_785 = arith.constant 0 : i32
      %cond3A_786 = arith.cmpi ne, %convert_element_type3A_784, %cond3A_785 : i32
      scf.if %cond3A_786 {
        %slice3A = vector.extract_strided_slice %reshape3A_302 {offsets = [14, 0], sizes = [1, 1], strides = [1, 1]} : vector<16x1xi32> to vector<1x1xi32>
        %gt3A_1006 = vector.broadcast %slice3A : vector<1x1xi32> to vector<2048x128xi32>
        %gt3A_1007 = arith.cmpi sgt, %iota3A_666, %gt3A_1006 : vector<2048x128xi32>
        %get3A_1008 = arith.constant 14 : index
        %get3A_1009 = arith.constant 0 : index
        %get3A_1010 = arith.constant 0 : index
        %get3A_1011 = vector.load %arg9[%get3A_1008, %get3A_1009, %get3A_1010] : memref<16x2048x128xf32, #tpu.memory_space<vmem>>, vector<1x2048x128xf32>
        %get3A_1012 = vector.shape_cast %get3A_1011 : vector<1x2048x128xf32> to vector<2048x128xf32>
        %jit3A_1013 = arith.constant 0.000000e+00 : f32
        %broadcast_in_dim3A_1014 = vector.broadcast %jit3A_1013 : f32 to vector<2048x128xf32>
        %select_n3A_1015 = arith.select %gt3A_1007, %broadcast_in_dim3A_1014, %get3A_1012 : vector<2048x128xi1>, vector<2048x128xf32>
        %swap3A_1016 = arith.constant 14 : index
        %swap3A_1017 = arith.constant 0 : index
        %swap3A_1018 = arith.constant 0 : index
        %swap3A_1019 = vector.load %arg9[%swap3A_1016, %swap3A_1017, %swap3A_1018] : memref<16x2048x128xf32, #tpu.memory_space<vmem>>, vector<1x2048x128xf32>
        %swap3A_1020 = vector.shape_cast %swap3A_1019 : vector<1x2048x128xf32> to vector<2048x128xf32>
        %swap3A_1021 = vector.shape_cast %select_n3A_1015 : vector<2048x128xf32> to vector<1x2048x128xf32>
        tpu.vector_store %arg9[%swap3A_1016, %swap3A_1017, %swap3A_1018], %swap3A_1021 {strides = array<i32>} : memref<16x2048x128xf32, #tpu.memory_space<vmem>>, vector<1x2048x128xf32>,
        %dma_start3A_1022 = arith.constant 14 : i32
        %dma_start3A_1023 = arith.constant 14 : i32
        %dma_start3A_1024 = arith.constant 33 : i32
        %dma_start3A_1025 = tpu.memref_slice %arg13[%dma_start3A_1024] : memref<35x!tpu.dma_semaphore, #tpu.memory_space<semaphore_mem>> -> memref<1x!tpu.dma_semaphore, #tpu.memory_space<semaphore_mem>>
        %dma_start3A_1026 = tpu.memref_squeeze %dma_start3A_1025 : memref<1x!tpu.dma_semaphore, #tpu.memory_space<semaphore_mem>> -> memref<!tpu.dma_semaphore, #tpu.memory_space<semaphore_mem>>
        %dma_start3A_1027 = arith.constant 0 : i32
        %dma_start3A_1028 = arith.constant 0 : i32
        %dma_start3A_1029 = tpu.memref_slice %arg6[%dma_start3A_1023, %dma_start3A_1027, %dma_start3A_1028] : memref<16x2048x128xf32, #tpu.memory_space<any>> -> memref<1x2048x128xf32, #tpu.memory_space<any>>
        %dma_start3A_1030 = tpu.memref_squeeze %dma_start3A_1029 : memref<1x2048x128xf32, #tpu.memory_space<any>> -> memref<2048x128xf32, #tpu.memory_space<any>>
        %dma_start3A_1031 = arith.constant 0 : i32
        %dma_start3A_1032 = arith.constant 0 : i32
        %dma_start3A_1033 = tpu.memref_slice %arg9[%dma_start3A_1022, %dma_start3A_1031, %dma_start3A_1032] : memref<16x2048x128xf32, #tpu.memory_space<vmem>> -> memref<1x2048x128xf32, #tpu.memory_space<vmem>>
        %dma_start3A_1034 = tpu.memref_squeeze %dma_start3A_1033 : memref<1x2048x128xf32, #tpu.memory_space<vmem>> -> memref<2048x128xf32, #tpu.memory_space<vmem>>
        tpu.enqueue_dma source(%dma_start3A_1034 : memref<2048x128xf32, #tpu.memory_space<vmem>>) target(%dma_start3A_1030 : memref<2048x128xf32, #tpu.memory_space<any>>) target_semaphore(%dma_start3A_1026 : memref<!tpu.dma_semaphore, #tpu.memory_space<semaphore_mem>>)
        %dma_wait3A_1035 = arith.constant 14 : i32
        %dma_wait3A_1036 = arith.constant 14 : i32
        %dma_wait3A_1037 = arith.constant 33 : i32
        %dma_wait3A_1038 = tpu.memref_slice %arg13[%dma_wait3A_1037] : memref<35x!tpu.dma_semaphore, #tpu.memory_space<semaphore_mem>> -> memref<1x!tpu.dma_semaphore, #tpu.memory_space<semaphore_mem>>
        %dma_wait3A_1039 = tpu.memref_squeeze %dma_wait3A_1038 : memref<1x!tpu.dma_semaphore, #tpu.memory_space<semaphore_mem>> -> memref<!tpu.dma_semaphore, #tpu.memory_space<semaphore_mem>>
        %dma_wait3A_1040 = arith.constant 0 : i32
        %dma_wait3A_1041 = arith.constant 0 : i32
        %dma_wait3A_1042 = tpu.memref_slice %arg6[%dma_wait3A_1036, %dma_wait3A_1040, %dma_wait3A_1041] : memref<16x2048x128xf32, #tpu.memory_space<any>> -> memref<1x2048x128xf32, #tpu.memory_space<any>>
        %dma_wait3A_1043 = tpu.memref_squeeze %dma_wait3A_1042 : memref<1x2048x128xf32, #tpu.memory_space<any>> -> memref<2048x128xf32, #tpu.memory_space<any>>
        %dma_wait3A_1044 = arith.constant 0 : i32
        %dma_wait3A_1045 = arith.constant 0 : i32
        %dma_wait3A_1046 = tpu.memref_slice %arg9[%dma_wait3A_1035, %dma_wait3A_1044, %dma_wait3A_1045] : memref<16x2048x128xf32, #tpu.memory_space<vmem>> -> memref<1x2048x128xf32, #tpu.memory_space<vmem>>
        %dma_wait3A_1047 = tpu.memref_squeeze %dma_wait3A_1046 : memref<1x2048x128xf32, #tpu.memory_space<vmem>> -> memref<2048x128xf32, #tpu.memory_space<vmem>>
        tpu.wait_dma2 semaphore(%dma_wait3A_1039 : memref<!tpu.dma_semaphore, #tpu.memory_space<semaphore_mem>>) src(%dma_wait3A_1047 : memref<2048x128xf32, #tpu.memory_space<vmem>>) dst(%dma_wait3A_1043 : memref<2048x128xf32, #tpu.memory_space<any>>)
      } else {
      }
      %get3A_787 = arith.constant 15 : index
      %get3A_788 = arith.constant 0 : index
      %get3A_789 = memref.load %arg12[%get3A_787, %get3A_788] : memref<16x1xi32, #tpu.memory_space<smem>>
      %lt3A_790 = arith.constant 2047 : i32
      %lt3A_791 = arith.cmpi slt, %get3A_789, %lt3A_790 : i32
      %convert_element_type3A_792 = arith.extui %lt3A_791 : i1 to i32
      %cond3A_793 = arith.constant 0 : i32
      %cond3A_794 = arith.cmpi ne, %convert_element_type3A_792, %cond3A_793 : i32
      scf.if %cond3A_794 {
        %slice3A = vector.extract_strided_slice %reshape3A_302 {offsets = [15, 0], sizes = [1, 1], strides = [1, 1]} : vector<16x1xi32> to vector<1x1xi32>
        %gt3A_1006 = vector.broadcast %slice3A : vector<1x1xi32> to vector<2048x128xi32>
        %gt3A_1007 = arith.cmpi sgt, %iota3A_666, %gt3A_1006 : vector<2048x128xi32>
        %get3A_1008 = arith.constant 15 : index
        %get3A_1009 = arith.constant 0 : index
        %get3A_1010 = arith.constant 0 : index
        %get3A_1011 = vector.load %arg9[%get3A_1008, %get3A_1009, %get3A_1010] : memref<16x2048x128xf32, #tpu.memory_space<vmem>>, vector<1x2048x128xf32>
        %get3A_1012 = vector.shape_cast %get3A_1011 : vector<1x2048x128xf32> to vector<2048x128xf32>
        %jit3A_1013 = arith.constant 0.000000e+00 : f32
        %broadcast_in_dim3A_1014 = vector.broadcast %jit3A_1013 : f32 to vector<2048x128xf32>
        %select_n3A_1015 = arith.select %gt3A_1007, %broadcast_in_dim3A_1014, %get3A_1012 : vector<2048x128xi1>, vector<2048x128xf32>
        %swap3A_1016 = arith.constant 15 : index
        %swap3A_1017 = arith.constant 0 : index
        %swap3A_1018 = arith.constant 0 : index
        %swap3A_1019 = vector.load %arg9[%swap3A_1016, %swap3A_1017, %swap3A_1018] : memref<16x2048x128xf32, #tpu.memory_space<vmem>>, vector<1x2048x128xf32>
        %swap3A_1020 = vector.shape_cast %swap3A_1019 : vector<1x2048x128xf32> to vector<2048x128xf32>
        %swap3A_1021 = vector.shape_cast %select_n3A_1015 : vector<2048x128xf32> to vector<1x2048x128xf32>
        tpu.vector_store %arg9[%swap3A_1016, %swap3A_1017, %swap3A_1018], %swap3A_1021 {strides = array<i32>} : memref<16x2048x128xf32, #tpu.memory_space<vmem>>, vector<1x2048x128xf32>,
        %dma_start3A_1022 = arith.constant 15 : i32
        %dma_start3A_1023 = arith.constant 15 : i32
        %dma_start3A_1024 = arith.constant 33 : i32
        %dma_start3A_1025 = tpu.memref_slice %arg13[%dma_start3A_1024] : memref<35x!tpu.dma_semaphore, #tpu.memory_space<semaphore_mem>> -> memref<1x!tpu.dma_semaphore, #tpu.memory_space<semaphore_mem>>
        %dma_start3A_1026 = tpu.memref_squeeze %dma_start3A_1025 : memref<1x!tpu.dma_semaphore, #tpu.memory_space<semaphore_mem>> -> memref<!tpu.dma_semaphore, #tpu.memory_space<semaphore_mem>>
        %dma_start3A_1027 = arith.constant 0 : i32
        %dma_start3A_1028 = arith.constant 0 : i32
        %dma_start3A_1029 = tpu.memref_slice %arg6[%dma_start3A_1023, %dma_start3A_1027, %dma_start3A_1028] : memref<16x2048x128xf32, #tpu.memory_space<any>> -> memref<1x2048x128xf32, #tpu.memory_space<any>>
        %dma_start3A_1030 = tpu.memref_squeeze %dma_start3A_1029 : memref<1x2048x128xf32, #tpu.memory_space<any>> -> memref<2048x128xf32, #tpu.memory_space<any>>
        %dma_start3A_1031 = arith.constant 0 : i32
        %dma_start3A_1032 = arith.constant 0 : i32
        %dma_start3A_1033 = tpu.memref_slice %arg9[%dma_start3A_1022, %dma_start3A_1031, %dma_start3A_1032] : memref<16x2048x128xf32, #tpu.memory_space<vmem>> -> memref<1x2048x128xf32, #tpu.memory_space<vmem>>
        %dma_start3A_1034 = tpu.memref_squeeze %dma_start3A_1033 : memref<1x2048x128xf32, #tpu.memory_space<vmem>> -> memref<2048x128xf32, #tpu.memory_space<vmem>>
        tpu.enqueue_dma source(%dma_start3A_1034 : memref<2048x128xf32, #tpu.memory_space<vmem>>) target(%dma_start3A_1030 : memref<2048x128xf32, #tpu.memory_space<any>>) target_semaphore(%dma_start3A_1026 : memref<!tpu.dma_semaphore, #tpu.memory_space<semaphore_mem>>)
        %dma_wait3A_1035 = arith.constant 15 : i32
        %dma_wait3A_1036 = arith.constant 15 : i32
        %dma_wait3A_1037 = arith.constant 33 : i32
        %dma_wait3A_1038 = tpu.memref_slice %arg13[%dma_wait3A_1037] : memref<35x!tpu.dma_semaphore, #tpu.memory_space<semaphore_mem>> -> memref<1x!tpu.dma_semaphore, #tpu.memory_space<semaphore_mem>>
        %dma_wait3A_1039 = tpu.memref_squeeze %dma_wait3A_1038 : memref<1x!tpu.dma_semaphore, #tpu.memory_space<semaphore_mem>> -> memref<!tpu.dma_semaphore, #tpu.memory_space<semaphore_mem>>
        %dma_wait3A_1040 = arith.constant 0 : i32
        %dma_wait3A_1041 = arith.constant 0 : i32
        %dma_wait3A_1042 = tpu.memref_slice %arg6[%dma_wait3A_1036, %dma_wait3A_1040, %dma_wait3A_1041] : memref<16x2048x128xf32, #tpu.memory_space<any>> -> memref<1x2048x128xf32, #tpu.memory_space<any>>
        %dma_wait3A_1043 = tpu.memref_squeeze %dma_wait3A_1042 : memref<1x2048x128xf32, #tpu.memory_space<any>> -> memref<2048x128xf32, #tpu.memory_space<any>>
        %dma_wait3A_1044 = arith.constant 0 : i32
        %dma_wait3A_1045 = arith.constant 0 : i32
        %dma_wait3A_1046 = tpu.memref_slice %arg9[%dma_wait3A_1035, %dma_wait3A_1044, %dma_wait3A_1045] : memref<16x2048x128xf32, #tpu.memory_space<vmem>> -> memref<1x2048x128xf32, #tpu.memory_space<vmem>>
        %dma_wait3A_1047 = tpu.memref_squeeze %dma_wait3A_1046 : memref<1x2048x128xf32, #tpu.memory_space<vmem>> -> memref<2048x128xf32, #tpu.memory_space<vmem>>
        tpu.wait_dma2 semaphore(%dma_wait3A_1039 : memref<!tpu.dma_semaphore, #tpu.memory_space<semaphore_mem>>) src(%dma_wait3A_1047 : memref<2048x128xf32, #tpu.memory_space<vmem>>) dst(%dma_wait3A_1043 : memref<2048x128xf32, #tpu.memory_space<any>>)
      } else {
      }
      %dma_wait3A_795 = arith.constant 32 : i32
      %dma_wait3A_796 = tpu.memref_slice %arg13[%dma_wait3A_795] : memref<35x!tpu.dma_semaphore, #tpu.memory_space<semaphore_mem>> -> memref<1x!tpu.dma_semaphore, #tpu.memory_space<semaphore_mem>>
      %dma_wait3A_797 = tpu.memref_squeeze %dma_wait3A_796 : memref<1x!tpu.dma_semaphore, #tpu.memory_space<semaphore_mem>> -> memref<!tpu.dma_semaphore, #tpu.memory_space<semaphore_mem>>
      tpu.wait_dma2 semaphore(%dma_wait3A_797 : memref<!tpu.dma_semaphore, #tpu.memory_space<semaphore_mem>>) src(%arg11 : memref<16x1xi32, #tpu.memory_space<vmem>>) dst(%arg7 : memref<16x1xi32, #tpu.memory_space<any>>)
      %dma_wait3A_798 = arith.constant 0 : i32
      %dma_wait3A_799 = arith.constant 0 : i32
      %dma_wait3A_800 = arith.constant 34 : i32
      %dma_wait3A_801 = tpu.memref_slice %arg13[%dma_wait3A_800] : memref<35x!tpu.dma_semaphore, #tpu.memory_space<semaphore_mem>> -> memref<1x!tpu.dma_semaphore, #tpu.memory_space<semaphore_mem>>
      %dma_wait3A_802 = tpu.memref_squeeze %dma_wait3A_801 : memref<1x!tpu.dma_semaphore, #tpu.memory_space<semaphore_mem>> -> memref<!tpu.dma_semaphore, #tpu.memory_space<semaphore_mem>>
      %dma_wait3A_803 = arith.constant 0 : i32
      %dma_wait3A_804 = arith.constant 0 : i32
      %dma_wait3A_805 = tpu.memref_slice %arg8[%dma_wait3A_799, %dma_wait3A_803, %dma_wait3A_804] : memref<16x32x64xf32, #tpu.memory_space<any>> -> memref<1x32x64xf32, #tpu.memory_space<any>>
      %dma_wait3A_806 = tpu.memref_squeeze %dma_wait3A_805 : memref<1x32x64xf32, #tpu.memory_space<any>> -> memref<32x64xf32, #tpu.memory_space<any>>
      %dma_wait3A_807 = arith.constant 0 : i32
      %dma_wait3A_808 = arith.constant 0 : i32
      %dma_wait3A_809 = tpu.memref_slice %arg10[%dma_wait3A_807, %dma_wait3A_798, %dma_wait3A_808] : memref<32x16x64xf32, #tpu.memory_space<vmem>> -> memref<32x1x64xf32, #tpu.memory_space<vmem>>
      %dma_wait3A_810 = tpu.memref_squeeze %dma_wait3A_809 : memref<32x1x64xf32, #tpu.memory_space<vmem>> -> memref<32x64xf32, #tpu.memory_space<vmem>>
      tpu.wait_dma2 semaphore(%dma_wait3A_802 : memref<!tpu.dma_semaphore, #tpu.memory_space<semaphore_mem>>) src(%dma_wait3A_810 : memref<32x64xf32, #tpu.memory_space<vmem>>) dst(%dma_wait3A_806 : memref<32x64xf32, #tpu.memory_space<any>>)
      %dma_wait3A_811 = arith.constant 1 : i32
      %dma_wait3A_812 = arith.constant 1 : i32
      %dma_wait3A_813 = arith.constant 34 : i32
      %dma_wait3A_814 = tpu.memref_slice %arg13[%dma_wait3A_813] : memref<35x!tpu.dma_semaphore, #tpu.memory_space<semaphore_mem>> -> memref<1x!tpu.dma_semaphore, #tpu.memory_space<semaphore_mem>>
      %dma_wait3A_815 = tpu.memref_squeeze %dma_wait3A_814 : memref<1x!tpu.dma_semaphore, #tpu.memory_space<semaphore_mem>> -> memref<!tpu.dma_semaphore, #tpu.memory_space<semaphore_mem>>
      %dma_wait3A_816 = arith.constant 0 : i32
      %dma_wait3A_817 = arith.constant 0 : i32
      %dma_wait3A_818 = tpu.memref_slice %arg8[%dma_wait3A_812, %dma_wait3A_816, %dma_wait3A_817] : memref<16x32x64xf32, #tpu.memory_space<any>> -> memref<1x32x64xf32, #tpu.memory_space<any>>
      %dma_wait3A_819 = tpu.memref_squeeze %dma_wait3A_818 : memref<1x32x64xf32, #tpu.memory_space<any>> -> memref<32x64xf32, #tpu.memory_space<any>>
      %dma_wait3A_820 = arith.constant 0 : i32
      %dma_wait3A_821 = arith.constant 0 : i32
      %dma_wait3A_822 = tpu.memref_slice %arg10[%dma_wait3A_820, %dma_wait3A_811, %dma_wait3A_821] : memref<32x16x64xf32, #tpu.memory_space<vmem>> -> memref<32x1x64xf32, #tpu.memory_space<vmem>>
      %dma_wait3A_823 = tpu.memref_squeeze %dma_wait3A_822 : memref<32x1x64xf32, #tpu.memory_space<vmem>> -> memref<32x64xf32, #tpu.memory_space<vmem>>
      tpu.wait_dma2 semaphore(%dma_wait3A_815 : memref<!tpu.dma_semaphore, #tpu.memory_space<semaphore_mem>>) src(%dma_wait3A_823 : memref<32x64xf32, #tpu.memory_space<vmem>>) dst(%dma_wait3A_819 : memref<32x64xf32, #tpu.memory_space<any>>)
      %dma_wait3A_824 = arith.constant 2 : i32
      %dma_wait3A_825 = arith.constant 2 : i32
      %dma_wait3A_826 = arith.constant 34 : i32
      %dma_wait3A_827 = tpu.memref_slice %arg13[%dma_wait3A_826] : memref<35x!tpu.dma_semaphore, #tpu.memory_space<semaphore_mem>> -> memref<1x!tpu.dma_semaphore, #tpu.memory_space<semaphore_mem>>
      %dma_wait3A_828 = tpu.memref_squeeze %dma_wait3A_827 : memref<1x!tpu.dma_semaphore, #tpu.memory_space<semaphore_mem>> -> memref<!tpu.dma_semaphore, #tpu.memory_space<semaphore_mem>>
      %dma_wait3A_829 = arith.constant 0 : i32
      %dma_wait3A_830 = arith.constant 0 : i32
      %dma_wait3A_831 = tpu.memref_slice %arg8[%dma_wait3A_825, %dma_wait3A_829, %dma_wait3A_830] : memref<16x32x64xf32, #tpu.memory_space<any>> -> memref<1x32x64xf32, #tpu.memory_space<any>>
      %dma_wait3A_832 = tpu.memref_squeeze %dma_wait3A_831 : memref<1x32x64xf32, #tpu.memory_space<any>> -> memref<32x64xf32, #tpu.memory_space<any>>
      %dma_wait3A_833 = arith.constant 0 : i32
      %dma_wait3A_834 = arith.constant 0 : i32
      %dma_wait3A_835 = tpu.memref_slice %arg10[%dma_wait3A_833, %dma_wait3A_824, %dma_wait3A_834] : memref<32x16x64xf32, #tpu.memory_space<vmem>> -> memref<32x1x64xf32, #tpu.memory_space<vmem>>
      %dma_wait3A_836 = tpu.memref_squeeze %dma_wait3A_835 : memref<32x1x64xf32, #tpu.memory_space<vmem>> -> memref<32x64xf32, #tpu.memory_space<vmem>>
      tpu.wait_dma2 semaphore(%dma_wait3A_828 : memref<!tpu.dma_semaphore, #tpu.memory_space<semaphore_mem>>) src(%dma_wait3A_836 : memref<32x64xf32, #tpu.memory_space<vmem>>) dst(%dma_wait3A_832 : memref<32x64xf32, #tpu.memory_space<any>>)
      %dma_wait3A_837 = arith.constant 3 : i32
      %dma_wait3A_838 = arith.constant 3 : i32
      %dma_wait3A_839 = arith.constant 34 : i32
      %dma_wait3A_840 = tpu.memref_slice %arg13[%dma_wait3A_839] : memref<35x!tpu.dma_semaphore, #tpu.memory_space<semaphore_mem>> -> memref<1x!tpu.dma_semaphore, #tpu.memory_space<semaphore_mem>>
      %dma_wait3A_841 = tpu.memref_squeeze %dma_wait3A_840 : memref<1x!tpu.dma_semaphore, #tpu.memory_space<semaphore_mem>> -> memref<!tpu.dma_semaphore, #tpu.memory_space<semaphore_mem>>
      %dma_wait3A_842 = arith.constant 0 : i32
      %dma_wait3A_843 = arith.constant 0 : i32
      %dma_wait3A_844 = tpu.memref_slice %arg8[%dma_wait3A_838, %dma_wait3A_842, %dma_wait3A_843] : memref<16x32x64xf32, #tpu.memory_space<any>> -> memref<1x32x64xf32, #tpu.memory_space<any>>
      %dma_wait3A_845 = tpu.memref_squeeze %dma_wait3A_844 : memref<1x32x64xf32, #tpu.memory_space<any>> -> memref<32x64xf32, #tpu.memory_space<any>>
      %dma_wait3A_846 = arith.constant 0 : i32
      %dma_wait3A_847 = arith.constant 0 : i32
      %dma_wait3A_848 = tpu.memref_slice %arg10[%dma_wait3A_846, %dma_wait3A_837, %dma_wait3A_847] : memref<32x16x64xf32, #tpu.memory_space<vmem>> -> memref<32x1x64xf32, #tpu.memory_space<vmem>>
      %dma_wait3A_849 = tpu.memref_squeeze %dma_wait3A_848 : memref<32x1x64xf32, #tpu.memory_space<vmem>> -> memref<32x64xf32, #tpu.memory_space<vmem>>
      tpu.wait_dma2 semaphore(%dma_wait3A_841 : memref<!tpu.dma_semaphore, #tpu.memory_space<semaphore_mem>>) src(%dma_wait3A_849 : memref<32x64xf32, #tpu.memory_space<vmem>>) dst(%dma_wait3A_845 : memref<32x64xf32, #tpu.memory_space<any>>)
      %dma_wait3A_850 = arith.constant 4 : i32
      %dma_wait3A_851 = arith.constant 4 : i32
      %dma_wait3A_852 = arith.constant 34 : i32
      %dma_wait3A_853 = tpu.memref_slice %arg13[%dma_wait3A_852] : memref<35x!tpu.dma_semaphore, #tpu.memory_space<semaphore_mem>> -> memref<1x!tpu.dma_semaphore, #tpu.memory_space<semaphore_mem>>
      %dma_wait3A_854 = tpu.memref_squeeze %dma_wait3A_853 : memref<1x!tpu.dma_semaphore, #tpu.memory_space<semaphore_mem>> -> memref<!tpu.dma_semaphore, #tpu.memory_space<semaphore_mem>>
      %dma_wait3A_855 = arith.constant 0 : i32
      %dma_wait3A_856 = arith.constant 0 : i32
      %dma_wait3A_857 = tpu.memref_slice %arg8[%dma_wait3A_851, %dma_wait3A_855, %dma_wait3A_856] : memref<16x32x64xf32, #tpu.memory_space<any>> -> memref<1x32x64xf32, #tpu.memory_space<any>>
      %dma_wait3A_858 = tpu.memref_squeeze %dma_wait3A_857 : memref<1x32x64xf32, #tpu.memory_space<any>> -> memref<32x64xf32, #tpu.memory_space<any>>
      %dma_wait3A_859 = arith.constant 0 : i32
      %dma_wait3A_860 = arith.constant 0 : i32
      %dma_wait3A_861 = tpu.memref_slice %arg10[%dma_wait3A_859, %dma_wait3A_850, %dma_wait3A_860] : memref<32x16x64xf32, #tpu.memory_space<vmem>> -> memref<32x1x64xf32, #tpu.memory_space<vmem>>
      %dma_wait3A_862 = tpu.memref_squeeze %dma_wait3A_861 : memref<32x1x64xf32, #tpu.memory_space<vmem>> -> memref<32x64xf32, #tpu.memory_space<vmem>>
      tpu.wait_dma2 semaphore(%dma_wait3A_854 : memref<!tpu.dma_semaphore, #tpu.memory_space<semaphore_mem>>) src(%dma_wait3A_862 : memref<32x64xf32, #tpu.memory_space<vmem>>) dst(%dma_wait3A_858 : memref<32x64xf32, #tpu.memory_space<any>>)
      %dma_wait3A_863 = arith.constant 5 : i32
      %dma_wait3A_864 = arith.constant 5 : i32
      %dma_wait3A_865 = arith.constant 34 : i32
      %dma_wait3A_866 = tpu.memref_slice %arg13[%dma_wait3A_865] : memref<35x!tpu.dma_semaphore, #tpu.memory_space<semaphore_mem>> -> memref<1x!tpu.dma_semaphore, #tpu.memory_space<semaphore_mem>>
      %dma_wait3A_867 = tpu.memref_squeeze %dma_wait3A_866 : memref<1x!tpu.dma_semaphore, #tpu.memory_space<semaphore_mem>> -> memref<!tpu.dma_semaphore, #tpu.memory_space<semaphore_mem>>
      %dma_wait3A_868 = arith.constant 0 : i32
      %dma_wait3A_869 = arith.constant 0 : i32
      %dma_wait3A_870 = tpu.memref_slice %arg8[%dma_wait3A_864, %dma_wait3A_868, %dma_wait3A_869] : memref<16x32x64xf32, #tpu.memory_space<any>> -> memref<1x32x64xf32, #tpu.memory_space<any>>
      %dma_wait3A_871 = tpu.memref_squeeze %dma_wait3A_870 : memref<1x32x64xf32, #tpu.memory_space<any>> -> memref<32x64xf32, #tpu.memory_space<any>>
      %dma_wait3A_872 = arith.constant 0 : i32
      %dma_wait3A_873 = arith.constant 0 : i32
      %dma_wait3A_874 = tpu.memref_slice %arg10[%dma_wait3A_872, %dma_wait3A_863, %dma_wait3A_873] : memref<32x16x64xf32, #tpu.memory_space<vmem>> -> memref<32x1x64xf32, #tpu.memory_space<vmem>>
      %dma_wait3A_875 = tpu.memref_squeeze %dma_wait3A_874 : memref<32x1x64xf32, #tpu.memory_space<vmem>> -> memref<32x64xf32, #tpu.memory_space<vmem>>
      tpu.wait_dma2 semaphore(%dma_wait3A_867 : memref<!tpu.dma_semaphore, #tpu.memory_space<semaphore_mem>>) src(%dma_wait3A_875 : memref<32x64xf32, #tpu.memory_space<vmem>>) dst(%dma_wait3A_871 : memref<32x64xf32, #tpu.memory_space<any>>)
      %dma_wait3A_876 = arith.constant 6 : i32
      %dma_wait3A_877 = arith.constant 6 : i32
      %dma_wait3A_878 = arith.constant 34 : i32
      %dma_wait3A_879 = tpu.memref_slice %arg13[%dma_wait3A_878] : memref<35x!tpu.dma_semaphore, #tpu.memory_space<semaphore_mem>> -> memref<1x!tpu.dma_semaphore, #tpu.memory_space<semaphore_mem>>
      %dma_wait3A_880 = tpu.memref_squeeze %dma_wait3A_879 : memref<1x!tpu.dma_semaphore, #tpu.memory_space<semaphore_mem>> -> memref<!tpu.dma_semaphore, #tpu.memory_space<semaphore_mem>>
      %dma_wait3A_881 = arith.constant 0 : i32
      %dma_wait3A_882 = arith.constant 0 : i32
      %dma_wait3A_883 = tpu.memref_slice %arg8[%dma_wait3A_877, %dma_wait3A_881, %dma_wait3A_882] : memref<16x32x64xf32, #tpu.memory_space<any>> -> memref<1x32x64xf32, #tpu.memory_space<any>>
      %dma_wait3A_884 = tpu.memref_squeeze %dma_wait3A_883 : memref<1x32x64xf32, #tpu.memory_space<any>> -> memref<32x64xf32, #tpu.memory_space<any>>
      %dma_wait3A_885 = arith.constant 0 : i32
      %dma_wait3A_886 = arith.constant 0 : i32
      %dma_wait3A_887 = tpu.memref_slice %arg10[%dma_wait3A_885, %dma_wait3A_876, %dma_wait3A_886] : memref<32x16x64xf32, #tpu.memory_space<vmem>> -> memref<32x1x64xf32, #tpu.memory_space<vmem>>
      %dma_wait3A_888 = tpu.memref_squeeze %dma_wait3A_887 : memref<32x1x64xf32, #tpu.memory_space<vmem>> -> memref<32x64xf32, #tpu.memory_space<vmem>>
      tpu.wait_dma2 semaphore(%dma_wait3A_880 : memref<!tpu.dma_semaphore, #tpu.memory_space<semaphore_mem>>) src(%dma_wait3A_888 : memref<32x64xf32, #tpu.memory_space<vmem>>) dst(%dma_wait3A_884 : memref<32x64xf32, #tpu.memory_space<any>>)
      %dma_wait3A_889 = arith.constant 7 : i32
      %dma_wait3A_890 = arith.constant 7 : i32
      %dma_wait3A_891 = arith.constant 34 : i32
      %dma_wait3A_892 = tpu.memref_slice %arg13[%dma_wait3A_891] : memref<35x!tpu.dma_semaphore, #tpu.memory_space<semaphore_mem>> -> memref<1x!tpu.dma_semaphore, #tpu.memory_space<semaphore_mem>>
      %dma_wait3A_893 = tpu.memref_squeeze %dma_wait3A_892 : memref<1x!tpu.dma_semaphore, #tpu.memory_space<semaphore_mem>> -> memref<!tpu.dma_semaphore, #tpu.memory_space<semaphore_mem>>
      %dma_wait3A_894 = arith.constant 0 : i32
      %dma_wait3A_895 = arith.constant 0 : i32
      %dma_wait3A_896 = tpu.memref_slice %arg8[%dma_wait3A_890, %dma_wait3A_894, %dma_wait3A_895] : memref<16x32x64xf32, #tpu.memory_space<any>> -> memref<1x32x64xf32, #tpu.memory_space<any>>
      %dma_wait3A_897 = tpu.memref_squeeze %dma_wait3A_896 : memref<1x32x64xf32, #tpu.memory_space<any>> -> memref<32x64xf32, #tpu.memory_space<any>>
      %dma_wait3A_898 = arith.constant 0 : i32
      %dma_wait3A_899 = arith.constant 0 : i32
      %dma_wait3A_900 = tpu.memref_slice %arg10[%dma_wait3A_898, %dma_wait3A_889, %dma_wait3A_899] : memref<32x16x64xf32, #tpu.memory_space<vmem>> -> memref<32x1x64xf32, #tpu.memory_space<vmem>>
      %dma_wait3A_901 = tpu.memref_squeeze %dma_wait3A_900 : memref<32x1x64xf32, #tpu.memory_space<vmem>> -> memref<32x64xf32, #tpu.memory_space<vmem>>
      tpu.wait_dma2 semaphore(%dma_wait3A_893 : memref<!tpu.dma_semaphore, #tpu.memory_space<semaphore_mem>>) src(%dma_wait3A_901 : memref<32x64xf32, #tpu.memory_space<vmem>>) dst(%dma_wait3A_897 : memref<32x64xf32, #tpu.memory_space<any>>)
      %dma_wait3A_902 = arith.constant 8 : i32
      %dma_wait3A_903 = arith.constant 8 : i32
      %dma_wait3A_904 = arith.constant 34 : i32
      %dma_wait3A_905 = tpu.memref_slice %arg13[%dma_wait3A_904] : memref<35x!tpu.dma_semaphore, #tpu.memory_space<semaphore_mem>> -> memref<1x!tpu.dma_semaphore, #tpu.memory_space<semaphore_mem>>
      %dma_wait3A_906 = tpu.memref_squeeze %dma_wait3A_905 : memref<1x!tpu.dma_semaphore, #tpu.memory_space<semaphore_mem>> -> memref<!tpu.dma_semaphore, #tpu.memory_space<semaphore_mem>>
      %dma_wait3A_907 = arith.constant 0 : i32
      %dma_wait3A_908 = arith.constant 0 : i32
      %dma_wait3A_909 = tpu.memref_slice %arg8[%dma_wait3A_903, %dma_wait3A_907, %dma_wait3A_908] : memref<16x32x64xf32, #tpu.memory_space<any>> -> memref<1x32x64xf32, #tpu.memory_space<any>>
      %dma_wait3A_910 = tpu.memref_squeeze %dma_wait3A_909 : memref<1x32x64xf32, #tpu.memory_space<any>> -> memref<32x64xf32, #tpu.memory_space<any>>
      %dma_wait3A_911 = arith.constant 0 : i32
      %dma_wait3A_912 = arith.constant 0 : i32
      %dma_wait3A_913 = tpu.memref_slice %arg10[%dma_wait3A_911, %dma_wait3A_902, %dma_wait3A_912] : memref<32x16x64xf32, #tpu.memory_space<vmem>> -> memref<32x1x64xf32, #tpu.memory_space<vmem>>
      %dma_wait3A_914 = tpu.memref_squeeze %dma_wait3A_913 : memref<32x1x64xf32, #tpu.memory_space<vmem>> -> memref<32x64xf32, #tpu.memory_space<vmem>>
      tpu.wait_dma2 semaphore(%dma_wait3A_906 : memref<!tpu.dma_semaphore, #tpu.memory_space<semaphore_mem>>) src(%dma_wait3A_914 : memref<32x64xf32, #tpu.memory_space<vmem>>) dst(%dma_wait3A_910 : memref<32x64xf32, #tpu.memory_space<any>>)
      %dma_wait3A_915 = arith.constant 9 : i32
      %dma_wait3A_916 = arith.constant 9 : i32
      %dma_wait3A_917 = arith.constant 34 : i32
      %dma_wait3A_918 = tpu.memref_slice %arg13[%dma_wait3A_917] : memref<35x!tpu.dma_semaphore, #tpu.memory_space<semaphore_mem>> -> memref<1x!tpu.dma_semaphore, #tpu.memory_space<semaphore_mem>>
      %dma_wait3A_919 = tpu.memref_squeeze %dma_wait3A_918 : memref<1x!tpu.dma_semaphore, #tpu.memory_space<semaphore_mem>> -> memref<!tpu.dma_semaphore, #tpu.memory_space<semaphore_mem>>
      %dma_wait3A_920 = arith.constant 0 : i32
      %dma_wait3A_921 = arith.constant 0 : i32
      %dma_wait3A_922 = tpu.memref_slice %arg8[%dma_wait3A_916, %dma_wait3A_920, %dma_wait3A_921] : memref<16x32x64xf32, #tpu.memory_space<any>> -> memref<1x32x64xf32, #tpu.memory_space<any>>
      %dma_wait3A_923 = tpu.memref_squeeze %dma_wait3A_922 : memref<1x32x64xf32, #tpu.memory_space<any>> -> memref<32x64xf32, #tpu.memory_space<any>>
      %dma_wait3A_924 = arith.constant 0 : i32
      %dma_wait3A_925 = arith.constant 0 : i32
      %dma_wait3A_926 = tpu.memref_slice %arg10[%dma_wait3A_924, %dma_wait3A_915, %dma_wait3A_925] : memref<32x16x64xf32, #tpu.memory_space<vmem>> -> memref<32x1x64xf32, #tpu.memory_space<vmem>>
      %dma_wait3A_927 = tpu.memref_squeeze %dma_wait3A_926 : memref<32x1x64xf32, #tpu.memory_space<vmem>> -> memref<32x64xf32, #tpu.memory_space<vmem>>
      tpu.wait_dma2 semaphore(%dma_wait3A_919 : memref<!tpu.dma_semaphore, #tpu.memory_space<semaphore_mem>>) src(%dma_wait3A_927 : memref<32x64xf32, #tpu.memory_space<vmem>>) dst(%dma_wait3A_923 : memref<32x64xf32, #tpu.memory_space<any>>)
      %dma_wait3A_928 = arith.constant 10 : i32
      %dma_wait3A_929 = arith.constant 10 : i32
      %dma_wait3A_930 = arith.constant 34 : i32
      %dma_wait3A_931 = tpu.memref_slice %arg13[%dma_wait3A_930] : memref<35x!tpu.dma_semaphore, #tpu.memory_space<semaphore_mem>> -> memref<1x!tpu.dma_semaphore, #tpu.memory_space<semaphore_mem>>
      %dma_wait3A_932 = tpu.memref_squeeze %dma_wait3A_931 : memref<1x!tpu.dma_semaphore, #tpu.memory_space<semaphore_mem>> -> memref<!tpu.dma_semaphore, #tpu.memory_space<semaphore_mem>>
      %dma_wait3A_933 = arith.constant 0 : i32
      %dma_wait3A_934 = arith.constant 0 : i32
      %dma_wait3A_935 = tpu.memref_slice %arg8[%dma_wait3A_929, %dma_wait3A_933, %dma_wait3A_934] : memref<16x32x64xf32, #tpu.memory_space<any>> -> memref<1x32x64xf32, #tpu.memory_space<any>>
      %dma_wait3A_936 = tpu.memref_squeeze %dma_wait3A_935 : memref<1x32x64xf32, #tpu.memory_space<any>> -> memref<32x64xf32, #tpu.memory_space<any>>
      %dma_wait3A_937 = arith.constant 0 : i32
      %dma_wait3A_938 = arith.constant 0 : i32
      %dma_wait3A_939 = tpu.memref_slice %arg10[%dma_wait3A_937, %dma_wait3A_928, %dma_wait3A_938] : memref<32x16x64xf32, #tpu.memory_space<vmem>> -> memref<32x1x64xf32, #tpu.memory_space<vmem>>
      %dma_wait3A_940 = tpu.memref_squeeze %dma_wait3A_939 : memref<32x1x64xf32, #tpu.memory_space<vmem>> -> memref<32x64xf32, #tpu.memory_space<vmem>>
      tpu.wait_dma2 semaphore(%dma_wait3A_932 : memref<!tpu.dma_semaphore, #tpu.memory_space<semaphore_mem>>) src(%dma_wait3A_940 : memref<32x64xf32, #tpu.memory_space<vmem>>) dst(%dma_wait3A_936 : memref<32x64xf32, #tpu.memory_space<any>>)
      %dma_wait3A_941 = arith.constant 11 : i32
      %dma_wait3A_942 = arith.constant 11 : i32
      %dma_wait3A_943 = arith.constant 34 : i32
      %dma_wait3A_944 = tpu.memref_slice %arg13[%dma_wait3A_943] : memref<35x!tpu.dma_semaphore, #tpu.memory_space<semaphore_mem>> -> memref<1x!tpu.dma_semaphore, #tpu.memory_space<semaphore_mem>>
      %dma_wait3A_945 = tpu.memref_squeeze %dma_wait3A_944 : memref<1x!tpu.dma_semaphore, #tpu.memory_space<semaphore_mem>> -> memref<!tpu.dma_semaphore, #tpu.memory_space<semaphore_mem>>
      %dma_wait3A_946 = arith.constant 0 : i32
      %dma_wait3A_947 = arith.constant 0 : i32
      %dma_wait3A_948 = tpu.memref_slice %arg8[%dma_wait3A_942, %dma_wait3A_946, %dma_wait3A_947] : memref<16x32x64xf32, #tpu.memory_space<any>> -> memref<1x32x64xf32, #tpu.memory_space<any>>
      %dma_wait3A_949 = tpu.memref_squeeze %dma_wait3A_948 : memref<1x32x64xf32, #tpu.memory_space<any>> -> memref<32x64xf32, #tpu.memory_space<any>>
      %dma_wait3A_950 = arith.constant 0 : i32
      %dma_wait3A_951 = arith.constant 0 : i32
      %dma_wait3A_952 = tpu.memref_slice %arg10[%dma_wait3A_950, %dma_wait3A_941, %dma_wait3A_951] : memref<32x16x64xf32, #tpu.memory_space<vmem>> -> memref<32x1x64xf32, #tpu.memory_space<vmem>>
      %dma_wait3A_953 = tpu.memref_squeeze %dma_wait3A_952 : memref<32x1x64xf32, #tpu.memory_space<vmem>> -> memref<32x64xf32, #tpu.memory_space<vmem>>
      tpu.wait_dma2 semaphore(%dma_wait3A_945 : memref<!tpu.dma_semaphore, #tpu.memory_space<semaphore_mem>>) src(%dma_wait3A_953 : memref<32x64xf32, #tpu.memory_space<vmem>>) dst(%dma_wait3A_949 : memref<32x64xf32, #tpu.memory_space<any>>)
      %dma_wait3A_954 = arith.constant 12 : i32
      %dma_wait3A_955 = arith.constant 12 : i32
      %dma_wait3A_956 = arith.constant 34 : i32
      %dma_wait3A_957 = tpu.memref_slice %arg13[%dma_wait3A_956] : memref<35x!tpu.dma_semaphore, #tpu.memory_space<semaphore_mem>> -> memref<1x!tpu.dma_semaphore, #tpu.memory_space<semaphore_mem>>
      %dma_wait3A_958 = tpu.memref_squeeze %dma_wait3A_957 : memref<1x!tpu.dma_semaphore, #tpu.memory_space<semaphore_mem>> -> memref<!tpu.dma_semaphore, #tpu.memory_space<semaphore_mem>>
      %dma_wait3A_959 = arith.constant 0 : i32
      %dma_wait3A_960 = arith.constant 0 : i32
      %dma_wait3A_961 = tpu.memref_slice %arg8[%dma_wait3A_955, %dma_wait3A_959, %dma_wait3A_960] : memref<16x32x64xf32, #tpu.memory_space<any>> -> memref<1x32x64xf32, #tpu.memory_space<any>>
      %dma_wait3A_962 = tpu.memref_squeeze %dma_wait3A_961 : memref<1x32x64xf32, #tpu.memory_space<any>> -> memref<32x64xf32, #tpu.memory_space<any>>
      %dma_wait3A_963 = arith.constant 0 : i32
      %dma_wait3A_964 = arith.constant 0 : i32
      %dma_wait3A_965 = tpu.memref_slice %arg10[%dma_wait3A_963, %dma_wait3A_954, %dma_wait3A_964] : memref<32x16x64xf32, #tpu.memory_space<vmem>> -> memref<32x1x64xf32, #tpu.memory_space<vmem>>
      %dma_wait3A_966 = tpu.memref_squeeze %dma_wait3A_965 : memref<32x1x64xf32, #tpu.memory_space<vmem>> -> memref<32x64xf32, #tpu.memory_space<vmem>>
      tpu.wait_dma2 semaphore(%dma_wait3A_958 : memref<!tpu.dma_semaphore, #tpu.memory_space<semaphore_mem>>) src(%dma_wait3A_966 : memref<32x64xf32, #tpu.memory_space<vmem>>) dst(%dma_wait3A_962 : memref<32x64xf32, #tpu.memory_space<any>>)
      %dma_wait3A_967 = arith.constant 13 : i32
      %dma_wait3A_968 = arith.constant 13 : i32
      %dma_wait3A_969 = arith.constant 34 : i32
      %dma_wait3A_970 = tpu.memref_slice %arg13[%dma_wait3A_969] : memref<35x!tpu.dma_semaphore, #tpu.memory_space<semaphore_mem>> -> memref<1x!tpu.dma_semaphore, #tpu.memory_space<semaphore_mem>>
      %dma_wait3A_971 = tpu.memref_squeeze %dma_wait3A_970 : memref<1x!tpu.dma_semaphore, #tpu.memory_space<semaphore_mem>> -> memref<!tpu.dma_semaphore, #tpu.memory_space<semaphore_mem>>
      %dma_wait3A_972 = arith.constant 0 : i32
      %dma_wait3A_973 = arith.constant 0 : i32
      %dma_wait3A_974 = tpu.memref_slice %arg8[%dma_wait3A_968, %dma_wait3A_972, %dma_wait3A_973] : memref<16x32x64xf32, #tpu.memory_space<any>> -> memref<1x32x64xf32, #tpu.memory_space<any>>
      %dma_wait3A_975 = tpu.memref_squeeze %dma_wait3A_974 : memref<1x32x64xf32, #tpu.memory_space<any>> -> memref<32x64xf32, #tpu.memory_space<any>>
      %dma_wait3A_976 = arith.constant 0 : i32
      %dma_wait3A_977 = arith.constant 0 : i32
      %dma_wait3A_978 = tpu.memref_slice %arg10[%dma_wait3A_976, %dma_wait3A_967, %dma_wait3A_977] : memref<32x16x64xf32, #tpu.memory_space<vmem>> -> memref<32x1x64xf32, #tpu.memory_space<vmem>>
      %dma_wait3A_979 = tpu.memref_squeeze %dma_wait3A_978 : memref<32x1x64xf32, #tpu.memory_space<vmem>> -> memref<32x64xf32, #tpu.memory_space<vmem>>
      tpu.wait_dma2 semaphore(%dma_wait3A_971 : memref<!tpu.dma_semaphore, #tpu.memory_space<semaphore_mem>>) src(%dma_wait3A_979 : memref<32x64xf32, #tpu.memory_space<vmem>>) dst(%dma_wait3A_975 : memref<32x64xf32, #tpu.memory_space<any>>)
      %dma_wait3A_980 = arith.constant 14 : i32
      %dma_wait3A_981 = arith.constant 14 : i32
      %dma_wait3A_982 = arith.constant 34 : i32
      %dma_wait3A_983 = tpu.memref_slice %arg13[%dma_wait3A_982] : memref<35x!tpu.dma_semaphore, #tpu.memory_space<semaphore_mem>> -> memref<1x!tpu.dma_semaphore, #tpu.memory_space<semaphore_mem>>
      %dma_wait3A_984 = tpu.memref_squeeze %dma_wait3A_983 : memref<1x!tpu.dma_semaphore, #tpu.memory_space<semaphore_mem>> -> memref<!tpu.dma_semaphore, #tpu.memory_space<semaphore_mem>>
      %dma_wait3A_985 = arith.constant 0 : i32
      %dma_wait3A_986 = arith.constant 0 : i32
      %dma_wait3A_987 = tpu.memref_slice %arg8[%dma_wait3A_981, %dma_wait3A_985, %dma_wait3A_986] : memref<16x32x64xf32, #tpu.memory_space<any>> -> memref<1x32x64xf32, #tpu.memory_space<any>>
      %dma_wait3A_988 = tpu.memref_squeeze %dma_wait3A_987 : memref<1x32x64xf32, #tpu.memory_space<any>> -> memref<32x64xf32, #tpu.memory_space<any>>
      %dma_wait3A_989 = arith.constant 0 : i32
      %dma_wait3A_990 = arith.constant 0 : i32
      %dma_wait3A_991 = tpu.memref_slice %arg10[%dma_wait3A_989, %dma_wait3A_980, %dma_wait3A_990] : memref<32x16x64xf32, #tpu.memory_space<vmem>> -> memref<32x1x64xf32, #tpu.memory_space<vmem>>
      %dma_wait3A_992 = tpu.memref_squeeze %dma_wait3A_991 : memref<32x1x64xf32, #tpu.memory_space<vmem>> -> memref<32x64xf32, #tpu.memory_space<vmem>>
      tpu.wait_dma2 semaphore(%dma_wait3A_984 : memref<!tpu.dma_semaphore, #tpu.memory_space<semaphore_mem>>) src(%dma_wait3A_992 : memref<32x64xf32, #tpu.memory_space<vmem>>) dst(%dma_wait3A_988 : memref<32x64xf32, #tpu.memory_space<any>>)
      %dma_wait3A_993 = arith.constant 15 : i32
      %dma_wait3A_994 = arith.constant 15 : i32
      %dma_wait3A_995 = arith.constant 34 : i32
      %dma_wait3A_996 = tpu.memref_slice %arg13[%dma_wait3A_995] : memref<35x!tpu.dma_semaphore, #tpu.memory_space<semaphore_mem>> -> memref<1x!tpu.dma_semaphore, #tpu.memory_space<semaphore_mem>>
      %dma_wait3A_997 = tpu.memref_squeeze %dma_wait3A_996 : memref<1x!tpu.dma_semaphore, #tpu.memory_space<semaphore_mem>> -> memref<!tpu.dma_semaphore, #tpu.memory_space<semaphore_mem>>
      %dma_wait3A_998 = arith.constant 0 : i32
      %dma_wait3A_999 = arith.constant 0 : i32
      %dma_wait3A_1000 = tpu.memref_slice %arg8[%dma_wait3A_994, %dma_wait3A_998, %dma_wait3A_999] : memref<16x32x64xf32, #tpu.memory_space<any>> -> memref<1x32x64xf32, #tpu.memory_space<any>>
      %dma_wait3A_1001 = tpu.memref_squeeze %dma_wait3A_1000 : memref<1x32x64xf32, #tpu.memory_space<any>> -> memref<32x64xf32, #tpu.memory_space<any>>
      %dma_wait3A_1002 = arith.constant 0 : i32
      %dma_wait3A_1003 = arith.constant 0 : i32
      %dma_wait3A_1004 = tpu.memref_slice %arg10[%dma_wait3A_1002, %dma_wait3A_993, %dma_wait3A_1003] : memref<32x16x64xf32, #tpu.memory_space<vmem>> -> memref<32x1x64xf32, #tpu.memory_space<vmem>>
      %dma_wait3A_1005 = tpu.memref_squeeze %dma_wait3A_1004 : memref<32x1x64xf32, #tpu.memory_space<vmem>> -> memref<32x64xf32, #tpu.memory_space<vmem>>
      tpu.wait_dma2 semaphore(%dma_wait3A_997 : memref<!tpu.dma_semaphore, #tpu.memory_space<semaphore_mem>>) src(%dma_wait3A_1005 : memref<32x64xf32, #tpu.memory_space<vmem>>) dst(%dma_wait3A_1001 : memref<32x64xf32, #tpu.memory_space<any>>)
    } else {
    }
    return
  }
  func.func @transform_0(%arg0: i32) -> (i32, i32) {
    %c0_i32 = arith.constant 0 : i32
    %c0_i32_0 = arith.constant 0 : i32
    %c0_i32_1 = arith.constant 0 : i32
    return %c0_i32, %c0_i32_0 : i32, i32
  }
  func.func @transform_1(%arg0: i32) -> (i32, i32) {
    %c0_i32 = arith.constant 0 : i32
    %c0_i32_0 = arith.constant 0 : i32
    return %c0_i32, %arg0 : i32, i32
  }
  func.func @transform_2(%arg0: i32) -> (i32, i32) {
    %c0_i32 = arith.constant 0 : i32
    %c0_i32_0 = arith.constant 0 : i32
    %c0_i32_1 = arith.constant 0 : i32
    return %c0_i32, %c0_i32_0 : i32, i32
  }
  func.func @transform_3(%arg0: i32) -> (i32, i32) {
    %c0_i32 = arith.constant 0 : i32
    %c0_i32_0 = arith.constant 0 : i32
    %c0_i32_1 = arith.constant 0 : i32
    return %c0_i32, %c0_i32_0 : i32, i32
  }
  func.func @transform_4(%arg0: i32) -> (i32, i32) {
    %c0_i32 = arith.constant 0 : i32
    %c0_i32_0 = arith.constant 0 : i32
    %c0_i32_1 = arith.constant 0 : i32
    return %c0_i32, %c0_i32_0 : i32, i32
  }
}

</mosaic_0001>

<sc_bundles>
// kernel: kernel.4.cloned.1.call-start
scs
__scs_entry_jumppad:
0x0: {  	(pc) =	sbr.rel $0x88, $3  }
0x1: {  	(tag) =	ssettag $0x0;
	lr =	simm.s32 $0x1  }
0x2: {  	[smem:$0x3F9B] =	sst lr;
	_ =	strace $0xD0000000  }
0x3: {  	_ = 	snop  }
0x4: {  	_ = 	snop  }
0x5: {  	_ = 	snop  }
0x6: {  	_ = 	snop  }
0x7: {  	_ = 	snop  }
__scs_overlays_trampoline_lowered:
0x8: {  	[smem:$0x3FAA] =	sst s0  }
0x9: {  	[smem:$0x3FAB] =	sst s1  }
0xa: {  	[smem:$0x3FAC] =	sst s2  }
0xb: {  	[smem:$0x3FAD] =	sst s3  }
0xc: {  	[smem:$0x3FAE] =	sst s4  }
0xd: {  	[smem:$0x3FAF] =	sst s5  }
0xe: {  	[smem:$0x3FB0] =	sst s6  }
0xf: {  	[smem:$0x3FB1] =	sst s7  }
0x10: {  	[smem:$0x3FB2] =	sst s8  }
0x11: {  	[smem:$0x3FB3] =	sst s9;
	s0 =	simm.s32 @!p0 $0x0  }
0x12: {  	s1 =	sld [smem:$0x3F99];
	s0 =	simm.s32 @p0 $0x1  }
0x13: {  	[smem:$0x3FB4] =	sst s0;
	s0 =	simm.s32 @!p1 $0x0  }
0x14: {  	s2 =	sld [smem:$0x3F98];
	s0 =	simm.s32 @p1 $0x1  }
0x15: {  	[smem:$0x3FB5] =	sst s0;
	s0 =	simm.s32 @!p2 $0x0  }
0x16: {  	s3 =	sld [smem:$0x3FDB];
	s0 =	simm.s32 @p2 $0x1  }
0x17: {  	s4 =	simm.s32 $0x1BF5;
	[smem:$0x3FB7] =	sst s0  }
0x18: {  	s0 =	sld [smem:$0x3F9A];
	_ =	swait.ge [sflag:s4], $0x0  }
0x19: {  	s7 =	sld [smem:$0x3F9B]  }
0x1a: {  	s8 =	sadd.s32 $0xFFFFE003, lr  }
0x1b: {  	s9 =	sadd.s32 $0xFFFFFEF7, lr;
	s5 =	simm.s32 $0xFFFFFFFF;
	p2 =	slt.u32 s8, $0xFFFFF086  }
0x1c: {  	p1 =	slt.u32 s9, $0xF7A;
	s5 =	simm.s32 @!p2 $0x0  }
0x1d: {  	s5 =	simm.s32 @p1 $0x1;
	p0 =	seq.s32 s7, s2  }
0x1e: {  	s7 =	smul.u32 @!p0 $0xF7A, s2;
	p2 =	seq.s32 @!p0 s5, $0x0  }
0x1f: {  	s9 =	smul.u32 $0xF7A, s1;
	s8 =	simm.s32 @!p0 $0x1BF5;
	p2 =	por !p2, p0  }
0x20: {  	[sflag:s8] =	ssyncset.s32 @!p0 $0xFFFFF086;
	s6 =	sadd.s32 @!p0 s3, s7;
	s7 =	simm.s32 @!p0 $0x108  }
0x21: {  	s3 =	sadd.s32 s3, s9;
	s6 =	sadd.s32 @!p0 $0x88, s6;
	s7 =	simm.s32 @p2 $0x1082  }
0x22: {  	[simem:s7], [sflag:s8] =	dma.local @!p0 [hbm:s6], $0xF7A  }
0x23: {  	s9 =	sor.u32 $0xD0000000, s2;
	s6 =	simm.s32 $0x108;
	_ =	swait.ge @!p0 [sflag:s8], $0x0  }
0x24: {  	s3 =	sadd.s32 $0x88, s3;
	s6 =	simm.s32 @!p1 $0x1082;
	[sflag:s4] =	ssyncset.s32 $0xFFFFF086  }
0x25: {  	[simem:s6], [sflag:s4] =	dma.local [hbm:s3], $0xF7A  }
0x26: {  	[smem:$0x3F9B] =	sst s1;
	(tag) =	ssettag s2;
	_ =	strace s9  }
0x27: {  	s1 =	sld [smem:$0x3FAB]  }
0x28: {  	s2 =	sld [smem:$0x3FAC]  }
0x29: {  	s4 =	sld [smem:$0x3FAE]  }
0x2a: {  	p0 =	seq.s32 s5, $0x0;
	s5 =	sld [smem:$0x3FAF]  }
0x2b: {  	s6 =	sld [smem:$0x3FB0]  }
0x2c: {  	s7 =	sld [smem:$0x3FB1]  }
0x2d: {  	s3 =	simm.s32 $0x108;
	s8 =	sld [smem:$0x3FB2]  }
0x2e: {  	s3 =	simm.s32 @!p0 $0x1082;
	s9 =	sld [smem:$0x3FB3]  }
0x2f: {  	lr =	sadd.s32 s0, s3;
	s0 =	sld [smem:$0x3FAA]  }
0x30: {  	s3 =	sld [smem:$0x3FAD]  }
0x31: {  	[smem:$0x3FB6] =	sst s10  }
0x32: {  	s10 =	sld [smem:$0x3FB4];
	_ =	sdelay $0x3  }
0x33: {  	p0 =	seq.s32 s10, $0x1;
	s10 =	sld [smem:$0x3FB6];
	_ =	sdelay $0x3  }
0x34: {  	[smem:$0x3FB6] =	sst s10  }
0x35: {  	s10 =	sld [smem:$0x3FB5];
	_ =	sdelay $0x3  }
0x36: {  	p1 =	seq.s32 s10, $0x1;
	s10 =	sld [smem:$0x3FB6];
	_ =	sdelay $0x3  }
0x37: {  	[smem:$0x3FB6] =	sst s10  }
0x38: {  	s10 =	sld [smem:$0x3FB7]  }
0x39: {  	_ = 	snop;
	(pc) =	sbr.ind lr, $3  }
0x3a: {  	_ = 	snop  }
0x3b: {  	_ = 	snop  }
0x3c: {  	p2 =	seq.s32 s10, $0x1;
	s10 =	sld [smem:$0x3FB6]  }
0x3d: {  	_ =	shalt  }
0x3e: {  	_ =	shalt  }
0x3f: {  	_ =	shalt  }
0x40: {  	_ =	shalt  }
0x41: {  	_ =	shalt  }
0x42: {  	_ =	shalt  }
0x43: {  	_ =	shalt  }
0x44: {  	_ =	shalt  }
0x45: {  	_ =	shalt  }
0x46: {  	_ =	shalt  }
0x47: {  	_ =	shalt  }
0x48: {  	_ =	shalt  }
0x49: {  	_ =	shalt  }
0x4a: {  	_ =	shalt  }
0x4b: {  	_ =	shalt  }
0x4c: {  	_ =	shalt  }
0x4d: {  	_ =	shalt  }
0x4e: {  	_ =	shalt  }
0x4f: {  	_ =	shalt  }
0x50: {  	_ =	shalt  }
0x51: {  	_ =	shalt  }
0x52: {  	_ =	shalt  }
0x53: {  	_ =	shalt  }
0x54: {  	_ =	shalt  }
0x55: {  	_ =	shalt  }
0x56: {  	_ =	shalt  }
0x57: {  	_ =	shalt  }
0x58: {  	_ =	shalt  }
0x59: {  	_ =	shalt  }
0x5a: {  	_ =	shalt  }
0x5b: {  	_ =	shalt  }
0x5c: {  	_ =	shalt  }
0x5d: {  	_ =	shalt  }
0x5e: {  	_ =	shalt  }
0x5f: {  	_ =	shalt  }
0x60: {  	_ =	shalt  }
0x61: {  	_ =	shalt  }
0x62: {  	_ =	shalt  }
0x63: {  	_ =	shalt  }
0x64: {  	_ =	shalt  }
0x65: {  	_ =	shalt  }
0x66: {  	_ =	shalt  }
0x67: {  	_ =	shalt  }
0x68: {  	_ =	shalt  }
0x69: {  	_ =	shalt  }
0x6a: {  	_ =	shalt  }
0x6b: {  	_ =	shalt  }
0x6c: {  	_ =	shalt  }
0x6d: {  	_ =	shalt  }
0x6e: {  	_ =	shalt  }
0x6f: {  	_ =	shalt  }
0x70: {  	_ =	shalt  }
0x71: {  	_ =	shalt  }
0x72: {  	_ =	shalt  }
0x73: {  	_ =	shalt  }
0x74: {  	_ =	shalt  }
0x75: {  	_ =	shalt  }
0x76: {  	_ =	shalt  }
0x77: {  	_ =	shalt  }
0x78: {  	_ =	shalt  }
0x79: {  	_ =	shalt  }
0x7a: {  	_ =	shalt  }
0x7b: {  	_ =	shalt  }
0x7c: {  	_ =	shalt  }
0x7d: {  	_ =	shalt  }
0x7e: {  	_ =	shalt  }
0x7f: {  	_ =	shalt  }
0x80: {  	_ =	shalt  }
0x81: {  	_ =	shalt  }
0x82: {  	_ =	shalt  }
0x83: {  	_ =	shalt  }
0x84: {  	_ =	shalt  }
0x85: {  	_ =	shalt  }
0x86: {  	_ =	shalt  }
0x87: {  	_ =	shalt  }
.Lfunc_end0:
.L_simem_size_0:
called_computation_lowered:
.L_overlay_start_0:
0x88: {  	s2 =	sld [smem:$0x3FD9]  }
0x89: {  	s3 =	sld [smem:$0x3FFE];
	_ =	sdelay $0x1  }
0x8a: {  	s1 =	srdreg.scid  }
0x8b: {  	s0 =	sand.u32 $0x1, s1  }
0x8c: {  	s14 =	sshll.u32 s0, $0xA;
	s2 =	sadd.s32 s3, s2  }
0x8d: {  	s2 =	sadd.s32 s2, s14  }
0x8e: {  	[smem:$0x3FC2] =	sst s2  }
0x8f: {  	_ = 	snop  }
0x90: {  	s2 =	sld [smem:$0x3FD0];
	_ =	sdelay $0x2  }
0x91: {  	s15 =	simm.s32 $0xA;
	s4 =	simm.s32 $0x10  }
0x92: {  	[smem:s4], [sflag:s15] =	dma.local [hbm:s2], $0x1  }
0x93: {  	_ =	swait.eq [sflag:s15], $0x1  }
0x94: {  	[sflag:s15] =	ssyncset.done $0x0  }
0x95: {  	s16 =	sld [smem:$0x12];
	[sflag:s15] =	ssyncadd.s32 $0xFFFFFFFF  }
0x96: {  	s17 =	sld [smem:$0x13];
	(tm) =	ssettm $0x1  }
0x97: {  	s18 =	sld [smem:$0x3FFB];
	_ =	sdelay $0x3  }
0x98: {  	_ =	strace s18  }
0x99: {  	s4 =	sld [smem:$0x3FFC];
	_ =	sdelay $0x3  }
0x9a: {  	_ =	strace s4  }
0x9b: {  	s4 =	sld [smem:$0x3FFD];
	_ =	sdelay $0x3  }
0x9c: {  	_ =	strace s4  }
0x9d: {  	_ =	strace $0x8FFFFFFF  }
0x9e: {  	s19 =	sld [smem:$0x3FDB];
	_ =	sdelay $0x1  }
0x9f: {  	s5 =	simm.s32 $_scs_section_size  }
0xa0: {  	s6 =	simm.s32 $_size__tile_overlayer_lowered;
	s7 =	simm.s32 $_tile_overlayer_lowered  }
0xa1: {  	s22 =	simm.s32 $0x1BFF;
	s21 =	sshll.u32 s7, $0x1;
	s4 =	sadd.s32 s5, s19  }
0xa2: {  	s8 =	simm.s32 $0x0;
	s20 =	sshll.u32 s6, $0x1;
	s6 =	sadd.s32 s21, s4  }
0xa3: {  	[timem:s8], [sflag:s22] =	dma.local [hbm:s6], s20  }
0xa4: {  	_ =	swait.ge [sflag:s22], s20  }
0xa5: {  	s5 =	ssub.s32 $0x0, s20;
	[sflag:s22] =	ssyncset.done $0x0  }
0xa6: {  	[sflag:s22] =	ssyncadd.s32 s5;
	_ =	sdelay $0x1  }
0xa7: {  	s23 =	simm.s32 $0x1B8B  }
0xa8: {  	_ =	swait.ge [sflag:s23], $0x1  }
0xa9: {  	[sflag:s23] =	ssyncset.done $0x0  }
0xaa: {  	s25 =	simm.s32 $0x1B8E;
	s24 =	sld [smem:$0x3FFE];
	[sflag:s23] =	ssyncadd.s32 $0xFFFFFFFF  }
0xab: {  	s26 =	simm.s32 $execute0_lowered;
	[smem:$0x3FD2] =	sst s25  }
0xac: {  	s6 =	sshll.u32 s26, $0x1;
	_ =	strace $0x80000046;
	[dreg:$0x1] =	wrdreg $0xFFFFFFFF  }
0xad: {  	s28 =	simm.s32 $_size_execute0_lowered;
	s4 =	sadd.s32 s4, s6;
	[dreg:$0x0] =	wrdreg $0x0  }
0xae: {  	s6 =	sshll.u32 s28, $0x1;
	[dreg:$0x2] =	wrdreg s4  }
0xaf: {  	[dreg:$0x3] =	wrdreg s6  }
0xb0: {  	[dreg:$0x4] =	wrdreg $0xC0  }
0xb1: {  	_ =	task [dreg:s8], $0x5FFFF  }
0xb2: {  	[dreg:$0x1] =	wrdreg $0xFFFFFFFF  }
0xb3: {  	[dreg:$0x0] =	wrdreg $0x60  }
0xb4: {  	[dreg:$0x2] =	wrdreg s24  }
0xb5: {  	[dreg:$0x3] =	wrdreg s16  }
0xb6: {  	[dreg:$0x4] =	wrdreg s17  }
0xb7: {  	[dreg:$0x5] =	wrdreg $0x9  }
0xb8: {  	_ =	task.clear_ibuf [dreg:s8], $0x6FFFF;
	_ =	strace $0x90000046  }
0xb9: {  	s29 =	simm.s32 $0x9;
	_ =	strace $0x80000048  }
0xba: {  	_ =	swait.ge [sflag:s29], $0x1  }
0xbb: {  	[sflag:s29] =	ssyncadd.s32 $0xFFFFFFFF  }
0xbc: {  	_ =	strace $0x90000048  }
0xbd: {  	_ =	sfence  }
0xbe: {  	s30 =	sld [smem:$0x0];
	_ =	sdelay $0x2  }
0xbf: {  	s31 =	sshll.u32 s1, $0xD;
	s1 =	sshrl.u32 s1, $0x2  }
0xc0: {  	s3 =	sand.u32 $0x4000, s31;
	s1 =	sadd.s32 s1, s30  }
0xc1: {  	s0 =	sor.u32 s3, s0;
	s1 =	sshll.u32 s1, $0x11  }
0xc2: {  	s0 =	sor.u32 s1, s0  }
0xc3: {  	s0 =	sadd.s32 $0x8F2B, s0  }
0xc4: {  	[sflag:s0] =	ssyncadd.remote.s32 $0x1  }
0xc5: {  	_ =	sfence.sel $0xFFFF  }
0xc6: {  	[dreg:$0x0] =	wrdreg $0xFFFFFFFF;
	(pc) =	sbr.abs _section_cstart, $3  }
0xc7: {  	[dreg:$0x1] =	wrdreg $0xFFFFFFFF  }
0xc8: {  	_ =	task.clear_ibuf [dreg:s8], $0x2FFFF;
	_ =	strace $0x9FFFFFFF  }
0xc9: {  	(tm) =	ssettm $0x7FFFFFFF  }
tec
execute0_lowered:
.L_overlay_start_1:
0x0: {  	(tag) =	ssettag $0x1  }
0x1: {  	s1 =	srdreg.scid  }
0x2: {  	s1 =	sand.u32 $0x1, s1  }
0x3: {  	p0 =	seq.s32 s1, $0x1  }
.Ltmp0:
0x4: {  	s3 =	rddreg [dreg:$0x0];
	(pc) =	sbr.rel @p0 .LBB2_8-.Ltmp0, $4  }
0x5: {  	s2 =	rddreg [dreg:$0x1]  }
0x6: {  	s4 =	rddreg [dreg:$0x2];
	s5 =	simm.s32 $0x0  }
0x7: {  	[smem:$0x7FF] =	sst s5  }
0x8: {  	s0 =	rddreg [dreg:$0x3];
	_ =	strace $0x80000047;
	s1 =	stileid.u32  }
0x9: {  	s6 =	sshll.u32 s1, $0x8;
	s7 =	sshll.u32 s1, $0x4  }
0xa: {  	s6 =	sor.u32 s7, s6  }
0xb: {  	s3 =	sadd.s32 $0x2200, s3;
	s20 =	simm.s32 $0x80;
	s6 =	sand.u32 $0x870, s6  }
0xc: {  	s8 =	simm.s32 $0x400;
	s21 =	simm.s32 $0x1;
	s3 =	sadd.s32 s3, s6  }
0xd: {  	[tilespmem:s5], [sflag:$0x1] =	stream.strided.gather [hbm4b:s3+s20], $0x800, s8, s20, $0x38;
	[tilespmem:$0x1800] =	vst v63  }
0xe: {  	_ =	swait.ge [sflag:s21], $0x800  }
0xf: {  	[sflag:s21] =	ssyncset.done $0x0  }
0x10: {  	s23 =	simm.s32 $0x20;
	[sflag:s21] =	ssyncadd.s32 $0xFFFFF800  }
0x11: {  	v0 =	vld [tilespmem:s23+$0xFFFFFFE0]  }
0x12: {  	v1 =	vld [tilespmem:s23+$0xFFFFFFF0]  }
0x13: {  	v2 =	vld [tilespmem:s23+$0x0];
	_ =	sdelay $0x1  }
0x14: {  	v3 =	vld [tilespmem:s23+$0x10]  }
0x15: {  	(xrf0) =	vmax.scan.msk.f32 $0xffff, v0  }
0x16: {  	(xrf0) =	vmax.scan.msk.f32 $0xffff, v1  }
0x17: {  	(xrf0) =	vmax.scan.msk.f32 $0xffff, v2  }
0x18: {  	s24 =	simm.s32 $0x60  }
0x19: {  	v0 =	vld [tilespmem:s24+$0xFFFFFFE0];
	(xrf0) =	vmax.scan.msk.f32 $0xffff, v3  }
0x1a: {  	v1 =	vld [tilespmem:s24+$0xFFFFFFF0]  }
0x1b: {  	v3 =	vld [tilespmem:s24+$0x0];
	v2, _, _ =	vpop (xrf0)  }
0x1c: {  	s25 =	simm.s32 $0xA0;
	v4 =	vld [tilespmem:s24+$0x10];
	(v2sf) =	vpush v2, $0xF;
	v2, _, _ =	vpop (xrf0)  }
0x1d: {  	v5 =	vld [tilespmem:s25+$0xFFFFFFE0];
	(v2sf) =	vpush v2, $0xF;
	v2, _, _ =	vpop (xrf0)  }
0x1e: {  	(xrf0) =	vmax.scan.msk.f32 $0xffff, v0;
	v0 =	vld [tilespmem:s25+$0xFFFFFFF0];
	(v2sf) =	vpush v2, $0xF  }
0x1f: {  	(xrf0) =	vmax.scan.msk.f32 $0xffff, v1;
	v1 =	vld [tilespmem:s25+$0x0];
	v2, _, _ =	vpop (xrf0)  }
0x20: {  	s26 =	simm.s32 $0xE0;
	(xrf0) =	vmax.scan.msk.f32 $0xffff, v3;
	(v2sf) =	vpush v2, $0xF;
	v2 =	vld [tilespmem:s25+$0x10]  }
0x21: {  	v3 =	vld [tilespmem:s26+$0xFFFFFFE0];
	(xrf0) =	vmax.scan.msk.f32 $0xffff, v4  }
0x22: {  	(xrf0) =	vmax.scan.msk.f32 $0xffff, v5  }
0x23: {  	v4 =	vld [tilespmem:s26+$0xFFFFFFF0];
	(xrf0) =	vmax.scan.msk.f32 $0xffff, v0  }
0x24: {  	v0, _, _ =	vpop (xrf0);
	(xrf0) =	vmax.scan.msk.f32 $0xffff, v1  }
0x25: {  	(v2sf) =	vpush v0, $0xF;
	v0, _, _ =	vpop (xrf0);
	v1 =	vld [tilespmem:s26+$0x0];
	(xrf0) =	vmax.scan.msk.f32 $0xffff, v2  }
0x26: {  	s28 =	simm.s32 $0x120;
	(v2sf) =	vpush v0, $0xF;
	v0, _, _ =	vpop (xrf0);
	v2 =	vld [tilespmem:s26+$0x10];
	(xrf0) =	vmax.scan.msk.f32 $0xffff, v3  }
0x27: {  	(v2sf) =	vpush v0, $0xF;
	v0, _, _ =	vpop (xrf0);
	v3 =	vld [tilespmem:s28+$0xFFFFFFE0]  }
0x28: {  	(v2sf) =	vpush v0, $0xF;
	(xrf0) =	vmax.scan.msk.f32 $0xffff, v4;
	v4, _, _ =	vpop (xrf0)  }
0x29: {  	(v2sf) =	vpush v4, $0xF;
	v0, _, _ =	vpop (xrf0)  }
0x2a: {  	(xrf0) =	vmax.scan.msk.f32 $0xffff, v1;
	(v2sf) =	vpush v0, $0xF;
	v1, _, _ =	vpop (xrf0)  }
0x2b: {  	(xrf0) =	vmax.scan.msk.f32 $0xffff, v2;
	v2, _, _ =	vpop (xrf0);
	s29 =	spop (v2sf);
	(v2sf) =	vpush v1, $0xF  }
0x2c: {  	(xrf0) =	vmax.scan.msk.f32 $0xffff, v3;
	v3, _, _ =	vpop (xrf0);
	s30 =	spop (v2sf);
	(v2sf) =	vpush v2, $0xF  }
0x2d: {  	s31 =	spop (v2sf);
	(v2sf) =	vpush v3, $0xF;
	_ =	sdelay $0x2  }
0x2e: {  	v5 =	vld [tilespmem:s28+$0xFFFFFFF0];
	_ =	sdelay $0x1  }
0x2f: {  	s22 =	simm.f32 $-Inf;
	v0 =	vld [tilespmem:s28+$0x0]  }
0x30: {  	s3 =	sadd.s32 s2, s6;
	s2 =	sadd.s32 s4, s6;
	v1 =	vld [tilespmem:s28+$0x10];
	s6 =	smax.f32 s22, s29  }
0x31: {  	s4 =	simm.s32 $0x160;
	s6 =	smax.f32 s6, s30  }
0x32: {  	s5 =	simm.s32 $0x14;
	(xrf0) =	vmax.scan.msk.f32 $0xffff, v5;
	v2 =	vld [tilespmem:s4+$0xFFFFFFE0];
	v3, _, _ =	vpop (xrf0);
	s6 =	smax.f32 s6, s31;
	s7 =	spop (v2sf)  }
.LBB2_2:
0x33: {  	s5 =	sadd.s32 $0x4, s5  }
0x34: {  	v4 =	vld [tilespmem:s4+$0xFFFFFFF0];
	(xrf0) =	vmax.scan.msk.f32 $0xffff, v0;
	(v2sf) =	vpush v3, $0xF;
	v3, _, _ =	vpop (xrf0);
	s6 =	smax.f32 s6, s7;
	p0 =	slt.u32 s5, $0x7C  }
.Ltmp1:
0x35: {  	v0 =	vld [tilespmem:s4+$0x0];
	(xrf0) =	vmax.scan.msk.f32 $0xffff, v1;
	(v2sf) =	vpush v3, $0xF;
	v3, _, _ =	vpop (xrf0);
	(pc) =	sbr.rel @p0 .LBB2_2-.Ltmp1, $4  }
0x36: {  	v1 =	vld [tilespmem:s4+$0x10];
	(v2sf) =	vpush v3, $0xF;
	s7 =	spop (v2sf)  }
0x37: {  	s6 =	smax.f32 s6, s7;
	s7 =	spop (v2sf)  }
0x38: {  	s4 =	sadd.s32 $0x40, s4;
	(xrf0) =	vmax.scan.msk.f32 $0xffff, v2;
	v3, _, _ =	vpop (xrf0);
	s6 =	smax.f32 s6, s7;
	s7 =	spop (v2sf)  }
0x39: {  	v2 =	vld [tilespmem:s4+$0xFFFFFFE0];
	(xrf0) =	vmax.scan.msk.f32 $0xffff, v4;
	(v2sf) =	vpush v3, $0xF;
	v3, _, _ =	vpop (xrf0);
	s6 =	smax.f32 s6, s7;
	s7 =	spop (v2sf)  }
0x3a: {  	v4 =	vld [tilespmem:s4+$0xFFFFFFF0]  }
0x3b: {  	v5 =	vld [tilespmem:s4+$0x0]  }
0x3c: {  	(xrf0) =	vmax.scan.msk.f32 $0xffff, v0;
	v0 =	vld [tilespmem:s4+$0x10]  }
0x3d: {  	(xrf0) =	vmax.scan.msk.f32 $0xffff, v1  }
0x3e: {  	(v2sf) =	vpush v3, $0xF;
	v1, _, _ =	vpop (xrf0);
	(xrf0) =	vmax.scan.msk.f32 $0xffff, v2  }
0x3f: {  	(v2sf) =	vpush v1, $0xF;
	v1, _, _ =	vpop (xrf0);
	(xrf0) =	vmax.scan.msk.f32 $0xffff, v4  }
0x40: {  	(v2sf) =	vpush v1, $0xF;
	v1, _, _ =	vpop (xrf0);
	(xrf0) =	vmax.scan.msk.f32 $0xffff, v5  }
0x41: {  	(v2sf) =	vpush v1, $0xF;
	v1, _, _ =	vpop (xrf0);
	(xrf0) =	vmax.scan.msk.f32 $0xffff, v0  }
0x42: {  	(v2sf) =	vpush v1, $0xF;
	v0, _, _ =	vpop (xrf0)  }
0x43: {  	(v2sf) =	vpush v0, $0xF;
	v0, _, _ =	vpop (xrf0)  }
0x44: {  	s23 =	smax.f32 s6, s7;
	s5 =	spop (v2sf);
	(v2sf) =	vpush v0, $0xF;
	v0, _, _ =	vpop (xrf0)  }
0x45: {  	s4 =	smax.f32 s23, s5;
	s24 =	spop (v2sf);
	(v2sf) =	vpush v0, $0xF;
	v0, _, _ =	vpop (xrf0)  }
0x46: {  	s4 =	smax.f32 s4, s24;
	s25 =	spop (v2sf);
	(v2sf) =	vpush v0, $0xF;
	v0, _, _ =	vpop (xrf0)  }
0x47: {  	s4 =	smax.f32 s4, s25;
	s26 =	spop (v2sf);
	(v2sf) =	vpush v0, $0xF;
	v0, _, _ =	vpop (xrf0)  }
0x48: {  	s4 =	smax.f32 s4, s26;
	s28 =	spop (v2sf);
	(v2sf) =	vpush v0, $0xF  }
0x49: {  	s4 =	smax.f32 s4, s28;
	s29 =	spop (v2sf)  }
0x4a: {  	s30 =	spop (v2sf);
	s4 =	smax.f32 s4, s29  }
0x4b: {  	s31 =	spop (v2sf);
	s4 =	smax.f32 s4, s30  }
0x4c: {  	s4 =	smax.f32 s4, s31;
	s7 =	spop (v2sf)  }
0x4d: {  	s4 =	smax.f32 s4, s7;
	s8 =	spop (v2sf)  }
0x4e: {  	s4 =	smax.f32 s4, s8;
	s9 =	spop (v2sf)  }
0x4f: {  	s4 =	smax.f32 s4, s9;
	s10 =	spop (v2sf)  }
0x50: {  	s4 =	smax.f32 s4, s10;
	s11 =	spop (v2sf)  }
0x51: {  	s4 =	smax.f32 s4, s11;
	s12 =	spop (v2sf)  }
0x52: {  	s4 =	smax.f32 s4, s12;
	s13 =	spop (v2sf)  }
0x53: {  	s4 =	smax.f32 s4, s13;
	s14 =	spop (v2sf)  }
0x54: {  	s8 =	simm.s32 $0x20;
	s4 =	smax.f32 s4, s14;
	s15 =	spop (v2sf)  }
0x55: {  	v2 =	vld [tilespmem:s8+$0x10];
	s4 =	smax.f32 s4, s15;
	s16 =	spop (v2sf)  }
0x56: {  	s4 =	smax.f32 s4, s16;
	s17 =	spop (v2sf)  }
0x57: {  	v3 =	vld [tilespmem:s8+$0xFFFFFFF0];
	s4 =	smax.f32 s4, s17;
	s18 =	spop (v2sf)  }
0x58: {  	s4 =	smax.f32 s4, s18  }
0x59: {  	v0 =	vmov s4  }
0x5a: {  	v4 =	vsub.f32 v2, v0  }
0x5b: {  	v5 =	vld [tilespmem:s8+$0xFFFFFFE0]  }
0x5c: {  	v6 =	vsub.f32 v3, v0;
	v4 =	vmul.f32 $1.442695020e+00, v4;
	_ =	sdelay $0x1  }
0x5d: {  	(erf) = vpow2.f32 v4;
	v4 =	vmul.f32 $1.442695020e+00, v6;
	v6 =	vld [tilespmem:s8+$0x0];
	_ =	sdelay $0x1  }
0x5e: {  	s20 =	simm.s32 $0x60;
	v7 =	vsub.f32 v5, v0  }
0x5f: {  	(erf) = vpow2.f32 v4;
	v4 =	vld [tilespmem:s20+$0x10]  }
0x60: {  	v7 =	vmul.f32 $1.442695020e+00, v7  }
0x61: {  	v1 =	vlaneseq.u32;
	v8 =	vsub.f32 v6, v0  }
0x62: {  	v1 =	vor.u32 $0x80000000, v1;
	s9 =	simm.s32 $0x30;
	(erf) = vpow2.f32 v7;
	v7 =	vld [tilespmem:s20+$0xFFFFFFF0]  }
0x63: {  	v9 =	vor.u32 s9, v1;
	vm0 =	veq.f32 v2, v0;
	v2 =	vmul.f32 $1.442695020e+00, v8  }
0x64: {  	v8 =	vnsel vm0, $0x80000800, v9;
	v9 =	vsub.f32 v4, v0  }
0x65: {  	s21 =	simm.s32 $0x20;
	v12 =	vld [tilespmem:s20+$0xFFFFFFE0];
	v10 =	vpop (erf);
	(erf) = vpow2.f32 v2  }
0x66: {  	v11 =	vor.u32 s21, v1;
	vm0 =	veq.f32 v6, v0;
	(xrf2) =	vadd.scan.msk.f32 $0xffff, v10  }
0x67: {  	s22 =	simm.s32 $0x10;
	(xrf0) =	vmin.scan.msk.u32 $0xffff, v8;
	v6 =	vnsel vm0, $0x80000800, v11;
	v8 =	vsub.f32 v7, v0;
	v2 =	vmul.f32 $1.442695020e+00, v9  }
0x68: {  	vm0 =	veq.f32 v3, v0;
	(xrf0) =	vmin.scan.msk.u32 $0xffff, v6;
	v6 =	vor.u32 s22, v1;
	v9 =	vpop (erf)  }
0x69: {  	v3 =	vnsel vm0, $0x80000800, v6;
	v6 =	vld [tilespmem:s20+$0x0];
	(erf) = vpow2.f32 v2;
	v2 =	vmul.f32 $1.442695020e+00, v8;
	(xrf2) =	vadd.scan.msk.f32 $0xffff, v9  }
0x6a: {  	s19 =	simm.s32 $0x0;
	v8 =	vsub.f32 v12, v0  }
0x6b: {  	vm0 =	veq.f32 v5, v0;
	(xrf0) =	vmin.scan.msk.u32 $0xffff, v3;
	v3 =	vor.u32 s19, v1;
	v9 =	vpop (erf)  }
0x6c: {  	s23 =	simm.s32 $0xA0;
	v3 =	vnsel vm0, $0x80000800, v3;
	(erf) = vpow2.f32 v2;
	(xrf2) =	vadd.scan.msk.f32 $0xffff, v9;
	v5 =	vmul.f32 $1.442695020e+00, v8  }
0x6d: {  	v9 =	vld [tilespmem:s23+$0x10];
	v2, _, _ =	vpop (xrf0)  }
0x6e: {  	(xrf0) =	vmin.scan.msk.u32 $0xffff, v3;
	v10 =	vsub.f32 v6, v0;
	v8 =	vpop (erf);
	(erf) = vpow2.f32 v5  }
0x6f: {  	s24 =	simm.s32 $0x70;
	v15 =	vld [tilespmem:s23+$0xFFFFFFE0];
	v3, _, _ =	vpop (xrf0)  }
0x70: {  	v13 =	vld [tilespmem:s23+$0xFFFFFFF0];
	vm0 =	veq.f32 v4, v0;
	v5 =	vor.u32 s24, v1;
	v11, _, _ =	vpop (xrf2);
	(xrf2) =	vadd.scan.msk.f32 $0xffff, v8;
	v8 =	vmul.f32 $1.442695020e+00, v10  }
0x71: {  	s25 =	simm.s32 $0x60;
	(v2sf) =	vpush v2, $0xF;
	v4, _, _ =	vpop (xrf0);
	v5 =	vnsel vm0, $0x80000800, v5  }
0x72: {  	vm0 =	veq.f32 v6, v0;
	v10 =	vsub.f32 v9, v0;
	v14 =	vpop (erf);
	(xrf0) =	vmin.scan.msk.u32 $0xffff, v5;
	v5 =	vor.u32 s25, v1  }
0x73: {  	(v2sf) =	vpush v3, $0xF;
	v3 =	vnsel vm0, $0x80000800, v5;
	v2, _, _ =	vpop (xrf2);
	(erf) = vpow2.f32 v8;
	(xrf2) =	vadd.scan.msk.f32 $0xffff, v14  }
0x74: {  	s26 =	simm.s32 $0x50;
	vm0 =	veq.f32 v7, v0;
	v7 =	vsub.f32 v15, v0;
	v6 =	vmul.f32 $1.442695020e+00, v10;
	v8, _, _ =	vpop (xrf0)  }
0x75: {  	v10 =	vor.u32 s26, v1;
	v5 =	vpop (erf);
	(xrf0) =	vmin.scan.msk.u32 $0xffff, v3;
	(v2sf) =	vpush v8, $0xF;
	v8 =	vsub.f32 v13, v0  }
0x76: {  	v3, _, _ =	vpop (xrf2);
	(erf) = vpow2.f32 v6;
	(xrf2) =	vadd.scan.msk.f32 $0xffff, v5;
	(v2sf) =	vpush v4, $0xF;
	v4 =	vnsel vm0, $0x80000800, v10  }
0x77: {  	s28 =	simm.s32 $0x40;
	s14 =	simm.s32 $0xE0;
	v6 =	vld [tilespmem:s23+$0x0];
	(v2sf) =	vpush v3, $0xF;
	v3 =	vmul.f32 $1.442695020e+00, v8;
	v5 =	vpop (erf);
	(xrf0) =	vmin.scan.msk.u32 $0xffff, v4  }
0x78: {  	v8 =	vor.u32 s28, v1;
	(xrf2) =	vadd.scan.msk.f32 $0xffff, v5;
	v5 =	vld [tilespmem:s14+$0x10]  }
0x79: {  	v10, _, _ =	vpop (xrf0);
	vm0 =	veq.f32 v12, v0;
	(erf) = vpow2.f32 v3;
	v3 =	vmul.f32 $1.442695020e+00, v7  }
0x7a: {  	s29 =	simm.s32 $0xB0;
	v4 =	vnsel vm0, $0x80000800, v8;
	(v2sf) =	vpush v2, $0xF;
	v7, _, _ =	vpop (xrf2)  }
0x7b: {  	v2 =	vor.u32 s29, v1;
	(xrf0) =	vmin.scan.msk.u32 $0xffff, v4;
	v8, _, _ =	vpop (xrf0)  }
0x7c: {  	vm0 =	veq.f32 v9, v0;
	v59 =	vsub.f32 v6, v0;
	v60 =	vpop (erf);
	(v2sf) =	vpush v7, $0xF  }
0x7d: {  	v4 =	vld [tilespmem:s14+$0xFFFFFFF0];
	(erf) = vpow2.f32 v3;
	(v2sf) =	vpush v11, $0xF;
	v3, _, _ =	vpop (xrf2);
	v11 =	vsub.f32 v5, v0  }
0x7e: {  	v2 =	vnsel vm0, $0x80000800, v2;
	(xrf2) =	vadd.scan.msk.f32 $0xffff, v60;
	v9, _, _ =	vpop (xrf0)  }
0x7f: {  	s30 =	simm.s32 $0xA0;
	vm0 =	veq.f32 v6, v0;
	v7 =	vmul.f32 $1.442695020e+00, v59;
	v16 =	vpop (erf);
	v6 =	vmul.f32 $1.442695020e+00, v11  }
0x80: {  	v61 =	vor.u32 s30, v1;
	(xrf0) =	vmin.scan.msk.u32 $0xffff, v2;
	(v2sf) =	vpush v10, $0xF;
	v62, _, _ =	vpop (xrf2)  }
0x81: {  	(erf) = vpow2.f32 v7;
	v2 =	vld [tilespmem:s14+$0xFFFFFFE0];
	v7 =	vnsel vm0, $0x80000800, v61;
	(xrf2) =	vadd.scan.msk.f32 $0xffff, v16;
	(v2sf) =	vpush v8, $0xF;
	v10, _, _ =	vpop (xrf0)  }
0x82: {  	s31 =	simm.s32 $0x90;
	s7 =	spop (v2sf);
	vm0 =	veq.f32 v13, v0;
	v8 =	vsub.f32 v4, v0;
	(v2sf) =	vpush v10, $0xF;
	v63 =	vpop (erf)  }
0x83: {  	s9 =	spop (v2sf);
	(xrf0) =	vmin.scan.msk.u32 $0xffff, v7;
	v11 =	vor.u32 s31, v1;
	(erf) = vpow2.f32 v6;
	(v2sf) =	vpush v9, $0xF;
	v6, _, _ =	vpop (xrf2)  }
0x84: {  	s6 =	simm.f32 $0.0e+00;
	s12 =	simm.s32 $0x80;
	v7 =	vnsel vm0, $0x80000800, v11;
	(xrf2) =	vadd.scan.msk.f32 $0xffff, v63;
	s13 =	spop (v2sf);
	(v2sf) =	vpush v6, $0xF  }
0x85: {  	s5 =	simm.s32 $0x800;
	v10 =	vmul.f32 $1.442695020e+00, v8;
	v8 =	vor.u32 s12, v1;
	(xrf0) =	vmin.scan.msk.u32 $0xffff, v7;
	v7 =	vld [tilespmem:s14+$0x0];
	s12 =	sxor.u32 $0x80000000, s13;
	s13 =	spop (v2sf);
	(v2sf) =	vpush v62, $0xF  }
0x86: {  	s10 =	simm.s32 $0xC;
	s11 =	simm.s32 $0x120;
	s15 =	simm.s32 $0xF0;
	v9 =	vsub.f32 v2, v0;
	v11 =	vpop (erf)  }
0x87: {  	s8 =	simm.s32 $0xC0;
	vm0 =	veq.f32 v15, v0;
	v6, _, _ =	vpop (xrf0);
	(erf) = vpow2.f32 v10;
	(xrf2) =	vadd.scan.msk.f32 $0xffff, v11;
	p0 =	sgt.s32 s12, $0x800;
	s14 =	spop (v2sf)  }
.LBB2_4:
0x88: {  	v10 =	vld [tilespmem:s11+$0x10];
	v9 =	vmul.f32 $1.442695020e+00, v9;
	v13 =	vnsel vm0, $0x80000800, v8;
	v11, _, _ =	vpop (xrf2);
	s6 =	sadd.f32 s14, s6;
	s12 =	smov.u32 @p0 s5;
	s5 =	sxor.u32 $0x80000000, s13  }
0x89: {  	v12 =	vor.u32 s15, v1;
	s13 =	smov.u32 s8;
	(xrf0) =	vmin.scan.msk.u32 $0xffff, v13;
	v8, _, _ =	vpop (xrf0);
	(v2sf) =	vpush v11, $0xF;
	p0 =	slt.s32 s12, s5;
	s14 =	spop (v2sf)  }
0x8a: {  	vm0 =	veq.f32 v5, v0;
	s9 =	sxor.u32 $0x80000000, s9;
	v11 =	vsub.f32 v7, v0;
	(erf) = vpow2.f32 v9;
	v5 =	vpop (erf);
	s6 =	sadd.f32 s14, s6;
	s5 =	smov.u32 @p0 s12  }
0x8b: {  	v12 =	vnsel vm0, $0x80000800, v12;
	s12 =	sadd.s32 $0x20, s8;
	v13 =	vld [tilespmem:s11+$0xFFFFFFF0];
	(xrf2) =	vadd.scan.msk.f32 $0xffff, v5;
	(v2sf) =	vpush v3, $0xF;
	v3, _, _ =	vpop (xrf2);
	p0 =	slt.s32 s5, s9;
	s14 =	spop (v2sf)  }
0x8c: {  	v16 =	vmul.f32 $1.442695020e+00, v11;
	(xrf0) =	vmin.scan.msk.u32 $0xffff, v12;
	v9, _, _ =	vpop (xrf0);
	s6 =	sadd.f32 s14, s6;
	s9 =	smov.u32 @p0 s5;
	s5 =	sxor.u32 $0x80000000, s7  }
0x8d: {  	s10 =	sadd.s32 $0x4, s10;
	v14 =	vor.u32 s12, v1;
	v17 =	vsub.f32 v10, v0;
	v15 =	vpop (erf);
	p0 =	slt.s32 s9, s5;
	s7 =	spop (v2sf);
	v5 =	vmov v10  }
0x8e: {  	p1 =	slt.u32 s10, $0x7C;
	vm0 =	veq.f32 v7, v0;
	v10 =	vld [tilespmem:s11+$0xFFFFFFE0];
	(erf) = vpow2.f32 v16;
	(xrf2) =	vadd.scan.msk.f32 $0xffff, v15;
	v11, _, _ =	vpop (xrf2);
	(v2sf) =	vpush v6, $0xF;
	s6 =	sadd.f32 s7, s6;
	s5 =	smov.u32 @p0 s9  }
0x8f: {  	v7 =	vnsel vm0, $0x80000800, v14;
	s7 =	sadd.s32 $0x10, s8;
	v16 =	vmul.f32 $1.442695020e+00, v17;
	v12, _, _ =	vpop (xrf0);
	(v2sf) =	vpush v8, $0xF  }
.Ltmp2:
0x90: {  	v14 =	vor.u32 s7, v1;
	v8 =	vsub.f32 v13, v0;
	v15 =	vpop (erf);
	(xrf0) =	vmin.scan.msk.u32 $0xffff, v7;
	(v2sf) =	vpush v12, $0xF;
	s7 =	spop (v2sf);
	(pc) =	sbr.rel @p1 .LBB2_4-.Ltmp2, $4  }
0x91: {  	vm0 =	veq.f32 v4, v0;
	(erf) = vpow2.f32 v16;
	(xrf2) =	vadd.scan.msk.f32 $0xffff, v15;
	v4, _, _ =	vpop (xrf2);
	(v2sf) =	vpush v9, $0xF;
	s9 =	spop (v2sf)  }
0x92: {  	s8 =	sadd.s32 $0x40, s8;
	v14 =	vnsel vm0, $0x80000800, v14;
	v12 =	vmul.f32 $1.442695020e+00, v8;
	v7 =	vld [tilespmem:s11+$0x0];
	v6, _, _ =	vpop (xrf0);
	(v2sf) =	vpush v4, $0xF;
	s12 =	spop (v2sf)  }
0x93: {  	s11 =	sadd.s32 $0x40, s11;
	v8 =	vor.u32 s13, v1;
	v4 =	vmov v13;
	v9 =	vsub.f32 v10, v0;
	v15 =	vpop (erf);
	(xrf0) =	vmin.scan.msk.u32 $0xffff, v14;
	s12 =	sxor.u32 $0x80000000, s12;
	s13 =	spop (v2sf)  }
0x94: {  	s15 =	sadd.s32 $0x30, s8;
	vm0 =	veq.f32 v2, v0;
	v2 =	vmovc v10;
	(erf) = vpow2.f32 v12;
	(xrf2) =	vadd.scan.msk.f32 $0xffff, v15;
	(v2sf) =	vpush v11, $0xF;
	p0 =	slt.s32 s5, s12;
	s14 =	spop (v2sf)  }
0x95: {  	v9 =	vmul.f32 $1.442695020e+00, v9;
	_ =	sdelay $0x1  }
0x96: {  	v10 =	vsub.f32 v7, v0;
	(erf) = vpow2.f32 v9  }
0x97: {  	v59, _, _ =	vpop (xrf2)  }
0x98: {  	v8 =	vnsel vm0, $0x80000800, v8;
	v11, _, _ =	vpop (xrf0);
	v10 =	vmul.f32 $1.442695020e+00, v10  }
0x99: {  	v60 =	vor.u32 s15, v1;
	vm0 =	veq.f32 v5, v0;
	(xrf0) =	vmin.scan.msk.u32 $0xffff, v8;
	v5 =	vpop (erf)  }
0x9a: {  	v8 =	vnsel vm0, $0x80000800, v60;
	(xrf2) =	vadd.scan.msk.f32 $0xffff, v5;
	v5, _, _ =	vpop (xrf2);
	(erf) = vpow2.f32 v10  }
0x9b: {  	s10 =	sadd.s32 $0x20, s8;
	(xrf0) =	vmin.scan.msk.u32 $0xffff, v8;
	v61 =	vpop (erf)  }
0x9c: {  	(v2sf) =	vpush v59, $0xF;
	v63 =	vor.u32 s10, v1;
	vm0 =	veq.f32 v7, v0;
	v62, _, _ =	vpop (xrf0);
	(xrf2) =	vadd.scan.msk.f32 $0xffff, v61  }
0x9d: {  	(v2sf) =	vpush v3, $0xF;
	v7 =	vnsel vm0, $0x80000800, v63;
	v3, _, _ =	vpop (xrf2)  }
0x9e: {  	s17 =	sadd.s32 $0x10, s8;
	(v2sf) =	vpush v6, $0xF;
	(xrf0) =	vmin.scan.msk.u32 $0xffff, v7;
	v6 =	vpop (erf)  }
0x9f: {  	vm0 =	veq.f32 v4, v0;
	(v2sf) =	vpush v11, $0xF;
	v7 =	vor.u32 s17, v1;
	(xrf2) =	vadd.scan.msk.f32 $0xffff, v6;
	v4 =	vpop (erf)  }
0xa0: {  	v1 =	vor.u32 s8, v1;
	v7 =	vnsel vm0, $0x80000800, v7;
	vm0 =	veq.f32 v2, v0;
	v6, _, _ =	vpop (xrf0);
	(xrf2) =	vadd.scan.msk.f32 $0xffff, v4  }
0xa1: {  	v1 =	vnsel vm0, $0x80000800, v1;
	v0, _, _ =	vpop (xrf2);
	(xrf0) =	vmin.scan.msk.u32 $0xffff, v7;
	(v2sf) =	vpush v6, $0xF  }
0xa2: {  	v2, _, _ =	vpop (xrf0);
	(xrf0) =	vmin.scan.msk.u32 $0xffff, v1;
	(v2sf) =	vpush v62, $0xF  }
0xa3: {  	s6 =	sadd.f32 s14, s6;
	s18 =	spop (v2sf);
	(v2sf) =	vpush v0, $0xF;
	v0 =	vpop (erf)  }
0xa4: {  	s19 =	spop (v2sf);
	(v2sf) =	vpush v3, $0xF;
	v1, _, _ =	vpop (xrf2);
	(xrf2) =	vadd.scan.msk.f32 $0xffff, v0  }
0xa5: {  	s6 =	sadd.f32 s18, s6;
	s20 =	spop (v2sf);
	(v2sf) =	vpush v1, $0xF;
	v0, _, _ =	vpop (xrf0)  }
0xa6: {  	s12 =	smov.u32 @p0 s5;
	s5 =	sxor.u32 $0x80000000, s13;
	s11 =	spop (v2sf);
	(v2sf) =	vpush v5, $0xF;
	v1, _, _ =	vpop (xrf2)  }
0xa7: {  	p0 =	slt.s32 s12, s5;
	s6 =	sadd.f32 s19, s6;
	s21 =	spop (v2sf);
	(v2sf) =	vpush v2, $0xF;
	v3, _, _ =	vpop (xrf0)  }
0xa8: {  	s9 =	sxor.u32 $0x80000000, s9;
	s5 =	smov.u32 @p0 s12;
	s22 =	spop (v2sf);
	(v2sf) =	vpush v0, $0xF;
	v2, _, _ =	vpop (xrf0)  }
0xa9: {  	p0 =	slt.s32 s5, s9;
	s6 =	sadd.f32 s20, s6;
	s23 =	spop (v2sf);
	v0, _, _ =	vpop (xrf2);
	(v2sf) =	vpush v2, $0xF  }
0xaa: {  	s9 =	smov.u32 @p0 s5;
	s5 =	sxor.u32 $0x80000000, s7;
	s24 =	spop (v2sf);
	(v2sf) =	vpush v3, $0xF;
	v2, _, _ =	vpop (xrf2)  }
0xab: {  	p0 =	slt.s32 s9, s5;
	s6 =	sadd.f32 s24, s6;
	s25 =	spop (v2sf);
	(v2sf) =	vpush v2, $0xF  }
0xac: {  	s5 =	smov.u32 @p0 s9;
	s9 =	sxor.u32 $0x80000000, s22;
	s26 =	spop (v2sf)  }
0xad: {  	p0 =	slt.s32 s5, s9;
	s6 =	sadd.f32 s25, s6;
	s28 =	spop (v2sf);
	(v2sf) =	vpush v0, $0xF  }
0xae: {  	s9 =	smov.u32 @p0 s5;
	s5 =	sxor.u32 $0x80000000, s23;
	s29 =	spop (v2sf);
	v0, _, _ =	vpop (xrf2)  }
0xaf: {  	p0 =	slt.s32 s9, s5;
	s6 =	sadd.f32 s26, s6;
	s30 =	spop (v2sf);
	(v2sf) =	vpush v0, $0xF  }
0xb0: {  	s5 =	smov.u32 @p0 s9;
	s9 =	sxor.u32 $0x80000000, s21;
	s31 =	spop (v2sf)  }
0xb1: {  	p0 =	slt.s32 s5, s9;
	s6 =	sadd.f32 s28, s6;
	s14 =	spop (v2sf);
	(v2sf) =	vpush v1, $0xF  }
0xb2: {  	s9 =	smov.u32 @p0 s5;
	s5 =	sxor.u32 $0x80000000, s11;
	s15 =	spop (v2sf)  }
0xb3: {  	p0 =	slt.s32 s9, s5;
	s6 =	sadd.f32 s15, s6;
	s16 =	spop (v2sf)  }
0xb4: {  	s5 =	smov.u32 @p0 s9;
	s9 =	sxor.u32 $0x80000000, s31;
	s17 =	spop (v2sf)  }
0xb5: {  	p0 =	slt.s32 s5, s9;
	s6 =	sadd.f32 s16, s6;
	s18 =	spop (v2sf)  }
0xb6: {  	s9 =	smov.u32 @p0 s5;
	s5 =	sxor.u32 $0x80000000, s14;
	s19 =	spop (v2sf)  }
0xb7: {  	p0 =	slt.s32 s9, s5;
	s6 =	sadd.f32 s17, s6;
	s20 =	spop (v2sf)  }
0xb8: {  	s8 =	sxor.u32 $0x80000000, s30;
	s5 =	smov.u32 @p0 s9;
	s21 =	spop (v2sf)  }
0xb9: {  	p0 =	slt.s32 s5, s8;
	s6 =	sadd.f32 s18, s6;
	s22 =	spop (v2sf)  }
0xba: {  	s8 =	smov.u32 @p0 s5;
	s5 =	sxor.u32 $0x80000000, s29;
	s23 =	spop (v2sf)  }
0xbb: {  	p0 =	slt.s32 s8, s5;
	s6 =	sadd.f32 s23, s6  }
0xbc: {  	s5 =	smov.u32 @p0 s8;
	s8 =	sxor.u32 $0x80000000, s21;
	s24 =	spop (v2sf)  }
0xbd: {  	p0 =	slt.s32 s5, s8;
	s6 =	sadd.f32 s24, s6  }
0xbe: {  	s8 =	smov.u32 @p0 s5;
	s5 =	sxor.u32 $0x80000000, s22;
	s25 =	spop (v2sf)  }
0xbf: {  	p0 =	slt.s32 s8, s5;
	s6 =	sadd.f32 s25, s6  }
0xc0: {  	s5 =	smov.u32 @p0 s8;
	s8 =	sxor.u32 $0x80000000, s20;
	s26 =	spop (v2sf)  }
0xc1: {  	p0 =	slt.s32 s5, s8;
	s6 =	sadd.f32 s26, s6  }
0xc2: {  	s8 =	smov.u32 @p0 s5;
	s5 =	sxor.u32 $0x80000000, s19  }
0xc3: {  	p0 =	slt.s32 s8, s5;
	p1 =	slt.f32 s6, $2.000000000e+00  }
0xc4: {  	s5 =	smov.u32 @p0 s8;
	p0 =	sgt.f32 s4, $0.0e+00  }
0xc5: {  	s5 =	simm.s32 @!p1 $0x800  }
0xc6: {  	s28 =	simm.s32 $0x0;
	v2 =	vlaneseq.u32;
	s5 =	simm.s32 @!p0 $0x800  }
0xc7: {  	v3 =	vor.u32 s28, v2;
	v0 =	vmov s5  }
0xc8: {  	v1 =	vimm.s32 $0x0;
	s29 =	simm.s32 $0x10;
	vm0 =	vgt.s32 v3, v0  }
0xc9: {  	s4 =	simm.s32 $0x820;
	v4 =	vsel vm0, $0x1, v1;
	vm0 =	veq.s32 v3, v0;
	v3 =	vor.u32 s29, v2  }
0xca: {  	s30 =	simm.s32 $0x20;
	s5 =	simm.s32 $0x1020;
	[tilespmem:s4+$0xFFFFFFE0] =	vst v4;
	v4 =	vsel vm0, $0x1, v1;
	vm0 =	vgt.s32 v3, v0  }
0xcb: {  	[tilespmem:s5+$0xFFFFFFE0] =	vst v4;
	v4 =	vsel vm0, $0x1, v1;
	vm0 =	veq.s32 v3, v0;
	v3 =	vor.u32 s30, v2  }
0xcc: {  	s31 =	simm.s32 $0x30;
	[tilespmem:s4+$0xFFFFFFF0] =	vst v4;
	v4 =	vsel vm0, $0x1, v1;
	vm0 =	vgt.s32 v3, v0  }
0xcd: {  	[tilespmem:s5+$0xFFFFFFF0] =	vst v4;
	v4 =	vsel vm0, $0x1, v1;
	vm0 =	veq.s32 v3, v0;
	v3 =	vor.u32 s31, v2  }
0xce: {  	s7 =	simm.s32 $0x40;
	s6 =	simm.s32 $0x0;
	[tilespmem:s4+$0x0] =	vst v4;
	v4 =	vsel vm0, $0x1, v1;
	vm0 =	vgt.s32 v3, v0  }
.LBB2_6:
0xcf: {  	v5 =	vor.u32 s7, v2;
	[tilespmem:s5+$0x0] =	vst v4;
	v4 =	vsel vm0, $0x1, v1;
	vm0 =	veq.s32 v3, v0  }
0xd0: {  	s8 =	sadd.s32 $0x10, s7;
	s6 =	sadd.s32 $0x4, s6;
	vm1 =	vgt.s32 v5, v0;
	[tilespmem:s4+$0x10] =	vst v4;
	v3 =	vsel vm0, $0x1, v1  }
0xd1: {  	vm0 =	veq.s32 v5, v0;
	v5 =	vor.u32 s8, v2;
	s4 =	sadd.s32 $0x40, s4;
	p0 =	slt.u32 s6, $0x7C;
	v4 =	vsel vm1, $0x1, v1;
	[tilespmem:s5+$0x10] =	vst v3  }
.Ltmp3:
0xd2: {  	s8 =	sadd.s32 $0x20, s7;
	v3 =	vsel vm0, $0x1, v1;
	vm0 =	vgt.s32 v5, v0;
	s5 =	sadd.s32 $0x40, s5;
	[tilespmem:s4+$0xFFFFFFE0] =	vst v4;
	(pc) =	sbr.rel @p0 .LBB2_6-.Ltmp3, $4  }
0xd3: {  	v4 =	vor.u32 s8, v2;
	[tilespmem:s5+$0xFFFFFFE0] =	vst v3;
	v3 =	vsel vm0, $0x1, v1;
	vm0 =	veq.s32 v5, v0  }
0xd4: {  	s8 =	sadd.s32 $0x30, s7;
	[tilespmem:s4+$0xFFFFFFF0] =	vst v3;
	v3 =	vsel vm0, $0x1, v1;
	vm0 =	vgt.s32 v4, v0  }
0xd5: {  	[tilespmem:s5+$0xFFFFFFF0] =	vst v3;
	v5 =	vsel vm0, $0x1, v1;
	vm0 =	veq.s32 v4, v0;
	v3 =	vor.u32 s8, v2  }
0xd6: {  	s7 =	sadd.s32 $0x40, s7;
	[tilespmem:s4+$0x0] =	vst v5;
	v4 =	vsel vm0, $0x1, v1;
	vm0 =	vgt.s32 v3, v0  }
0xd7: {  	[tilespmem:s5+$0x0] =	vst v4;
	v2 =	vsel vm0, $0x1, v1;
	vm15 =	veq.s32 v3, v0  }
0xd8: {  	s28 =	simm.s32 $0x80;
	[tilespmem:s4+$0x10] =	vst v2;
	v0 =	vsel vm15, $0x1, v1  }
0xd9: {  	s29 =	simm.s32 $0x400;
	s6 =	simm.s32 $0x800;
	s30 =	simm.s32 $0x1;
	[tilespmem:s5+$0x10] =	vst v0  }
0xda: {  	[hbm4b:s3+s28] =	stream.strided.scatter [tilespmem:s6], [sflag:$0x1], $0x800, s29, s28, $0x38;
	[tilespmem:$0x1800] =	vst v63  }
0xdb: {  	_ =	swait.ge [sflag:s30], $0x800  }
0xdc: {  	[sflag:s30] =	ssyncset.done $0x0  }
0xdd: {  	s31 =	simm.s32 $0x1000;
	[sflag:s30] =	ssyncadd.s32 $0xFFFFF800  }
0xde: {  	[hbm4b:s2+s28] =	stream.strided.scatter [tilespmem:s31], [sflag:$0x1], $0x800, s29, s28, $0x38;
	[tilespmem:$0x1800] =	vst v63  }
0xdf: {  	_ =	swait.ge [sflag:s30], $0x800  }
0xe0: {  	[sflag:s30] =	ssyncset.done $0x0  }
0xe1: {  	[sflag:s30] =	ssyncadd.s32 $0xFFFFF800  }
.LBB2_8:
0xe2: {  	_ =	sfence.sel $0x180000  }
0xe3: {  	[bflag:$0x0] =	sbarrier.arrive $0xFFFF  }
0xe4: {  	p0 =	sne.s32 s1, $0x0;
	_ =	strace $0x90000047  }
0xe5: {  	s0 =	sadd.s32 @!p0 $0x100000, s0;
	[bflag:$0x2] =	sbarrier.arrive $0xFFFF  }
0xe6: {  	[sflag:s0] =	ssyncadd.tile.s32 @!p0 $0x1;
	_ =	shalt  }
.Lfunc_end2:
_tile_overlayer_lowered:
.L_overlay_start_2:
0xe7: {  	(tag) =	ssettag $0x2  }
0xe8: {  	s0 =	rddreg [dreg:$0x0];
	s2 =	stileid.u32  }
0xe9: {  	s1 =	rddreg [dreg:$0x1];
	p0 =	sne.s32 s2, $0x0  }
0xea: {  	s3 =	rddreg [dreg:$0x2];
	[bflag:$0x3] =	sbarrier.arrive $0xFFFF;
	s2 =	simm.s32 @!p0 $0x1C01  }
0xeb: {  	[timem:s3], [sflag:s2] =	dma.local @!p0 [hbm:s0], s1  }
0xec: {  	s0 =	simm.s32 @!p0 $0x1  }
0xed: {  	_ =	swait.ge @!p0 [sflag:s0], s1  }
0xee: {  	s1 =	ssub.s32 @!p0 $0x0, s1;
	[sflag:s0] =	ssyncset.done @!p0 $0x0  }
0xef: {  	[sflag:s0] =	ssyncadd.s32 @!p0 s1  }
0xf0: {  	[bflag:$0x3] =	sbarrier.arrive $0xFFFF  }
0xf1: {  	_ =	shalt  }

</sc_bundles>
